<compile_context>
chip_gen: v7x
topology: tpu7x:2x2x1
jax: 0.10.2.dev20260603
libtpu: 0.0.44.dev20260713+nightly
codegen_flags: <defaults>
</compile_context>

<pallas_src>
import functools

import jax
import jax.numpy as jnp
from jax import lax
from jax.experimental import pallas as pl
from jax.experimental.pallas import tpu as pltpu
from jax.experimental.pallas import tpu_sc as plsc

N = 10000
E = 320000
D = 128
C0 = 160
EPS = 1e-5

N_PAD = 10240
NW = 32
CHUNK = 128
CH = 80
E_PAD = NW * CH * CHUNK
CHP = 88
ROWS_PER_TILE = N_PAD // 16


def _make_sc_agg(width):
    mesh = plsc.VectorSubcoreMesh(core_axis_name="c", subcore_axis_name="s")

    @functools.partial(
        pl.kernel,
        out_type=jax.ShapeDtypeStruct((2 * N_PAD, width), jnp.bfloat16),
        mesh=mesh,
        scratch_types=[
            pltpu.VMEM((CHP, CHUNK), jnp.int32),
            pltpu.VMEM((CH, CHUNK), jnp.int32),
            pltpu.VMEM((2, CHUNK, width), jnp.bfloat16),
            pltpu.VMEM((128, width), jnp.bfloat16),
            pltpu.VMEM_SHARED((N_PAD, width), jnp.bfloat16),
            pltpu.SemaphoreType.DMA,
            pltpu.SemaphoreType.DMA,
        ],
        compiler_params=pltpu.CompilerParams(use_tc_tiling_on_sc=False),
    )
    def agg(table_hbm, src_hbm, dst_hbm, out_hbm,
            src_v, dst_v, rows_v, stage_v, acc_sh, sem0, sem1):
        cid = lax.axis_index("c")
        sid = lax.axis_index("s")
        w = cid * 16 + sid

        pltpu.sync_copy(src_hbm.at[pl.ds(w * CHP, CHP)], src_v)
        pltpu.sync_copy(dst_hbm.at[pl.ds(w * CH, CH)], dst_v)

        zv = jnp.zeros((32,), jnp.bfloat16)

        def zrow(i, carry):
            for j in range(width // 32):
                stage_v[i, pl.ds(j * 32, 32)] = zv
            return carry

        lax.fori_loop(0, 128, zrow, 0)
        for k in range(ROWS_PER_TILE // 128):
            pltpu.sync_copy(
                stage_v, acc_sh.at[pl.ds(sid * ROWS_PER_TILE + k * 128, 128)])
        plsc.subcore_barrier()

        sems = (sem0, sem1)
        pltpu.async_copy(table_hbm.at[src_v.at[0]], rows_v.at[0], sem0)
        pltpu.async_copy(table_hbm.at[src_v.at[1]], rows_v.at[1], sem1)

        def body(jh, carry):
            for b in range(2):
                jj = jh * 2 + b
                pltpu.make_async_copy(
                    table_hbm.at[src_v.at[jj]], rows_v.at[b], sems[b]).wait()
                pltpu.sync_copy(rows_v.at[b], acc_sh.at[dst_v.at[jj]], add=True)
                pltpu.async_copy(
                    table_hbm.at[src_v.at[jj + 2]], rows_v.at[b], sems[b])
            return carry

        lax.fori_loop(0, CH // 2, body, 0)
        pltpu.make_async_copy(
            table_hbm.at[src_v.at[CH]], rows_v.at[0], sem0).wait()
        pltpu.make_async_copy(
            table_hbm.at[src_v.at[CH + 1]], rows_v.at[1], sem1).wait()
        plsc.subcore_barrier()

        for k in range(ROWS_PER_TILE // 128):
            r0 = sid * ROWS_PER_TILE + k * 128
            pltpu.sync_copy(acc_sh.at[pl.ds(r0, 128)], stage_v)
            pltpu.sync_copy(stage_v, out_hbm.at[pl.ds(cid * N_PAD + r0, 128)])

    return agg


_agg0 = _make_sc_agg(C0)
_agg = _make_sc_agg(D)


_DOT = functools.partial(
    jnp.dot, preferred_element_type=jnp.float32, precision=lax.Precision.DEFAULT)

BLK = 1024
GRID = N_PAD // BLK


def _accum_stats(z, z_ref, s1_ref, s2_ref):
    z_ref[...] = z

    @pl.when(pl.program_id(0) == 0)
    def _():
        s1_ref[...] = jnp.zeros_like(s1_ref)
        s2_ref[...] = jnp.zeros_like(s2_ref)

    row = (pl.program_id(0) * BLK
           + lax.broadcasted_iota(jnp.int32, (BLK, 1), 0))
    zm = jnp.where(row < N, z, 0.0)
    s1_ref[...] += jnp.sum(zm, axis=0, keepdims=True)
    s2_ref[...] += jnp.sum(zm * zm, axis=0, keepdims=True)


def _stats0_body(x_ref, a0_ref, a1_ref, ws_ref, wn_ref, b_ref,
                 z_ref, s1_ref, s2_ref, rdeg_ref):
    a0 = a0_ref[...].astype(jnp.float32)
    a1 = a1_ref[...].astype(jnp.float32)
    deg = jnp.sum(a0[:, D:C0] + a1[:, D:C0], axis=1, keepdims=True)
    rdeg = 1.0 / jnp.maximum(deg, 1.0)
    rdeg_ref[...] = rdeg
    hn = (a0[:, 0:D] + a1[:, 0:D]) * rdeg
    z = (_DOT(x_ref[...], ws_ref[...]) + _DOT(hn, wn_ref[...]) + b_ref[...])
    _accum_stats(z, z_ref, s1_ref, s2_ref)


def _stats_mid_body(h_ref, rdeg_ref, a0_ref, a1_ref, ws_ref, wn_ref, b_ref,
                    z_ref, s1_ref, s2_ref):
    rdeg = rdeg_ref[...]
    hn = (a0_ref[...].astype(jnp.float32)
          + a1_ref[...].astype(jnp.float32)) * rdeg
    z = (_DOT(h_ref[...], ws_ref[...]) + _DOT(hn, wn_ref[...]) + b_ref[...])
    _accum_stats(z, z_ref, s1_ref, s2_ref)


def _apply_body(z_ref, s1_ref, s2_ref, g_ref, be_ref, out_ref, tab_ref):
    m = s1_ref[...] * (1.0 / N)
    v = s2_ref[...] * (1.0 / N) - m * m
    scale = g_ref[...] * lax.rsqrt(v + EPS)
    h = jnp.maximum(scale * (z_ref[...] - m) + be_ref[...], 0.0)
    out_ref[...] = h
    tab_ref[...] = h.astype(jnp.bfloat16)


def _last_body(h_ref, rdeg_ref, a0_ref, a1_ref, ws_ref, wn_ref, b_ref,
               out_ref):
    rdeg = rdeg_ref[...]
    hn = (a0_ref[...].astype(jnp.float32)
          + a1_ref[...].astype(jnp.float32)) * rdeg
    out_ref[...] = (_DOT(h_ref[...], ws_ref[...]) + _DOT(hn, wn_ref[...])
                    + b_ref[...])


def _blk(i):
    return (i, 0)


def _blk1(i):
    return (i + GRID, 0)


def _fix(i):
    return (0, 0)


_ROWBLK = pl.BlockSpec((BLK, D), _blk)
_RDEGBLK = pl.BlockSpec((BLK, 1), _blk)
_W_SPEC = pl.BlockSpec((D, D), _fix)
_ROW1 = pl.BlockSpec((1, D), _fix)
_S_SPEC = pl.BlockSpec((1, D), _fix)
_AGG0_A = pl.BlockSpec((BLK, C0), _blk)
_AGG0_B = pl.BlockSpec((BLK, C0), _blk1)
_AGG_A = pl.BlockSpec((BLK, D), _blk)
_AGG_B = pl.BlockSpec((BLK, D), _blk1)

_Z_OUT = jax.ShapeDtypeStruct((N_PAD, D), jnp.float32)
_S_OUT = jax.ShapeDtypeStruct((1, D), jnp.float32)
_RDEG_OUT = jax.ShapeDtypeStruct((N_PAD, 1), jnp.float32)
_H_OUT = jax.ShapeDtypeStruct((N_PAD, D), jnp.float32)
_TAB_OUT = jax.ShapeDtypeStruct((N_PAD, D), jnp.bfloat16)
_FINAL_OUT = jax.ShapeDtypeStruct((N, D), jnp.float32)

_stats0 = pl.pallas_call(
    _stats0_body,
    grid=(GRID,),
    in_specs=[_ROWBLK, _AGG0_A, _AGG0_B, _W_SPEC, _W_SPEC, _ROW1],
    out_specs=(_ROWBLK, _S_SPEC, _S_SPEC, _RDEGBLK),
    out_shape=(_Z_OUT, _S_OUT, _S_OUT, _RDEG_OUT))

_stats_mid = pl.pallas_call(
    _stats_mid_body,
    grid=(GRID,),
    in_specs=[_ROWBLK, _RDEGBLK, _AGG_A, _AGG_B, _W_SPEC, _W_SPEC, _ROW1],
    out_specs=(_ROWBLK, _S_SPEC, _S_SPEC),
    out_shape=(_Z_OUT, _S_OUT, _S_OUT))

_apply = pl.pallas_call(
    _apply_body,
    grid=(GRID,),
    in_specs=[_ROWBLK, _S_SPEC, _S_SPEC, _ROW1, _ROW1],
    out_specs=(_ROWBLK, _ROWBLK),
    out_shape=(_H_OUT, _TAB_OUT))

_last = pl.pallas_call(
    _last_body,
    grid=(GRID,),
    in_specs=[_ROWBLK, _RDEGBLK, _AGG_A, _AGG_B, _W_SPEC, _W_SPEC, _ROW1],
    out_specs=_ROWBLK,
    out_shape=_FINAL_OUT)


def kernel(x, edge_index, W_self_0, W_neigh_0, b_0, W_self_1, W_neigh_1, b_1,
           W_self_2, W_neigh_2, b_2, gamma_0, beta_0, gamma_1, beta_1):
    src = edge_index[0]
    dst = edge_index[1]

    pad = E_PAD - E
    ar = jnp.arange(pad, dtype=jnp.int32)
    src_p = jnp.concatenate([src, ar & 8191]).reshape(NW, CH, CHUNK)
    dst_p = jnp.concatenate([dst, N + (ar & 127)])
    extra = jnp.arange(NW * (CHP - CH) * CHUNK, dtype=jnp.int32) & 8191
    src_full = jnp.concatenate(
        [src_p, extra.reshape(NW, CHP - CH, CHUNK)], axis=1).reshape(
            NW * CHP, CHUNK)
    dst_full = dst_p.reshape(NW * CH, CHUNK)

    x0 = jnp.pad(jnp.concatenate(
        [x.astype(jnp.bfloat16),
         jnp.ones((N, 1), jnp.bfloat16),
         jnp.zeros((N, C0 - D - 1), jnp.bfloat16)], axis=1),
        ((0, N_PAD - N), (0, 0)))

    b0 = b_0.reshape(1, D)
    b1 = b_1.reshape(1, D)
    b2 = b_2.reshape(1, D)
    g0 = gamma_0.reshape(1, D)
    g1 = gamma_1.reshape(1, D)
    be0 = beta_0.reshape(1, D)
    be1 = beta_1.reshape(1, D)

    agg0 = _agg0(x0, src_full, dst_full)
    z0, s1_0, s2_0, rdeg = _stats0(x, agg0, agg0, W_self_0, W_neigh_0, b0)
    h1, t1 = _apply(z0, s1_0, s2_0, g0, be0)
    agg1 = _agg(t1, src_full, dst_full)
    z1, s1_1, s2_1 = _stats_mid(h1, rdeg, agg1, agg1, W_self_1, W_neigh_1, b1)
    h2, t2 = _apply(z1, s1_1, s2_1, g1, be1)
    agg2 = _agg(t2, src_full, dst_full)
    return _last(h2, rdeg, agg2, agg2, W_self_2, W_neigh_2, b2)

# --- scband reference (transcript-rebuilt; emitter-appended) ---
"""Pipeline reference for scband-dgiconv-19181323944509 (READ-ONLY COPY).

The authoritative reference and input builder live on the scoring server;
editing this copy changes nothing except your own understanding.
"""

import jax, jax.numpy as jnp
import numpy as np

N = 10000
E = 320000
D_IN = 128
D_H = 128
EPS = 1e-5


def setup_inputs(seed: int = 0) -> dict:
    key = jax.random.key(seed)
    ks = jax.random.split(key, 20)
    inp = {}
    inp["x"] = jax.random.normal(ks[0], (N, D_IN), dtype=jnp.float32)
    inp["edge_index"] = jax.random.randint(ks[1], (2, E), 0, N, dtype=jnp.int32)
    dims = [(D_IN, D_H), (D_H, D_H), (D_H, D_H)]
    for l, (di, do) in enumerate(dims):
        s = 1.0 / np.sqrt(di)
        inp[f"W_self_{l}"] = jax.random.uniform(ks[2 + 3 * l], (di, do), jnp.float32, -s, s)
        inp[f"W_neigh_{l}"] = jax.random.uniform(ks[3 + 3 * l], (di, do), jnp.float32, -s, s)
        inp[f"b_{l}"] = jnp.zeros((do,), jnp.float32)
    for l in range(2):
        inp[f"gamma_{l}"] = jnp.ones((D_H,), jnp.float32)
        inp[f"beta_{l}"] = jnp.zeros((D_H,), jnp.float32)
    return inp


def _sage(h, src, dst, W_neigh, W_self, b):
    # DGL SAGEConv with 'mean' aggregator: fc_self(h) + fc_neigh(mean_{src->dst} h[src])
    msgs = jnp.take(h, src, axis=0)
    agg = jax.ops.segment_sum(msgs, dst, num_segments=N)
    deg = jax.ops.segment_sum(jnp.ones((src.shape[0],), jnp.float32), dst, num_segments=N)
    h_n = agg / jnp.clip(deg, 1.0)[:, None]
    return h @ W_self + h_n @ W_neigh + b


def _bn(h, gamma, beta):
    m = jnp.mean(h, axis=0)
    v = jnp.var(h, axis=0)
    return gamma * (h - m) / jnp.sqrt(v + EPS) + beta


def reference(x, edge_index, W_self_0, W_neigh_0, b_0, W_self_1, W_neigh_1, b_1,
              W_self_2, W_neigh_2, b_2, gamma_0, beta_0, gamma_1, beta_1):
    src = edge_index[0]
    dst = edge_index[1]
    h = _sage(x, src, dst, W_neigh_0, W_self_0, b_0)
    h = jax.nn.relu(_bn(h, gamma_0, beta_0))
    # dropout is identity in eval mode
    h = _sage(h, src, dst, W_neigh_1, W_self_1, b_1)
    h = jax.nn.relu(_bn(h, gamma_1, beta_1))
    h = _sage(h, src, dst, W_neigh_2, W_self_2, b_2)
    return h

if __name__ == "__main__":
    import jax
    _d = setup_inputs()
    print(jax.jit(kernel)(*tuple(_d.values())))

</pallas_src>

<mosaic_0001>
#map = affine_map<(d0, d1) -> (0, 0)>
module attributes {stable_mosaic.version = 14 : i64} {
  func.func @agg(%arg0: i32, %arg1: i32, %arg2: memref<10240x128xbf16, #tpu.memory_space<hbm>>, %arg3: memref<2816x128xi32, #tpu.memory_space<hbm>>, %arg4: memref<2560x128xi32, #tpu.memory_space<hbm>>, %arg5: memref<20480x128xbf16, #tpu.memory_space<hbm>>, %arg6: memref<88x128xi32, #tpu.memory_space<vmem>>, %arg7: memref<80x128xi32, #tpu.memory_space<vmem>>, %arg8: memref<2x128x128xbf16, #tpu.memory_space<vmem>>, %arg9: memref<128x128xbf16, #tpu.memory_space<vmem>>, %arg10: memref<10240x128xbf16, #tpu.memory_space<vmem_shared>>, %arg11: memref<!tpu.dma_semaphore, #tpu.memory_space<semaphore_mem>>, %arg12: memref<!tpu.dma_semaphore, #tpu.memory_space<semaphore_mem>>) attributes {dimension_semantics = [#tpu.dimension_semantics<core_parallel>, #tpu.dimension_semantics<subcore_parallel>], iteration_bounds = array<i64: 2, 16>, scalar_prefetch = 0 : i64, scratch_operands = 7 : i64, tpu.core_type = #tpu.core_type<sc_vector_subcore>, window_params = [{transform_indices = #map}, {transform_indices = #map}, {transform_indices = #map}, {transform_indices = #map}]} {
    %mul3A = arith.constant 16 : i32
    %mul3A_0 = arith.muli %arg0, %mul3A : i32
    %add3A = arith.addi %mul3A_0, %arg1 : i32
    %mul3A_1 = arith.constant 88 : i32
    %mul3A_2 = arith.muli %add3A, %mul3A_1 : i32
    "tpu.region"() ({
      %run_scoped3A = tpu.sem_alloc : memref<!tpu.dma_semaphore, #tpu.memory_space<semaphore_mem>>
      %dma_start3A_119 = arith.constant 0 : i32
      %dma_start3A_120 = tpu.memref_slice %arg3[%mul3A_2, %dma_start3A_119] : memref<2816x128xi32, #tpu.memory_space<hbm>> -> memref<88x128xi32, #tpu.memory_space<hbm>>
      %dma_start3A_121 = arith.constant 0 : i32
      %dma_start3A_122 = tpu.memref_slice %arg3[%mul3A_2, %dma_start3A_121] : memref<2816x128xi32, #tpu.memory_space<hbm>> -> memref<88x128xi32, #tpu.memory_space<hbm>>
      tpu.enqueue_dma source(%dma_start3A_122 : memref<88x128xi32, #tpu.memory_space<hbm>>) target(%arg6 : memref<88x128xi32, #tpu.memory_space<vmem>>) target_semaphore(%run_scoped3A : memref<!tpu.dma_semaphore, #tpu.memory_space<semaphore_mem>>)
      %dma_wait3A_123 = arith.constant 0 : i32
      %dma_wait3A_124 = tpu.memref_slice %arg3[%mul3A_2, %dma_wait3A_123] : memref<2816x128xi32, #tpu.memory_space<hbm>> -> memref<88x128xi32, #tpu.memory_space<hbm>>
      %dma_wait3A_125 = arith.constant 0 : i32
      %dma_wait3A_126 = tpu.memref_slice %arg3[%mul3A_2, %dma_wait3A_125] : memref<2816x128xi32, #tpu.memory_space<hbm>> -> memref<88x128xi32, #tpu.memory_space<hbm>>
      tpu.wait_dma2 semaphore(%run_scoped3A : memref<!tpu.dma_semaphore, #tpu.memory_space<semaphore_mem>>) src(%dma_wait3A_126 : memref<88x128xi32, #tpu.memory_space<hbm>>) dst(%arg6 : memref<88x128xi32, #tpu.memory_space<vmem>>)
      tpu.yield
    }) : () -> ()
    %mul3A_3 = arith.constant 80 : i32
    %mul3A_4 = arith.muli %add3A, %mul3A_3 : i32
    "tpu.region"() ({
      %run_scoped3A = tpu.sem_alloc : memref<!tpu.dma_semaphore, #tpu.memory_space<semaphore_mem>>
      %dma_start3A_119 = arith.constant 0 : i32
      %dma_start3A_120 = tpu.memref_slice %arg4[%mul3A_4, %dma_start3A_119] : memref<2560x128xi32, #tpu.memory_space<hbm>> -> memref<80x128xi32, #tpu.memory_space<hbm>>
      %dma_start3A_121 = arith.constant 0 : i32
      %dma_start3A_122 = tpu.memref_slice %arg4[%mul3A_4, %dma_start3A_121] : memref<2560x128xi32, #tpu.memory_space<hbm>> -> memref<80x128xi32, #tpu.memory_space<hbm>>
      tpu.enqueue_dma source(%dma_start3A_122 : memref<80x128xi32, #tpu.memory_space<hbm>>) target(%arg7 : memref<80x128xi32, #tpu.memory_space<vmem>>) target_semaphore(%run_scoped3A : memref<!tpu.dma_semaphore, #tpu.memory_space<semaphore_mem>>)
      %dma_wait3A_123 = arith.constant 0 : i32
      %dma_wait3A_124 = tpu.memref_slice %arg4[%mul3A_4, %dma_wait3A_123] : memref<2560x128xi32, #tpu.memory_space<hbm>> -> memref<80x128xi32, #tpu.memory_space<hbm>>
      %dma_wait3A_125 = arith.constant 0 : i32
      %dma_wait3A_126 = tpu.memref_slice %arg4[%mul3A_4, %dma_wait3A_125] : memref<2560x128xi32, #tpu.memory_space<hbm>> -> memref<80x128xi32, #tpu.memory_space<hbm>>
      tpu.wait_dma2 semaphore(%run_scoped3A : memref<!tpu.dma_semaphore, #tpu.memory_space<semaphore_mem>>) src(%dma_wait3A_126 : memref<80x128xi32, #tpu.memory_space<hbm>>) dst(%arg7 : memref<80x128xi32, #tpu.memory_space<vmem>>)
      tpu.yield
    }) : () -> ()
    %broadcast_in_dim3A = arith.constant 0.000000e+00 : bf16
    %broadcast_in_dim3A_5 = vector.broadcast %broadcast_in_dim3A : bf16 to vector<32xbf16>
    %scan3A = arith.constant 0 : i32
    %scan3A_6 = arith.constant 0 : i32
    %scan3A_7 = arith.constant 128 : i32
    %scan3A_8 = arith.addi %scan3A_6, %scan3A_7 : i32
    %scan3A_9 = arith.constant 1 : i32
    scf.for %scan3A_119 = %scan3A_6 to %scan3A_8 step %scan3A_9  : i32 {
      %swap3A = arith.index_cast %scan3A_119 : i32 to index
      %swap3A_120 = arith.constant 0 : index
      %swap3A_121 = tpu.vector_load %arg9[%swap3A, %swap3A_120] {strides = array<i32>} : memref<128x128xbf16, #tpu.memory_space<vmem>>, vector<1x32xbf16>,
      %swap3A_122 = vector.shape_cast %swap3A_121 : vector<1x32xbf16> to vector<32xbf16>
      %swap3A_123 = vector.shape_cast %broadcast_in_dim3A_5 : vector<32xbf16> to vector<1x32xbf16>
      tpu.vector_store %arg9[%swap3A, %swap3A_120], %swap3A_123 {strides = array<i32>} : memref<128x128xbf16, #tpu.memory_space<vmem>>, vector<1x32xbf16>,
      %swap3A_124 = arith.index_cast %scan3A_119 : i32 to index
      %swap3A_125 = arith.constant 32 : index
      %swap3A_126 = tpu.vector_load %arg9[%swap3A_124, %swap3A_125] {strides = array<i32>} : memref<128x128xbf16, #tpu.memory_space<vmem>>, vector<1x32xbf16>,
      %swap3A_127 = vector.shape_cast %swap3A_126 : vector<1x32xbf16> to vector<32xbf16>
      %swap3A_128 = vector.shape_cast %broadcast_in_dim3A_5 : vector<32xbf16> to vector<1x32xbf16>
      tpu.vector_store %arg9[%swap3A_124, %swap3A_125], %swap3A_128 {strides = array<i32>} : memref<128x128xbf16, #tpu.memory_space<vmem>>, vector<1x32xbf16>,
      %swap3A_129 = arith.index_cast %scan3A_119 : i32 to index
      %swap3A_130 = arith.constant 64 : index
      %swap3A_131 = tpu.vector_load %arg9[%swap3A_129, %swap3A_130] {strides = array<i32>} : memref<128x128xbf16, #tpu.memory_space<vmem>>, vector<1x32xbf16>,
      %swap3A_132 = vector.shape_cast %swap3A_131 : vector<1x32xbf16> to vector<32xbf16>
      %swap3A_133 = vector.shape_cast %broadcast_in_dim3A_5 : vector<32xbf16> to vector<1x32xbf16>
      tpu.vector_store %arg9[%swap3A_129, %swap3A_130], %swap3A_133 {strides = array<i32>} : memref<128x128xbf16, #tpu.memory_space<vmem>>, vector<1x32xbf16>,
      %swap3A_134 = arith.index_cast %scan3A_119 : i32 to index
      %swap3A_135 = arith.constant 96 : index
      %swap3A_136 = tpu.vector_load %arg9[%swap3A_134, %swap3A_135] {strides = array<i32>} : memref<128x128xbf16, #tpu.memory_space<vmem>>, vector<1x32xbf16>,
      %swap3A_137 = vector.shape_cast %swap3A_136 : vector<1x32xbf16> to vector<32xbf16>
      %swap3A_138 = vector.shape_cast %broadcast_in_dim3A_5 : vector<32xbf16> to vector<1x32xbf16>
      tpu.vector_store %arg9[%swap3A_134, %swap3A_135], %swap3A_138 {strides = array<i32>} : memref<128x128xbf16, #tpu.memory_space<vmem>>, vector<1x32xbf16>,
    }
    %scan3A_10 = arith.constant 128 : i32
    %mul3A_11 = arith.constant 640 : i32
    %mul3A_12 = arith.muli %arg1, %mul3A_11 : i32
    %add3A_13 = arith.constant 0 : i32
    %add3A_14 = arith.addi %mul3A_12, %add3A_13 : i32
    "tpu.region"() ({
      %run_scoped3A = tpu.sem_alloc : memref<!tpu.dma_semaphore, #tpu.memory_space<semaphore_mem>>
      %dma_start3A_119 = arith.constant 0 : i32
      %dma_start3A_120 = tpu.memref_slice %arg10[%add3A_14, %dma_start3A_119] : memref<10240x128xbf16, #tpu.memory_space<vmem_shared>> -> memref<128x128xbf16, #tpu.memory_space<vmem_shared>>
      %dma_start3A_121 = arith.constant 0 : i32
      %dma_start3A_122 = tpu.memref_slice %arg10[%add3A_14, %dma_start3A_121] : memref<10240x128xbf16, #tpu.memory_space<vmem_shared>> -> memref<128x128xbf16, #tpu.memory_space<vmem_shared>>
      tpu.enqueue_dma source(%arg9 : memref<128x128xbf16, #tpu.memory_space<vmem>>) target(%dma_start3A_122 : memref<128x128xbf16, #tpu.memory_space<vmem_shared>>) target_semaphore(%run_scoped3A : memref<!tpu.dma_semaphore, #tpu.memory_space<semaphore_mem>>)
      %dma_wait3A_123 = arith.constant 0 : i32
      %dma_wait3A_124 = tpu.memref_slice %arg10[%add3A_14, %dma_wait3A_123] : memref<10240x128xbf16, #tpu.memory_space<vmem_shared>> -> memref<128x128xbf16, #tpu.memory_space<vmem_shared>>
      %dma_wait3A_125 = arith.constant 0 : i32
      %dma_wait3A_126 = tpu.memref_slice %arg10[%add3A_14, %dma_wait3A_125] : memref<10240x128xbf16, #tpu.memory_space<vmem_shared>> -> memref<128x128xbf16, #tpu.memory_space<vmem_shared>>
      tpu.wait_dma2 semaphore(%run_scoped3A : memref<!tpu.dma_semaphore, #tpu.memory_space<semaphore_mem>>) src(%arg9 : memref<128x128xbf16, #tpu.memory_space<vmem>>) dst(%dma_wait3A_126 : memref<128x128xbf16, #tpu.memory_space<vmem_shared>>)
      tpu.yield
    }) : () -> ()
    %mul3A_15 = arith.constant 640 : i32
    %mul3A_16 = arith.muli %arg1, %mul3A_15 : i32
    %add3A_17 = arith.constant 128 : i32
    %add3A_18 = arith.addi %mul3A_16, %add3A_17 : i32
    "tpu.region"() ({
      %run_scoped3A = tpu.sem_alloc : memref<!tpu.dma_semaphore, #tpu.memory_space<semaphore_mem>>
      %dma_start3A_119 = arith.constant 0 : i32
      %dma_start3A_120 = tpu.memref_slice %arg10[%add3A_18, %dma_start3A_119] : memref<10240x128xbf16, #tpu.memory_space<vmem_shared>> -> memref<128x128xbf16, #tpu.memory_space<vmem_shared>>
      %dma_start3A_121 = arith.constant 0 : i32
      %dma_start3A_122 = tpu.memref_slice %arg10[%add3A_18, %dma_start3A_121] : memref<10240x128xbf16, #tpu.memory_space<vmem_shared>> -> memref<128x128xbf16, #tpu.memory_space<vmem_shared>>
      tpu.enqueue_dma source(%arg9 : memref<128x128xbf16, #tpu.memory_space<vmem>>) target(%dma_start3A_122 : memref<128x128xbf16, #tpu.memory_space<vmem_shared>>) target_semaphore(%run_scoped3A : memref<!tpu.dma_semaphore, #tpu.memory_space<semaphore_mem>>)
      %dma_wait3A_123 = arith.constant 0 : i32
      %dma_wait3A_124 = tpu.memref_slice %arg10[%add3A_18, %dma_wait3A_123] : memref<10240x128xbf16, #tpu.memory_space<vmem_shared>> -> memref<128x128xbf16, #tpu.memory_space<vmem_shared>>
      %dma_wait3A_125 = arith.constant 0 : i32
      %dma_wait3A_126 = tpu.memref_slice %arg10[%add3A_18, %dma_wait3A_125] : memref<10240x128xbf16, #tpu.memory_space<vmem_shared>> -> memref<128x128xbf16, #tpu.memory_space<vmem_shared>>
      tpu.wait_dma2 semaphore(%run_scoped3A : memref<!tpu.dma_semaphore, #tpu.memory_space<semaphore_mem>>) src(%arg9 : memref<128x128xbf16, #tpu.memory_space<vmem>>) dst(%dma_wait3A_126 : memref<128x128xbf16, #tpu.memory_space<vmem_shared>>)
      tpu.yield
    }) : () -> ()
    %mul3A_19 = arith.constant 640 : i32
    %mul3A_20 = arith.muli %arg1, %mul3A_19 : i32
    %add3A_21 = arith.constant 256 : i32
    %add3A_22 = arith.addi %mul3A_20, %add3A_21 : i32
    "tpu.region"() ({
      %run_scoped3A = tpu.sem_alloc : memref<!tpu.dma_semaphore, #tpu.memory_space<semaphore_mem>>
      %dma_start3A_119 = arith.constant 0 : i32
      %dma_start3A_120 = tpu.memref_slice %arg10[%add3A_22, %dma_start3A_119] : memref<10240x128xbf16, #tpu.memory_space<vmem_shared>> -> memref<128x128xbf16, #tpu.memory_space<vmem_shared>>
      %dma_start3A_121 = arith.constant 0 : i32
      %dma_start3A_122 = tpu.memref_slice %arg10[%add3A_22, %dma_start3A_121] : memref<10240x128xbf16, #tpu.memory_space<vmem_shared>> -> memref<128x128xbf16, #tpu.memory_space<vmem_shared>>
      tpu.enqueue_dma source(%arg9 : memref<128x128xbf16, #tpu.memory_space<vmem>>) target(%dma_start3A_122 : memref<128x128xbf16, #tpu.memory_space<vmem_shared>>) target_semaphore(%run_scoped3A : memref<!tpu.dma_semaphore, #tpu.memory_space<semaphore_mem>>)
      %dma_wait3A_123 = arith.constant 0 : i32
      %dma_wait3A_124 = tpu.memref_slice %arg10[%add3A_22, %dma_wait3A_123] : memref<10240x128xbf16, #tpu.memory_space<vmem_shared>> -> memref<128x128xbf16, #tpu.memory_space<vmem_shared>>
      %dma_wait3A_125 = arith.constant 0 : i32
      %dma_wait3A_126 = tpu.memref_slice %arg10[%add3A_22, %dma_wait3A_125] : memref<10240x128xbf16, #tpu.memory_space<vmem_shared>> -> memref<128x128xbf16, #tpu.memory_space<vmem_shared>>
      tpu.wait_dma2 semaphore(%run_scoped3A : memref<!tpu.dma_semaphore, #tpu.memory_space<semaphore_mem>>) src(%arg9 : memref<128x128xbf16, #tpu.memory_space<vmem>>) dst(%dma_wait3A_126 : memref<128x128xbf16, #tpu.memory_space<vmem_shared>>)
      tpu.yield
    }) : () -> ()
    %mul3A_23 = arith.constant 640 : i32
    %mul3A_24 = arith.muli %arg1, %mul3A_23 : i32
    %add3A_25 = arith.constant 384 : i32
    %add3A_26 = arith.addi %mul3A_24, %add3A_25 : i32
    "tpu.region"() ({
      %run_scoped3A = tpu.sem_alloc : memref<!tpu.dma_semaphore, #tpu.memory_space<semaphore_mem>>
      %dma_start3A_119 = arith.constant 0 : i32
      %dma_start3A_120 = tpu.memref_slice %arg10[%add3A_26, %dma_start3A_119] : memref<10240x128xbf16, #tpu.memory_space<vmem_shared>> -> memref<128x128xbf16, #tpu.memory_space<vmem_shared>>
      %dma_start3A_121 = arith.constant 0 : i32
      %dma_start3A_122 = tpu.memref_slice %arg10[%add3A_26, %dma_start3A_121] : memref<10240x128xbf16, #tpu.memory_space<vmem_shared>> -> memref<128x128xbf16, #tpu.memory_space<vmem_shared>>
      tpu.enqueue_dma source(%arg9 : memref<128x128xbf16, #tpu.memory_space<vmem>>) target(%dma_start3A_122 : memref<128x128xbf16, #tpu.memory_space<vmem_shared>>) target_semaphore(%run_scoped3A : memref<!tpu.dma_semaphore, #tpu.memory_space<semaphore_mem>>)
      %dma_wait3A_123 = arith.constant 0 : i32
      %dma_wait3A_124 = tpu.memref_slice %arg10[%add3A_26, %dma_wait3A_123] : memref<10240x128xbf16, #tpu.memory_space<vmem_shared>> -> memref<128x128xbf16, #tpu.memory_space<vmem_shared>>
      %dma_wait3A_125 = arith.constant 0 : i32
      %dma_wait3A_126 = tpu.memref_slice %arg10[%add3A_26, %dma_wait3A_125] : memref<10240x128xbf16, #tpu.memory_space<vmem_shared>> -> memref<128x128xbf16, #tpu.memory_space<vmem_shared>>
      tpu.wait_dma2 semaphore(%run_scoped3A : memref<!tpu.dma_semaphore, #tpu.memory_space<semaphore_mem>>) src(%arg9 : memref<128x128xbf16, #tpu.memory_space<vmem>>) dst(%dma_wait3A_126 : memref<128x128xbf16, #tpu.memory_space<vmem_shared>>)
      tpu.yield
    }) : () -> ()
    %mul3A_27 = arith.constant 640 : i32
    %mul3A_28 = arith.muli %arg1, %mul3A_27 : i32
    %add3A_29 = arith.constant 512 : i32
    %add3A_30 = arith.addi %mul3A_28, %add3A_29 : i32
    "tpu.region"() ({
      %run_scoped3A = tpu.sem_alloc : memref<!tpu.dma_semaphore, #tpu.memory_space<semaphore_mem>>
      %dma_start3A_119 = arith.constant 0 : i32
      %dma_start3A_120 = tpu.memref_slice %arg10[%add3A_30, %dma_start3A_119] : memref<10240x128xbf16, #tpu.memory_space<vmem_shared>> -> memref<128x128xbf16, #tpu.memory_space<vmem_shared>>
      %dma_start3A_121 = arith.constant 0 : i32
      %dma_start3A_122 = tpu.memref_slice %arg10[%add3A_30, %dma_start3A_121] : memref<10240x128xbf16, #tpu.memory_space<vmem_shared>> -> memref<128x128xbf16, #tpu.memory_space<vmem_shared>>
      tpu.enqueue_dma source(%arg9 : memref<128x128xbf16, #tpu.memory_space<vmem>>) target(%dma_start3A_122 : memref<128x128xbf16, #tpu.memory_space<vmem_shared>>) target_semaphore(%run_scoped3A : memref<!tpu.dma_semaphore, #tpu.memory_space<semaphore_mem>>)
      %dma_wait3A_123 = arith.constant 0 : i32
      %dma_wait3A_124 = tpu.memref_slice %arg10[%add3A_30, %dma_wait3A_123] : memref<10240x128xbf16, #tpu.memory_space<vmem_shared>> -> memref<128x128xbf16, #tpu.memory_space<vmem_shared>>
      %dma_wait3A_125 = arith.constant 0 : i32
      %dma_wait3A_126 = tpu.memref_slice %arg10[%add3A_30, %dma_wait3A_125] : memref<10240x128xbf16, #tpu.memory_space<vmem_shared>> -> memref<128x128xbf16, #tpu.memory_space<vmem_shared>>
      tpu.wait_dma2 semaphore(%run_scoped3A : memref<!tpu.dma_semaphore, #tpu.memory_space<semaphore_mem>>) src(%arg9 : memref<128x128xbf16, #tpu.memory_space<vmem>>) dst(%dma_wait3A_126 : memref<128x128xbf16, #tpu.memory_space<vmem_shared>>)
      tpu.yield
    }) : () -> ()
    %barrier3A = arith.constant 0 : index
    tpu.barrier barrier_id(%barrier3A)
    %dma_start3A = arith.constant 0 : i32
    %dma_start3A_31 = arith.constant 0 : i32
    %dma_start3A_32 = arith.constant 0 : i32
    %dma_start3A_33 = arith.constant 0 : i32
    %dma_start3A_34 = tpu.memref_slice %arg8[%dma_start3A_31, %dma_start3A_32, %dma_start3A_33] : memref<2x128x128xbf16, #tpu.memory_space<vmem>> -> memref<1x128x128xbf16, #tpu.memory_space<vmem>>
    %dma_start3A_35 = tpu.memref_squeeze %dma_start3A_34 : memref<1x128x128xbf16, #tpu.memory_space<vmem>> -> memref<128x128xbf16, #tpu.memory_space<vmem>>
    %dma_start3A_36 = arith.constant 0 : i32
    %dma_start3A_37 = tpu.memref_slice %arg6[%dma_start3A, %dma_start3A_36] : memref<88x128xi32, #tpu.memory_space<vmem>> -> memref<1x128xi32, #tpu.memory_space<vmem>>
    %dma_start3A_38 = tpu.memref_squeeze %dma_start3A_37 : memref<1x128xi32, #tpu.memory_space<vmem>> -> memref<128xi32, #tpu.memory_space<vmem>>
    %dma_start3A_39 = arith.constant 0 : i32
    %dma_start3A_40 = arith.constant 0 : i32
    %dma_start3A_41 = tpu.memref_slice %arg2[%dma_start3A_39, %dma_start3A_40] : memref<10240x128xbf16, #tpu.memory_space<hbm>> -> memref<10240x128xbf16, #tpu.memory_space<hbm>>
    tpu.enqueue_indirect_dma source(%dma_start3A_41 : memref<10240x128xbf16, #tpu.memory_space<hbm>>) target(%dma_start3A_35 : memref<128x128xbf16, #tpu.memory_space<vmem>>) offsets(%dma_start3A_38 : memref<128xi32, #tpu.memory_space<vmem>>) semaphore(%arg11 : memref<!tpu.dma_semaphore, #tpu.memory_space<semaphore_mem>>)
    %dma_start3A_42 = arith.constant 1 : i32
    %dma_start3A_43 = arith.constant 1 : i32
    %dma_start3A_44 = arith.constant 0 : i32
    %dma_start3A_45 = arith.constant 0 : i32
    %dma_start3A_46 = tpu.memref_slice %arg8[%dma_start3A_43, %dma_start3A_44, %dma_start3A_45] : memref<2x128x128xbf16, #tpu.memory_space<vmem>> -> memref<1x128x128xbf16, #tpu.memory_space<vmem>>
    %dma_start3A_47 = tpu.memref_squeeze %dma_start3A_46 : memref<1x128x128xbf16, #tpu.memory_space<vmem>> -> memref<128x128xbf16, #tpu.memory_space<vmem>>
    %dma_start3A_48 = arith.constant 0 : i32
    %dma_start3A_49 = tpu.memref_slice %arg6[%dma_start3A_42, %dma_start3A_48] : memref<88x128xi32, #tpu.memory_space<vmem>> -> memref<1x128xi32, #tpu.memory_space<vmem>>
    %dma_start3A_50 = tpu.memref_squeeze %dma_start3A_49 : memref<1x128xi32, #tpu.memory_space<vmem>> -> memref<128xi32, #tpu.memory_space<vmem>>
    %dma_start3A_51 = arith.constant 0 : i32
    %dma_start3A_52 = arith.constant 0 : i32
    %dma_start3A_53 = tpu.memref_slice %arg2[%dma_start3A_51, %dma_start3A_52] : memref<10240x128xbf16, #tpu.memory_space<hbm>> -> memref<10240x128xbf16, #tpu.memory_space<hbm>>
    tpu.enqueue_indirect_dma source(%dma_start3A_53 : memref<10240x128xbf16, #tpu.memory_space<hbm>>) target(%dma_start3A_47 : memref<128x128xbf16, #tpu.memory_space<vmem>>) offsets(%dma_start3A_50 : memref<128xi32, #tpu.memory_space<vmem>>) semaphore(%arg12 : memref<!tpu.dma_semaphore, #tpu.memory_space<semaphore_mem>>)
    %scan3A_54 = arith.constant 0 : i32
    %scan3A_55 = arith.constant 0 : i32
    %scan3A_56 = arith.constant 40 : i32
    %scan3A_57 = arith.addi %scan3A_55, %scan3A_56 : i32
    %scan3A_58 = arith.constant 1 : i32
    scf.for %scan3A_119 = %scan3A_55 to %scan3A_57 step %scan3A_58  : i32 {
      %mul3A_120 = arith.constant 2 : i32
      %mul3A_121 = arith.muli %scan3A_119, %mul3A_120 : i32
      %add3A_122 = arith.constant 0 : i32
      %add3A_123 = arith.addi %mul3A_121, %add3A_122 : i32
      %dma_wait3A_124 = arith.constant 0 : i32
      %dma_wait3A_125 = arith.constant 0 : i32
      %dma_wait3A_126 = arith.constant 0 : i32
      %dma_wait3A_127 = tpu.memref_slice %arg8[%dma_wait3A_124, %dma_wait3A_125, %dma_wait3A_126] : memref<2x128x128xbf16, #tpu.memory_space<vmem>> -> memref<1x128x128xbf16, #tpu.memory_space<vmem>>
      %dma_wait3A_128 = tpu.memref_squeeze %dma_wait3A_127 : memref<1x128x128xbf16, #tpu.memory_space<vmem>> -> memref<128x128xbf16, #tpu.memory_space<vmem>>
      %dma_wait3A_129 = arith.constant 0 : i32
      %dma_wait3A_130 = tpu.memref_slice %arg6[%add3A_123, %dma_wait3A_129] : memref<88x128xi32, #tpu.memory_space<vmem>> -> memref<1x128xi32, #tpu.memory_space<vmem>>
      %dma_wait3A_131 = tpu.memref_squeeze %dma_wait3A_130 : memref<1x128xi32, #tpu.memory_space<vmem>> -> memref<128xi32, #tpu.memory_space<vmem>>
      %dma_wait3A_132 = arith.constant 0 : i32
      %dma_wait3A_133 = arith.constant 0 : i32
      %dma_wait3A_134 = tpu.memref_slice %arg2[%dma_wait3A_132, %dma_wait3A_133] : memref<10240x128xbf16, #tpu.memory_space<hbm>> -> memref<10240x128xbf16, #tpu.memory_space<hbm>>
      tpu.wait_indirect_dma semaphore(%arg11 : memref<!tpu.dma_semaphore, #tpu.memory_space<semaphore_mem>>) src(%dma_wait3A_134 : memref<10240x128xbf16, #tpu.memory_space<hbm>>) dst(%dma_wait3A_128 : memref<128x128xbf16, #tpu.memory_space<vmem>>)
      %run_scoped3A = arith.constant 0 : i32
      "tpu.region"() ({
        %run_scoped3A_177 = tpu.sem_alloc : memref<!tpu.dma_semaphore, #tpu.memory_space<semaphore_mem>>
        %dma_start3A_178 = arith.constant 0 : i32
        %dma_start3A_179 = arith.constant 0 : i32
        %dma_start3A_180 = tpu.memref_slice %arg8[%run_scoped3A, %dma_start3A_178, %dma_start3A_179] : memref<2x128x128xbf16, #tpu.memory_space<vmem>> -> memref<1x128x128xbf16, #tpu.memory_space<vmem>>
        %dma_start3A_181 = tpu.memref_squeeze %dma_start3A_180 : memref<1x128x128xbf16, #tpu.memory_space<vmem>> -> memref<128x128xbf16, #tpu.memory_space<vmem>>
        %dma_start3A_182 = arith.constant 0 : i32
        %dma_start3A_183 = tpu.memref_slice %arg7[%add3A_123, %dma_start3A_182] : memref<80x128xi32, #tpu.memory_space<vmem>> -> memref<1x128xi32, #tpu.memory_space<vmem>>
        %dma_start3A_184 = tpu.memref_squeeze %dma_start3A_183 : memref<1x128xi32, #tpu.memory_space<vmem>> -> memref<128xi32, #tpu.memory_space<vmem>>
        %dma_start3A_185 = arith.constant 0 : i32
        %dma_start3A_186 = arith.constant 0 : i32
        %dma_start3A_187 = tpu.memref_slice %arg10[%dma_start3A_185, %dma_start3A_186] : memref<10240x128xbf16, #tpu.memory_space<vmem_shared>> -> memref<10240x128xbf16, #tpu.memory_space<vmem_shared>>
        tpu.enqueue_indirect_dma source(%dma_start3A_181 : memref<128x128xbf16, #tpu.memory_space<vmem>>) target(%dma_start3A_187 : memref<10240x128xbf16, #tpu.memory_space<vmem_shared>>) offsets(%dma_start3A_184 : memref<128xi32, #tpu.memory_space<vmem>>) semaphore(%run_scoped3A_177 : memref<!tpu.dma_semaphore, #tpu.memory_space<semaphore_mem>>) {add = true}
        %dma_wait3A_188 = arith.constant 0 : i32
        %dma_wait3A_189 = arith.constant 0 : i32
        %dma_wait3A_190 = tpu.memref_slice %arg8[%run_scoped3A, %dma_wait3A_188, %dma_wait3A_189] : memref<2x128x128xbf16, #tpu.memory_space<vmem>> -> memref<1x128x128xbf16, #tpu.memory_space<vmem>>
        %dma_wait3A_191 = tpu.memref_squeeze %dma_wait3A_190 : memref<1x128x128xbf16, #tpu.memory_space<vmem>> -> memref<128x128xbf16, #tpu.memory_space<vmem>>
        %dma_wait3A_192 = arith.constant 0 : i32
        %dma_wait3A_193 = tpu.memref_slice %arg7[%add3A_123, %dma_wait3A_192] : memref<80x128xi32, #tpu.memory_space<vmem>> -> memref<1x128xi32, #tpu.memory_space<vmem>>
        %dma_wait3A_194 = tpu.memref_squeeze %dma_wait3A_193 : memref<1x128xi32, #tpu.memory_space<vmem>> -> memref<128xi32, #tpu.memory_space<vmem>>
        %dma_wait3A_195 = arith.constant 0 : i32
        %dma_wait3A_196 = arith.constant 0 : i32
        %dma_wait3A_197 = tpu.memref_slice %arg10[%dma_wait3A_195, %dma_wait3A_196] : memref<10240x128xbf16, #tpu.memory_space<vmem_shared>> -> memref<10240x128xbf16, #tpu.memory_space<vmem_shared>>
        tpu.wait_indirect_dma semaphore(%run_scoped3A_177 : memref<!tpu.dma_semaphore, #tpu.memory_space<semaphore_mem>>) src(%dma_wait3A_191 : memref<128x128xbf16, #tpu.memory_space<vmem>>) dst(%dma_wait3A_197 : memref<10240x128xbf16, #tpu.memory_space<vmem_shared>>)
        tpu.yield
      }) : () -> ()
      %add3A_135 = arith.constant 2 : i32
      %add3A_136 = arith.addi %add3A_123, %add3A_135 : i32
      %dma_start3A_137 = arith.constant 0 : i32
      %dma_start3A_138 = arith.constant 0 : i32
      %dma_start3A_139 = arith.constant 0 : i32
      %dma_start3A_140 = tpu.memref_slice %arg8[%dma_start3A_137, %dma_start3A_138, %dma_start3A_139] : memref<2x128x128xbf16, #tpu.memory_space<vmem>> -> memref<1x128x128xbf16, #tpu.memory_space<vmem>>
      %dma_start3A_141 = tpu.memref_squeeze %dma_start3A_140 : memref<1x128x128xbf16, #tpu.memory_space<vmem>> -> memref<128x128xbf16, #tpu.memory_space<vmem>>
      %dma_start3A_142 = arith.constant 0 : i32
      %dma_start3A_143 = tpu.memref_slice %arg6[%add3A_136, %dma_start3A_142] : memref<88x128xi32, #tpu.memory_space<vmem>> -> memref<1x128xi32, #tpu.memory_space<vmem>>
      %dma_start3A_144 = tpu.memref_squeeze %dma_start3A_143 : memref<1x128xi32, #tpu.memory_space<vmem>> -> memref<128xi32, #tpu.memory_space<vmem>>
      %dma_start3A_145 = arith.constant 0 : i32
      %dma_start3A_146 = arith.constant 0 : i32
      %dma_start3A_147 = tpu.memref_slice %arg2[%dma_start3A_145, %dma_start3A_146] : memref<10240x128xbf16, #tpu.memory_space<hbm>> -> memref<10240x128xbf16, #tpu.memory_space<hbm>>
      tpu.enqueue_indirect_dma source(%dma_start3A_147 : memref<10240x128xbf16, #tpu.memory_space<hbm>>) target(%dma_start3A_141 : memref<128x128xbf16, #tpu.memory_space<vmem>>) offsets(%dma_start3A_144 : memref<128xi32, #tpu.memory_space<vmem>>) semaphore(%arg11 : memref<!tpu.dma_semaphore, #tpu.memory_space<semaphore_mem>>)
      %mul3A_148 = arith.constant 2 : i32
      %mul3A_149 = arith.muli %scan3A_119, %mul3A_148 : i32
      %add3A_150 = arith.constant 1 : i32
      %add3A_151 = arith.addi %mul3A_149, %add3A_150 : i32
      %dma_wait3A_152 = arith.constant 1 : i32
      %dma_wait3A_153 = arith.constant 0 : i32
      %dma_wait3A_154 = arith.constant 0 : i32
      %dma_wait3A_155 = tpu.memref_slice %arg8[%dma_wait3A_152, %dma_wait3A_153, %dma_wait3A_154] : memref<2x128x128xbf16, #tpu.memory_space<vmem>> -> memref<1x128x128xbf16, #tpu.memory_space<vmem>>
      %dma_wait3A_156 = tpu.memref_squeeze %dma_wait3A_155 : memref<1x128x128xbf16, #tpu.memory_space<vmem>> -> memref<128x128xbf16, #tpu.memory_space<vmem>>
      %dma_wait3A_157 = arith.constant 0 : i32
      %dma_wait3A_158 = tpu.memref_slice %arg6[%add3A_151, %dma_wait3A_157] : memref<88x128xi32, #tpu.memory_space<vmem>> -> memref<1x128xi32, #tpu.memory_space<vmem>>
      %dma_wait3A_159 = tpu.memref_squeeze %dma_wait3A_158 : memref<1x128xi32, #tpu.memory_space<vmem>> -> memref<128xi32, #tpu.memory_space<vmem>>
      %dma_wait3A_160 = arith.constant 0 : i32
      %dma_wait3A_161 = arith.constant 0 : i32
      %dma_wait3A_162 = tpu.memref_slice %arg2[%dma_wait3A_160, %dma_wait3A_161] : memref<10240x128xbf16, #tpu.memory_space<hbm>> -> memref<10240x128xbf16, #tpu.memory_space<hbm>>
      tpu.wait_indirect_dma semaphore(%arg12 : memref<!tpu.dma_semaphore, #tpu.memory_space<semaphore_mem>>) src(%dma_wait3A_162 : memref<10240x128xbf16, #tpu.memory_space<hbm>>) dst(%dma_wait3A_156 : memref<128x128xbf16, #tpu.memory_space<vmem>>)
      %run_scoped3A_163 = arith.constant 1 : i32
      "tpu.region"() ({
        %run_scoped3A_177 = tpu.sem_alloc : memref<!tpu.dma_semaphore, #tpu.memory_space<semaphore_mem>>
        %dma_start3A_178 = arith.constant 0 : i32
        %dma_start3A_179 = arith.constant 0 : i32
        %dma_start3A_180 = tpu.memref_slice %arg8[%run_scoped3A_163, %dma_start3A_178, %dma_start3A_179] : memref<2x128x128xbf16, #tpu.memory_space<vmem>> -> memref<1x128x128xbf16, #tpu.memory_space<vmem>>
        %dma_start3A_181 = tpu.memref_squeeze %dma_start3A_180 : memref<1x128x128xbf16, #tpu.memory_space<vmem>> -> memref<128x128xbf16, #tpu.memory_space<vmem>>
        %dma_start3A_182 = arith.constant 0 : i32
        %dma_start3A_183 = tpu.memref_slice %arg7[%add3A_151, %dma_start3A_182] : memref<80x128xi32, #tpu.memory_space<vmem>> -> memref<1x128xi32, #tpu.memory_space<vmem>>
        %dma_start3A_184 = tpu.memref_squeeze %dma_start3A_183 : memref<1x128xi32, #tpu.memory_space<vmem>> -> memref<128xi32, #tpu.memory_space<vmem>>
        %dma_start3A_185 = arith.constant 0 : i32
        %dma_start3A_186 = arith.constant 0 : i32
        %dma_start3A_187 = tpu.memref_slice %arg10[%dma_start3A_185, %dma_start3A_186] : memref<10240x128xbf16, #tpu.memory_space<vmem_shared>> -> memref<10240x128xbf16, #tpu.memory_space<vmem_shared>>
        tpu.enqueue_indirect_dma source(%dma_start3A_181 : memref<128x128xbf16, #tpu.memory_space<vmem>>) target(%dma_start3A_187 : memref<10240x128xbf16, #tpu.memory_space<vmem_shared>>) offsets(%dma_start3A_184 : memref<128xi32, #tpu.memory_space<vmem>>) semaphore(%run_scoped3A_177 : memref<!tpu.dma_semaphore, #tpu.memory_space<semaphore_mem>>) {add = true}
        %dma_wait3A_188 = arith.constant 0 : i32
        %dma_wait3A_189 = arith.constant 0 : i32
        %dma_wait3A_190 = tpu.memref_slice %arg8[%run_scoped3A_163, %dma_wait3A_188, %dma_wait3A_189] : memref<2x128x128xbf16, #tpu.memory_space<vmem>> -> memref<1x128x128xbf16, #tpu.memory_space<vmem>>
        %dma_wait3A_191 = tpu.memref_squeeze %dma_wait3A_190 : memref<1x128x128xbf16, #tpu.memory_space<vmem>> -> memref<128x128xbf16, #tpu.memory_space<vmem>>
        %dma_wait3A_192 = arith.constant 0 : i32
        %dma_wait3A_193 = tpu.memref_slice %arg7[%add3A_151, %dma_wait3A_192] : memref<80x128xi32, #tpu.memory_space<vmem>> -> memref<1x128xi32, #tpu.memory_space<vmem>>
        %dma_wait3A_194 = tpu.memref_squeeze %dma_wait3A_193 : memref<1x128xi32, #tpu.memory_space<vmem>> -> memref<128xi32, #tpu.memory_space<vmem>>
        %dma_wait3A_195 = arith.constant 0 : i32
        %dma_wait3A_196 = arith.constant 0 : i32
        %dma_wait3A_197 = tpu.memref_slice %arg10[%dma_wait3A_195, %dma_wait3A_196] : memref<10240x128xbf16, #tpu.memory_space<vmem_shared>> -> memref<10240x128xbf16, #tpu.memory_space<vmem_shared>>
        tpu.wait_indirect_dma semaphore(%run_scoped3A_177 : memref<!tpu.dma_semaphore, #tpu.memory_space<semaphore_mem>>) src(%dma_wait3A_191 : memref<128x128xbf16, #tpu.memory_space<vmem>>) dst(%dma_wait3A_197 : memref<10240x128xbf16, #tpu.memory_space<vmem_shared>>)
        tpu.yield
      }) : () -> ()
      %add3A_164 = arith.constant 2 : i32
      %add3A_165 = arith.addi %add3A_151, %add3A_164 : i32
      %dma_start3A_166 = arith.constant 1 : i32
      %dma_start3A_167 = arith.constant 0 : i32
      %dma_start3A_168 = arith.constant 0 : i32
      %dma_start3A_169 = tpu.memref_slice %arg8[%dma_start3A_166, %dma_start3A_167, %dma_start3A_168] : memref<2x128x128xbf16, #tpu.memory_space<vmem>> -> memref<1x128x128xbf16, #tpu.memory_space<vmem>>
      %dma_start3A_170 = tpu.memref_squeeze %dma_start3A_169 : memref<1x128x128xbf16, #tpu.memory_space<vmem>> -> memref<128x128xbf16, #tpu.memory_space<vmem>>
      %dma_start3A_171 = arith.constant 0 : i32
      %dma_start3A_172 = tpu.memref_slice %arg6[%add3A_165, %dma_start3A_171] : memref<88x128xi32, #tpu.memory_space<vmem>> -> memref<1x128xi32, #tpu.memory_space<vmem>>
      %dma_start3A_173 = tpu.memref_squeeze %dma_start3A_172 : memref<1x128xi32, #tpu.memory_space<vmem>> -> memref<128xi32, #tpu.memory_space<vmem>>
      %dma_start3A_174 = arith.constant 0 : i32
      %dma_start3A_175 = arith.constant 0 : i32
      %dma_start3A_176 = tpu.memref_slice %arg2[%dma_start3A_174, %dma_start3A_175] : memref<10240x128xbf16, #tpu.memory_space<hbm>> -> memref<10240x128xbf16, #tpu.memory_space<hbm>>
      tpu.enqueue_indirect_dma source(%dma_start3A_176 : memref<10240x128xbf16, #tpu.memory_space<hbm>>) target(%dma_start3A_170 : memref<128x128xbf16, #tpu.memory_space<vmem>>) offsets(%dma_start3A_173 : memref<128xi32, #tpu.memory_space<vmem>>) semaphore(%arg12 : memref<!tpu.dma_semaphore, #tpu.memory_space<semaphore_mem>>)
    }
    %scan3A_59 = arith.constant 40 : i32
    %dma_wait3A = arith.constant 80 : i32
    %dma_wait3A_60 = arith.constant 0 : i32
    %dma_wait3A_61 = arith.constant 0 : i32
    %dma_wait3A_62 = arith.constant 0 : i32
    %dma_wait3A_63 = tpu.memref_slice %arg8[%dma_wait3A_60, %dma_wait3A_61, %dma_wait3A_62] : memref<2x128x128xbf16, #tpu.memory_space<vmem>> -> memref<1x128x128xbf16, #tpu.memory_space<vmem>>
    %dma_wait3A_64 = tpu.memref_squeeze %dma_wait3A_63 : memref<1x128x128xbf16, #tpu.memory_space<vmem>> -> memref<128x128xbf16, #tpu.memory_space<vmem>>
    %dma_wait3A_65 = arith.constant 0 : i32
    %dma_wait3A_66 = tpu.memref_slice %arg6[%dma_wait3A, %dma_wait3A_65] : memref<88x128xi32, #tpu.memory_space<vmem>> -> memref<1x128xi32, #tpu.memory_space<vmem>>
    %dma_wait3A_67 = tpu.memref_squeeze %dma_wait3A_66 : memref<1x128xi32, #tpu.memory_space<vmem>> -> memref<128xi32, #tpu.memory_space<vmem>>
    %dma_wait3A_68 = arith.constant 0 : i32
    %dma_wait3A_69 = arith.constant 0 : i32
    %dma_wait3A_70 = tpu.memref_slice %arg2[%dma_wait3A_68, %dma_wait3A_69] : memref<10240x128xbf16, #tpu.memory_space<hbm>> -> memref<10240x128xbf16, #tpu.memory_space<hbm>>
    tpu.wait_indirect_dma semaphore(%arg11 : memref<!tpu.dma_semaphore, #tpu.memory_space<semaphore_mem>>) src(%dma_wait3A_70 : memref<10240x128xbf16, #tpu.memory_space<hbm>>) dst(%dma_wait3A_64 : memref<128x128xbf16, #tpu.memory_space<vmem>>)
    %dma_wait3A_71 = arith.constant 81 : i32
    %dma_wait3A_72 = arith.constant 1 : i32
    %dma_wait3A_73 = arith.constant 0 : i32
    %dma_wait3A_74 = arith.constant 0 : i32
    %dma_wait3A_75 = tpu.memref_slice %arg8[%dma_wait3A_72, %dma_wait3A_73, %dma_wait3A_74] : memref<2x128x128xbf16, #tpu.memory_space<vmem>> -> memref<1x128x128xbf16, #tpu.memory_space<vmem>>
    %dma_wait3A_76 = tpu.memref_squeeze %dma_wait3A_75 : memref<1x128x128xbf16, #tpu.memory_space<vmem>> -> memref<128x128xbf16, #tpu.memory_space<vmem>>
    %dma_wait3A_77 = arith.constant 0 : i32
    %dma_wait3A_78 = tpu.memref_slice %arg6[%dma_wait3A_71, %dma_wait3A_77] : memref<88x128xi32, #tpu.memory_space<vmem>> -> memref<1x128xi32, #tpu.memory_space<vmem>>
    %dma_wait3A_79 = tpu.memref_squeeze %dma_wait3A_78 : memref<1x128xi32, #tpu.memory_space<vmem>> -> memref<128xi32, #tpu.memory_space<vmem>>
    %dma_wait3A_80 = arith.constant 0 : i32
    %dma_wait3A_81 = arith.constant 0 : i32
    %dma_wait3A_82 = tpu.memref_slice %arg2[%dma_wait3A_80, %dma_wait3A_81] : memref<10240x128xbf16, #tpu.memory_space<hbm>> -> memref<10240x128xbf16, #tpu.memory_space<hbm>>
    tpu.wait_indirect_dma semaphore(%arg12 : memref<!tpu.dma_semaphore, #tpu.memory_space<semaphore_mem>>) src(%dma_wait3A_82 : memref<10240x128xbf16, #tpu.memory_space<hbm>>) dst(%dma_wait3A_76 : memref<128x128xbf16, #tpu.memory_space<vmem>>)
    %barrier3A_83 = arith.constant 0 : index
    tpu.barrier barrier_id(%barrier3A_83)
    %mul3A_84 = arith.constant 640 : i32
    %mul3A_85 = arith.muli %arg1, %mul3A_84 : i32
    %add3A_86 = arith.constant 0 : i32
    %add3A_87 = arith.addi %mul3A_85, %add3A_86 : i32
    "tpu.region"() ({
      %run_scoped3A = tpu.sem_alloc : memref<!tpu.dma_semaphore, #tpu.memory_space<semaphore_mem>>
      %dma_start3A_119 = arith.constant 0 : i32
      %dma_start3A_120 = tpu.memref_slice %arg10[%add3A_87, %dma_start3A_119] : memref<10240x128xbf16, #tpu.memory_space<vmem_shared>> -> memref<128x128xbf16, #tpu.memory_space<vmem_shared>>
      %dma_start3A_121 = arith.constant 0 : i32
      %dma_start3A_122 = tpu.memref_slice %arg10[%add3A_87, %dma_start3A_121] : memref<10240x128xbf16, #tpu.memory_space<vmem_shared>> -> memref<128x128xbf16, #tpu.memory_space<vmem_shared>>
      tpu.enqueue_dma source(%dma_start3A_122 : memref<128x128xbf16, #tpu.memory_space<vmem_shared>>) target(%arg9 : memref<128x128xbf16, #tpu.memory_space<vmem>>) target_semaphore(%run_scoped3A : memref<!tpu.dma_semaphore, #tpu.memory_space<semaphore_mem>>)
      %dma_wait3A_123 = arith.constant 0 : i32
      %dma_wait3A_124 = tpu.memref_slice %arg10[%add3A_87, %dma_wait3A_123] : memref<10240x128xbf16, #tpu.memory_space<vmem_shared>> -> memref<128x128xbf16, #tpu.memory_space<vmem_shared>>
      %dma_wait3A_125 = arith.constant 0 : i32
      %dma_wait3A_126 = tpu.memref_slice %arg10[%add3A_87, %dma_wait3A_125] : memref<10240x128xbf16, #tpu.memory_space<vmem_shared>> -> memref<128x128xbf16, #tpu.memory_space<vmem_shared>>
      tpu.wait_dma2 semaphore(%run_scoped3A : memref<!tpu.dma_semaphore, #tpu.memory_space<semaphore_mem>>) src(%dma_wait3A_126 : memref<128x128xbf16, #tpu.memory_space<vmem_shared>>) dst(%arg9 : memref<128x128xbf16, #tpu.memory_space<vmem>>)
      tpu.yield
    }) : () -> ()
    %mul3A_88 = arith.constant 10240 : i32
    %mul3A_89 = arith.muli %arg0, %mul3A_88 : i32
    %add3A_90 = arith.addi %mul3A_89, %add3A_87 : i32
    "tpu.region"() ({
      %run_scoped3A = tpu.sem_alloc : memref<!tpu.dma_semaphore, #tpu.memory_space<semaphore_mem>>
      %dma_start3A_119 = arith.constant 0 : i32
      %dma_start3A_120 = tpu.memref_slice %arg5[%add3A_90, %dma_start3A_119] : memref<20480x128xbf16, #tpu.memory_space<hbm>> -> memref<128x128xbf16, #tpu.memory_space<hbm>>
      %dma_start3A_121 = arith.constant 0 : i32
      %dma_start3A_122 = tpu.memref_slice %arg5[%add3A_90, %dma_start3A_121] : memref<20480x128xbf16, #tpu.memory_space<hbm>> -> memref<128x128xbf16, #tpu.memory_space<hbm>>
      tpu.enqueue_dma source(%arg9 : memref<128x128xbf16, #tpu.memory_space<vmem>>) target(%dma_start3A_122 : memref<128x128xbf16, #tpu.memory_space<hbm>>) target_semaphore(%run_scoped3A : memref<!tpu.dma_semaphore, #tpu.memory_space<semaphore_mem>>)
      %dma_wait3A_123 = arith.constant 0 : i32
      %dma_wait3A_124 = tpu.memref_slice %arg5[%add3A_90, %dma_wait3A_123] : memref<20480x128xbf16, #tpu.memory_space<hbm>> -> memref<128x128xbf16, #tpu.memory_space<hbm>>
      %dma_wait3A_125 = arith.constant 0 : i32
      %dma_wait3A_126 = tpu.memref_slice %arg5[%add3A_90, %dma_wait3A_125] : memref<20480x128xbf16, #tpu.memory_space<hbm>> -> memref<128x128xbf16, #tpu.memory_space<hbm>>
      tpu.wait_dma2 semaphore(%run_scoped3A : memref<!tpu.dma_semaphore, #tpu.memory_space<semaphore_mem>>) src(%arg9 : memref<128x128xbf16, #tpu.memory_space<vmem>>) dst(%dma_wait3A_126 : memref<128x128xbf16, #tpu.memory_space<hbm>>)
      tpu.yield
    }) : () -> ()
    %mul3A_91 = arith.constant 640 : i32
    %mul3A_92 = arith.muli %arg1, %mul3A_91 : i32
    %add3A_93 = arith.constant 128 : i32
    %add3A_94 = arith.addi %mul3A_92, %add3A_93 : i32
    "tpu.region"() ({
      %run_scoped3A = tpu.sem_alloc : memref<!tpu.dma_semaphore, #tpu.memory_space<semaphore_mem>>
      %dma_start3A_119 = arith.constant 0 : i32
      %dma_start3A_120 = tpu.memref_slice %arg10[%add3A_94, %dma_start3A_119] : memref<10240x128xbf16, #tpu.memory_space<vmem_shared>> -> memref<128x128xbf16, #tpu.memory_space<vmem_shared>>
      %dma_start3A_121 = arith.constant 0 : i32
      %dma_start3A_122 = tpu.memref_slice %arg10[%add3A_94, %dma_start3A_121] : memref<10240x128xbf16, #tpu.memory_space<vmem_shared>> -> memref<128x128xbf16, #tpu.memory_space<vmem_shared>>
      tpu.enqueue_dma source(%dma_start3A_122 : memref<128x128xbf16, #tpu.memory_space<vmem_shared>>) target(%arg9 : memref<128x128xbf16, #tpu.memory_space<vmem>>) target_semaphore(%run_scoped3A : memref<!tpu.dma_semaphore, #tpu.memory_space<semaphore_mem>>)
      %dma_wait3A_123 = arith.constant 0 : i32
      %dma_wait3A_124 = tpu.memref_slice %arg10[%add3A_94, %dma_wait3A_123] : memref<10240x128xbf16, #tpu.memory_space<vmem_shared>> -> memref<128x128xbf16, #tpu.memory_space<vmem_shared>>
      %dma_wait3A_125 = arith.constant 0 : i32
      %dma_wait3A_126 = tpu.memref_slice %arg10[%add3A_94, %dma_wait3A_125] : memref<10240x128xbf16, #tpu.memory_space<vmem_shared>> -> memref<128x128xbf16, #tpu.memory_space<vmem_shared>>
      tpu.wait_dma2 semaphore(%run_scoped3A : memref<!tpu.dma_semaphore, #tpu.memory_space<semaphore_mem>>) src(%dma_wait3A_126 : memref<128x128xbf16, #tpu.memory_space<vmem_shared>>) dst(%arg9 : memref<128x128xbf16, #tpu.memory_space<vmem>>)
      tpu.yield
    }) : () -> ()
    %mul3A_95 = arith.constant 10240 : i32
    %mul3A_96 = arith.muli %arg0, %mul3A_95 : i32
    %add3A_97 = arith.addi %mul3A_96, %add3A_94 : i32
    "tpu.region"() ({
      %run_scoped3A = tpu.sem_alloc : memref<!tpu.dma_semaphore, #tpu.memory_space<semaphore_mem>>
      %dma_start3A_119 = arith.constant 0 : i32
      %dma_start3A_120 = tpu.memref_slice %arg5[%add3A_97, %dma_start3A_119] : memref<20480x128xbf16, #tpu.memory_space<hbm>> -> memref<128x128xbf16, #tpu.memory_space<hbm>>
      %dma_start3A_121 = arith.constant 0 : i32
      %dma_start3A_122 = tpu.memref_slice %arg5[%add3A_97, %dma_start3A_121] : memref<20480x128xbf16, #tpu.memory_space<hbm>> -> memref<128x128xbf16, #tpu.memory_space<hbm>>
      tpu.enqueue_dma source(%arg9 : memref<128x128xbf16, #tpu.memory_space<vmem>>) target(%dma_start3A_122 : memref<128x128xbf16, #tpu.memory_space<hbm>>) target_semaphore(%run_scoped3A : memref<!tpu.dma_semaphore, #tpu.memory_space<semaphore_mem>>)
      %dma_wait3A_123 = arith.constant 0 : i32
      %dma_wait3A_124 = tpu.memref_slice %arg5[%add3A_97, %dma_wait3A_123] : memref<20480x128xbf16, #tpu.memory_space<hbm>> -> memref<128x128xbf16, #tpu.memory_space<hbm>>
      %dma_wait3A_125 = arith.constant 0 : i32
      %dma_wait3A_126 = tpu.memref_slice %arg5[%add3A_97, %dma_wait3A_125] : memref<20480x128xbf16, #tpu.memory_space<hbm>> -> memref<128x128xbf16, #tpu.memory_space<hbm>>
      tpu.wait_dma2 semaphore(%run_scoped3A : memref<!tpu.dma_semaphore, #tpu.memory_space<semaphore_mem>>) src(%arg9 : memref<128x128xbf16, #tpu.memory_space<vmem>>) dst(%dma_wait3A_126 : memref<128x128xbf16, #tpu.memory_space<hbm>>)
      tpu.yield
    }) : () -> ()
    %mul3A_98 = arith.constant 640 : i32
    %mul3A_99 = arith.muli %arg1, %mul3A_98 : i32
    %add3A_100 = arith.constant 256 : i32
    %add3A_101 = arith.addi %mul3A_99, %add3A_100 : i32
    "tpu.region"() ({
      %run_scoped3A = tpu.sem_alloc : memref<!tpu.dma_semaphore, #tpu.memory_space<semaphore_mem>>
      %dma_start3A_119 = arith.constant 0 : i32
      %dma_start3A_120 = tpu.memref_slice %arg10[%add3A_101, %dma_start3A_119] : memref<10240x128xbf16, #tpu.memory_space<vmem_shared>> -> memref<128x128xbf16, #tpu.memory_space<vmem_shared>>
      %dma_start3A_121 = arith.constant 0 : i32
      %dma_start3A_122 = tpu.memref_slice %arg10[%add3A_101, %dma_start3A_121] : memref<10240x128xbf16, #tpu.memory_space<vmem_shared>> -> memref<128x128xbf16, #tpu.memory_space<vmem_shared>>
      tpu.enqueue_dma source(%dma_start3A_122 : memref<128x128xbf16, #tpu.memory_space<vmem_shared>>) target(%arg9 : memref<128x128xbf16, #tpu.memory_space<vmem>>) target_semaphore(%run_scoped3A : memref<!tpu.dma_semaphore, #tpu.memory_space<semaphore_mem>>)
      %dma_wait3A_123 = arith.constant 0 : i32
      %dma_wait3A_124 = tpu.memref_slice %arg10[%add3A_101, %dma_wait3A_123] : memref<10240x128xbf16, #tpu.memory_space<vmem_shared>> -> memref<128x128xbf16, #tpu.memory_space<vmem_shared>>
      %dma_wait3A_125 = arith.constant 0 : i32
      %dma_wait3A_126 = tpu.memref_slice %arg10[%add3A_101, %dma_wait3A_125] : memref<10240x128xbf16, #tpu.memory_space<vmem_shared>> -> memref<128x128xbf16, #tpu.memory_space<vmem_shared>>
      tpu.wait_dma2 semaphore(%run_scoped3A : memref<!tpu.dma_semaphore, #tpu.memory_space<semaphore_mem>>) src(%dma_wait3A_126 : memref<128x128xbf16, #tpu.memory_space<vmem_shared>>) dst(%arg9 : memref<128x128xbf16, #tpu.memory_space<vmem>>)
      tpu.yield
    }) : () -> ()
    %mul3A_102 = arith.constant 10240 : i32
    %mul3A_103 = arith.muli %arg0, %mul3A_102 : i32
    %add3A_104 = arith.addi %mul3A_103, %add3A_101 : i32
    "tpu.region"() ({
      %run_scoped3A = tpu.sem_alloc : memref<!tpu.dma_semaphore, #tpu.memory_space<semaphore_mem>>
      %dma_start3A_119 = arith.constant 0 : i32
      %dma_start3A_120 = tpu.memref_slice %arg5[%add3A_104, %dma_start3A_119] : memref<20480x128xbf16, #tpu.memory_space<hbm>> -> memref<128x128xbf16, #tpu.memory_space<hbm>>
      %dma_start3A_121 = arith.constant 0 : i32
      %dma_start3A_122 = tpu.memref_slice %arg5[%add3A_104, %dma_start3A_121] : memref<20480x128xbf16, #tpu.memory_space<hbm>> -> memref<128x128xbf16, #tpu.memory_space<hbm>>
      tpu.enqueue_dma source(%arg9 : memref<128x128xbf16, #tpu.memory_space<vmem>>) target(%dma_start3A_122 : memref<128x128xbf16, #tpu.memory_space<hbm>>) target_semaphore(%run_scoped3A : memref<!tpu.dma_semaphore, #tpu.memory_space<semaphore_mem>>)
      %dma_wait3A_123 = arith.constant 0 : i32
      %dma_wait3A_124 = tpu.memref_slice %arg5[%add3A_104, %dma_wait3A_123] : memref<20480x128xbf16, #tpu.memory_space<hbm>> -> memref<128x128xbf16, #tpu.memory_space<hbm>>
      %dma_wait3A_125 = arith.constant 0 : i32
      %dma_wait3A_126 = tpu.memref_slice %arg5[%add3A_104, %dma_wait3A_125] : memref<20480x128xbf16, #tpu.memory_space<hbm>> -> memref<128x128xbf16, #tpu.memory_space<hbm>>
      tpu.wait_dma2 semaphore(%run_scoped3A : memref<!tpu.dma_semaphore, #tpu.memory_space<semaphore_mem>>) src(%arg9 : memref<128x128xbf16, #tpu.memory_space<vmem>>) dst(%dma_wait3A_126 : memref<128x128xbf16, #tpu.memory_space<hbm>>)
      tpu.yield
    }) : () -> ()
    %mul3A_105 = arith.constant 640 : i32
    %mul3A_106 = arith.muli %arg1, %mul3A_105 : i32
    %add3A_107 = arith.constant 384 : i32
    %add3A_108 = arith.addi %mul3A_106, %add3A_107 : i32
    "tpu.region"() ({
      %run_scoped3A = tpu.sem_alloc : memref<!tpu.dma_semaphore, #tpu.memory_space<semaphore_mem>>
      %dma_start3A_119 = arith.constant 0 : i32
      %dma_start3A_120 = tpu.memref_slice %arg10[%add3A_108, %dma_start3A_119] : memref<10240x128xbf16, #tpu.memory_space<vmem_shared>> -> memref<128x128xbf16, #tpu.memory_space<vmem_shared>>
      %dma_start3A_121 = arith.constant 0 : i32
      %dma_start3A_122 = tpu.memref_slice %arg10[%add3A_108, %dma_start3A_121] : memref<10240x128xbf16, #tpu.memory_space<vmem_shared>> -> memref<128x128xbf16, #tpu.memory_space<vmem_shared>>
      tpu.enqueue_dma source(%dma_start3A_122 : memref<128x128xbf16, #tpu.memory_space<vmem_shared>>) target(%arg9 : memref<128x128xbf16, #tpu.memory_space<vmem>>) target_semaphore(%run_scoped3A : memref<!tpu.dma_semaphore, #tpu.memory_space<semaphore_mem>>)
      %dma_wait3A_123 = arith.constant 0 : i32
      %dma_wait3A_124 = tpu.memref_slice %arg10[%add3A_108, %dma_wait3A_123] : memref<10240x128xbf16, #tpu.memory_space<vmem_shared>> -> memref<128x128xbf16, #tpu.memory_space<vmem_shared>>
      %dma_wait3A_125 = arith.constant 0 : i32
      %dma_wait3A_126 = tpu.memref_slice %arg10[%add3A_108, %dma_wait3A_125] : memref<10240x128xbf16, #tpu.memory_space<vmem_shared>> -> memref<128x128xbf16, #tpu.memory_space<vmem_shared>>
      tpu.wait_dma2 semaphore(%run_scoped3A : memref<!tpu.dma_semaphore, #tpu.memory_space<semaphore_mem>>) src(%dma_wait3A_126 : memref<128x128xbf16, #tpu.memory_space<vmem_shared>>) dst(%arg9 : memref<128x128xbf16, #tpu.memory_space<vmem>>)
      tpu.yield
    }) : () -> ()
    %mul3A_109 = arith.constant 10240 : i32
    %mul3A_110 = arith.muli %arg0, %mul3A_109 : i32
    %add3A_111 = arith.addi %mul3A_110, %add3A_108 : i32
    "tpu.region"() ({
      %run_scoped3A = tpu.sem_alloc : memref<!tpu.dma_semaphore, #tpu.memory_space<semaphore_mem>>
      %dma_start3A_119 = arith.constant 0 : i32
      %dma_start3A_120 = tpu.memref_slice %arg5[%add3A_111, %dma_start3A_119] : memref<20480x128xbf16, #tpu.memory_space<hbm>> -> memref<128x128xbf16, #tpu.memory_space<hbm>>
      %dma_start3A_121 = arith.constant 0 : i32
      %dma_start3A_122 = tpu.memref_slice %arg5[%add3A_111, %dma_start3A_121] : memref<20480x128xbf16, #tpu.memory_space<hbm>> -> memref<128x128xbf16, #tpu.memory_space<hbm>>
      tpu.enqueue_dma source(%arg9 : memref<128x128xbf16, #tpu.memory_space<vmem>>) target(%dma_start3A_122 : memref<128x128xbf16, #tpu.memory_space<hbm>>) target_semaphore(%run_scoped3A : memref<!tpu.dma_semaphore, #tpu.memory_space<semaphore_mem>>)
      %dma_wait3A_123 = arith.constant 0 : i32
      %dma_wait3A_124 = tpu.memref_slice %arg5[%add3A_111, %dma_wait3A_123] : memref<20480x128xbf16, #tpu.memory_space<hbm>> -> memref<128x128xbf16, #tpu.memory_space<hbm>>
      %dma_wait3A_125 = arith.constant 0 : i32
      %dma_wait3A_126 = tpu.memref_slice %arg5[%add3A_111, %dma_wait3A_125] : memref<20480x128xbf16, #tpu.memory_space<hbm>> -> memref<128x128xbf16, #tpu.memory_space<hbm>>
      tpu.wait_dma2 semaphore(%run_scoped3A : memref<!tpu.dma_semaphore, #tpu.memory_space<semaphore_mem>>) src(%arg9 : memref<128x128xbf16, #tpu.memory_space<vmem>>) dst(%dma_wait3A_126 : memref<128x128xbf16, #tpu.memory_space<hbm>>)
      tpu.yield
    }) : () -> ()
    %mul3A_112 = arith.constant 640 : i32
    %mul3A_113 = arith.muli %arg1, %mul3A_112 : i32
    %add3A_114 = arith.constant 512 : i32
    %add3A_115 = arith.addi %mul3A_113, %add3A_114 : i32
    "tpu.region"() ({
      %run_scoped3A = tpu.sem_alloc : memref<!tpu.dma_semaphore, #tpu.memory_space<semaphore_mem>>
      %dma_start3A_119 = arith.constant 0 : i32
      %dma_start3A_120 = tpu.memref_slice %arg10[%add3A_115, %dma_start3A_119] : memref<10240x128xbf16, #tpu.memory_space<vmem_shared>> -> memref<128x128xbf16, #tpu.memory_space<vmem_shared>>
      %dma_start3A_121 = arith.constant 0 : i32
      %dma_start3A_122 = tpu.memref_slice %arg10[%add3A_115, %dma_start3A_121] : memref<10240x128xbf16, #tpu.memory_space<vmem_shared>> -> memref<128x128xbf16, #tpu.memory_space<vmem_shared>>
      tpu.enqueue_dma source(%dma_start3A_122 : memref<128x128xbf16, #tpu.memory_space<vmem_shared>>) target(%arg9 : memref<128x128xbf16, #tpu.memory_space<vmem>>) target_semaphore(%run_scoped3A : memref<!tpu.dma_semaphore, #tpu.memory_space<semaphore_mem>>)
      %dma_wait3A_123 = arith.constant 0 : i32
      %dma_wait3A_124 = tpu.memref_slice %arg10[%add3A_115, %dma_wait3A_123] : memref<10240x128xbf16, #tpu.memory_space<vmem_shared>> -> memref<128x128xbf16, #tpu.memory_space<vmem_shared>>
      %dma_wait3A_125 = arith.constant 0 : i32
      %dma_wait3A_126 = tpu.memref_slice %arg10[%add3A_115, %dma_wait3A_125] : memref<10240x128xbf16, #tpu.memory_space<vmem_shared>> -> memref<128x128xbf16, #tpu.memory_space<vmem_shared>>
      tpu.wait_dma2 semaphore(%run_scoped3A : memref<!tpu.dma_semaphore, #tpu.memory_space<semaphore_mem>>) src(%dma_wait3A_126 : memref<128x128xbf16, #tpu.memory_space<vmem_shared>>) dst(%arg9 : memref<128x128xbf16, #tpu.memory_space<vmem>>)
      tpu.yield
    }) : () -> ()
    %mul3A_116 = arith.constant 10240 : i32
    %mul3A_117 = arith.muli %arg0, %mul3A_116 : i32
    %add3A_118 = arith.addi %mul3A_117, %add3A_115 : i32
    "tpu.region"() ({
      %run_scoped3A = tpu.sem_alloc : memref<!tpu.dma_semaphore, #tpu.memory_space<semaphore_mem>>
      %dma_start3A_119 = arith.constant 0 : i32
      %dma_start3A_120 = tpu.memref_slice %arg5[%add3A_118, %dma_start3A_119] : memref<20480x128xbf16, #tpu.memory_space<hbm>> -> memref<128x128xbf16, #tpu.memory_space<hbm>>
      %dma_start3A_121 = arith.constant 0 : i32
      %dma_start3A_122 = tpu.memref_slice %arg5[%add3A_118, %dma_start3A_121] : memref<20480x128xbf16, #tpu.memory_space<hbm>> -> memref<128x128xbf16, #tpu.memory_space<hbm>>
      tpu.enqueue_dma source(%arg9 : memref<128x128xbf16, #tpu.memory_space<vmem>>) target(%dma_start3A_122 : memref<128x128xbf16, #tpu.memory_space<hbm>>) target_semaphore(%run_scoped3A : memref<!tpu.dma_semaphore, #tpu.memory_space<semaphore_mem>>)
      %dma_wait3A_123 = arith.constant 0 : i32
      %dma_wait3A_124 = tpu.memref_slice %arg5[%add3A_118, %dma_wait3A_123] : memref<20480x128xbf16, #tpu.memory_space<hbm>> -> memref<128x128xbf16, #tpu.memory_space<hbm>>
      %dma_wait3A_125 = arith.constant 0 : i32
      %dma_wait3A_126 = tpu.memref_slice %arg5[%add3A_118, %dma_wait3A_125] : memref<20480x128xbf16, #tpu.memory_space<hbm>> -> memref<128x128xbf16, #tpu.memory_space<hbm>>
      tpu.wait_dma2 semaphore(%run_scoped3A : memref<!tpu.dma_semaphore, #tpu.memory_space<semaphore_mem>>) src(%arg9 : memref<128x128xbf16, #tpu.memory_space<vmem>>) dst(%dma_wait3A_126 : memref<128x128xbf16, #tpu.memory_space<hbm>>)
      tpu.yield
    }) : () -> ()
    return
  }
}

#map = affine_map<(d0, d1) -> (0, 0)>
module attributes {stable_mosaic.version = 14 : i64} {
  func.func @agg(%arg0: i32, %arg1: i32, %arg2: memref<10240x160xbf16, #tpu.memory_space<hbm>>, %arg3: memref<2816x128xi32, #tpu.memory_space<hbm>>, %arg4: memref<2560x128xi32, #tpu.memory_space<hbm>>, %arg5: memref<20480x160xbf16, #tpu.memory_space<hbm>>, %arg6: memref<88x128xi32, #tpu.memory_space<vmem>>, %arg7: memref<80x128xi32, #tpu.memory_space<vmem>>, %arg8: memref<2x128x160xbf16, #tpu.memory_space<vmem>>, %arg9: memref<128x160xbf16, #tpu.memory_space<vmem>>, %arg10: memref<10240x160xbf16, #tpu.memory_space<vmem_shared>>, %arg11: memref<!tpu.dma_semaphore, #tpu.memory_space<semaphore_mem>>, %arg12: memref<!tpu.dma_semaphore, #tpu.memory_space<semaphore_mem>>) attributes {dimension_semantics = [#tpu.dimension_semantics<core_parallel>, #tpu.dimension_semantics<subcore_parallel>], iteration_bounds = array<i64: 2, 16>, scalar_prefetch = 0 : i64, scratch_operands = 7 : i64, tpu.core_type = #tpu.core_type<sc_vector_subcore>, window_params = [{transform_indices = #map}, {transform_indices = #map}, {transform_indices = #map}, {transform_indices = #map}]} {
    %mul3A = arith.constant 16 : i32
    %mul3A_0 = arith.muli %arg0, %mul3A : i32
    %add3A = arith.addi %mul3A_0, %arg1 : i32
    %mul3A_1 = arith.constant 88 : i32
    %mul3A_2 = arith.muli %add3A, %mul3A_1 : i32
    "tpu.region"() ({
      %run_scoped3A = tpu.sem_alloc : memref<!tpu.dma_semaphore, #tpu.memory_space<semaphore_mem>>
      %dma_start3A_119 = arith.constant 0 : i32
      %dma_start3A_120 = tpu.memref_slice %arg3[%mul3A_2, %dma_start3A_119] : memref<2816x128xi32, #tpu.memory_space<hbm>> -> memref<88x128xi32, #tpu.memory_space<hbm>>
      %dma_start3A_121 = arith.constant 0 : i32
      %dma_start3A_122 = tpu.memref_slice %arg3[%mul3A_2, %dma_start3A_121] : memref<2816x128xi32, #tpu.memory_space<hbm>> -> memref<88x128xi32, #tpu.memory_space<hbm>>
      tpu.enqueue_dma source(%dma_start3A_122 : memref<88x128xi32, #tpu.memory_space<hbm>>) target(%arg6 : memref<88x128xi32, #tpu.memory_space<vmem>>) target_semaphore(%run_scoped3A : memref<!tpu.dma_semaphore, #tpu.memory_space<semaphore_mem>>)
      %dma_wait3A_123 = arith.constant 0 : i32
      %dma_wait3A_124 = tpu.memref_slice %arg3[%mul3A_2, %dma_wait3A_123] : memref<2816x128xi32, #tpu.memory_space<hbm>> -> memref<88x128xi32, #tpu.memory_space<hbm>>
      %dma_wait3A_125 = arith.constant 0 : i32
      %dma_wait3A_126 = tpu.memref_slice %arg3[%mul3A_2, %dma_wait3A_125] : memref<2816x128xi32, #tpu.memory_space<hbm>> -> memref<88x128xi32, #tpu.memory_space<hbm>>
      tpu.wait_dma2 semaphore(%run_scoped3A : memref<!tpu.dma_semaphore, #tpu.memory_space<semaphore_mem>>) src(%dma_wait3A_126 : memref<88x128xi32, #tpu.memory_space<hbm>>) dst(%arg6 : memref<88x128xi32, #tpu.memory_space<vmem>>)
      tpu.yield
    }) : () -> ()
    %mul3A_3 = arith.constant 80 : i32
    %mul3A_4 = arith.muli %add3A, %mul3A_3 : i32
    "tpu.region"() ({
      %run_scoped3A = tpu.sem_alloc : memref<!tpu.dma_semaphore, #tpu.memory_space<semaphore_mem>>
      %dma_start3A_119 = arith.constant 0 : i32
      %dma_start3A_120 = tpu.memref_slice %arg4[%mul3A_4, %dma_start3A_119] : memref<2560x128xi32, #tpu.memory_space<hbm>> -> memref<80x128xi32, #tpu.memory_space<hbm>>
      %dma_start3A_121 = arith.constant 0 : i32
      %dma_start3A_122 = tpu.memref_slice %arg4[%mul3A_4, %dma_start3A_121] : memref<2560x128xi32, #tpu.memory_space<hbm>> -> memref<80x128xi32, #tpu.memory_space<hbm>>
      tpu.enqueue_dma source(%dma_start3A_122 : memref<80x128xi32, #tpu.memory_space<hbm>>) target(%arg7 : memref<80x128xi32, #tpu.memory_space<vmem>>) target_semaphore(%run_scoped3A : memref<!tpu.dma_semaphore, #tpu.memory_space<semaphore_mem>>)
      %dma_wait3A_123 = arith.constant 0 : i32
      %dma_wait3A_124 = tpu.memref_slice %arg4[%mul3A_4, %dma_wait3A_123] : memref<2560x128xi32, #tpu.memory_space<hbm>> -> memref<80x128xi32, #tpu.memory_space<hbm>>
      %dma_wait3A_125 = arith.constant 0 : i32
      %dma_wait3A_126 = tpu.memref_slice %arg4[%mul3A_4, %dma_wait3A_125] : memref<2560x128xi32, #tpu.memory_space<hbm>> -> memref<80x128xi32, #tpu.memory_space<hbm>>
      tpu.wait_dma2 semaphore(%run_scoped3A : memref<!tpu.dma_semaphore, #tpu.memory_space<semaphore_mem>>) src(%dma_wait3A_126 : memref<80x128xi32, #tpu.memory_space<hbm>>) dst(%arg7 : memref<80x128xi32, #tpu.memory_space<vmem>>)
      tpu.yield
    }) : () -> ()
    %broadcast_in_dim3A = arith.constant 0.000000e+00 : bf16
    %broadcast_in_dim3A_5 = vector.broadcast %broadcast_in_dim3A : bf16 to vector<32xbf16>
    %scan3A = arith.constant 0 : i32
    %scan3A_6 = arith.constant 0 : i32
    %scan3A_7 = arith.constant 128 : i32
    %scan3A_8 = arith.addi %scan3A_6, %scan3A_7 : i32
    %scan3A_9 = arith.constant 1 : i32
    scf.for %scan3A_119 = %scan3A_6 to %scan3A_8 step %scan3A_9  : i32 {
      %swap3A = arith.index_cast %scan3A_119 : i32 to index
      %swap3A_120 = arith.constant 0 : index
      %swap3A_121 = tpu.vector_load %arg9[%swap3A, %swap3A_120] {strides = array<i32>} : memref<128x160xbf16, #tpu.memory_space<vmem>>, vector<1x32xbf16>,
      %swap3A_122 = vector.shape_cast %swap3A_121 : vector<1x32xbf16> to vector<32xbf16>
      %swap3A_123 = vector.shape_cast %broadcast_in_dim3A_5 : vector<32xbf16> to vector<1x32xbf16>
      tpu.vector_store %arg9[%swap3A, %swap3A_120], %swap3A_123 {strides = array<i32>} : memref<128x160xbf16, #tpu.memory_space<vmem>>, vector<1x32xbf16>,
      %swap3A_124 = arith.index_cast %scan3A_119 : i32 to index
      %swap3A_125 = arith.constant 32 : index
      %swap3A_126 = tpu.vector_load %arg9[%swap3A_124, %swap3A_125] {strides = array<i32>} : memref<128x160xbf16, #tpu.memory_space<vmem>>, vector<1x32xbf16>,
      %swap3A_127 = vector.shape_cast %swap3A_126 : vector<1x32xbf16> to vector<32xbf16>
      %swap3A_128 = vector.shape_cast %broadcast_in_dim3A_5 : vector<32xbf16> to vector<1x32xbf16>
      tpu.vector_store %arg9[%swap3A_124, %swap3A_125], %swap3A_128 {strides = array<i32>} : memref<128x160xbf16, #tpu.memory_space<vmem>>, vector<1x32xbf16>,
      %swap3A_129 = arith.index_cast %scan3A_119 : i32 to index
      %swap3A_130 = arith.constant 64 : index
      %swap3A_131 = tpu.vector_load %arg9[%swap3A_129, %swap3A_130] {strides = array<i32>} : memref<128x160xbf16, #tpu.memory_space<vmem>>, vector<1x32xbf16>,
      %swap3A_132 = vector.shape_cast %swap3A_131 : vector<1x32xbf16> to vector<32xbf16>
      %swap3A_133 = vector.shape_cast %broadcast_in_dim3A_5 : vector<32xbf16> to vector<1x32xbf16>
      tpu.vector_store %arg9[%swap3A_129, %swap3A_130], %swap3A_133 {strides = array<i32>} : memref<128x160xbf16, #tpu.memory_space<vmem>>, vector<1x32xbf16>,
      %swap3A_134 = arith.index_cast %scan3A_119 : i32 to index
      %swap3A_135 = arith.constant 96 : index
      %swap3A_136 = tpu.vector_load %arg9[%swap3A_134, %swap3A_135] {strides = array<i32>} : memref<128x160xbf16, #tpu.memory_space<vmem>>, vector<1x32xbf16>,
      %swap3A_137 = vector.shape_cast %swap3A_136 : vector<1x32xbf16> to vector<32xbf16>
      %swap3A_138 = vector.shape_cast %broadcast_in_dim3A_5 : vector<32xbf16> to vector<1x32xbf16>
      tpu.vector_store %arg9[%swap3A_134, %swap3A_135], %swap3A_138 {strides = array<i32>} : memref<128x160xbf16, #tpu.memory_space<vmem>>, vector<1x32xbf16>,
      %swap3A_139 = arith.index_cast %scan3A_119 : i32 to index
      %swap3A_140 = arith.constant 128 : index
      %swap3A_141 = tpu.vector_load %arg9[%swap3A_139, %swap3A_140] {strides = array<i32>} : memref<128x160xbf16, #tpu.memory_space<vmem>>, vector<1x32xbf16>,
      %swap3A_142 = vector.shape_cast %swap3A_141 : vector<1x32xbf16> to vector<32xbf16>
      %swap3A_143 = vector.shape_cast %broadcast_in_dim3A_5 : vector<32xbf16> to vector<1x32xbf16>
      tpu.vector_store %arg9[%swap3A_139, %swap3A_140], %swap3A_143 {strides = array<i32>} : memref<128x160xbf16, #tpu.memory_space<vmem>>, vector<1x32xbf16>,
    }
    %scan3A_10 = arith.constant 128 : i32
    %mul3A_11 = arith.constant 640 : i32
    %mul3A_12 = arith.muli %arg1, %mul3A_11 : i32
    %add3A_13 = arith.constant 0 : i32
    %add3A_14 = arith.addi %mul3A_12, %add3A_13 : i32
    "tpu.region"() ({
      %run_scoped3A = tpu.sem_alloc : memref<!tpu.dma_semaphore, #tpu.memory_space<semaphore_mem>>
      %dma_start3A_119 = arith.constant 0 : i32
      %dma_start3A_120 = tpu.memref_slice %arg10[%add3A_14, %dma_start3A_119] : memref<10240x160xbf16, #tpu.memory_space<vmem_shared>> -> memref<128x160xbf16, #tpu.memory_space<vmem_shared>>
      %dma_start3A_121 = arith.constant 0 : i32
      %dma_start3A_122 = tpu.memref_slice %arg10[%add3A_14, %dma_start3A_121] : memref<10240x160xbf16, #tpu.memory_space<vmem_shared>> -> memref<128x160xbf16, #tpu.memory_space<vmem_shared>>
      tpu.enqueue_dma source(%arg9 : memref<128x160xbf16, #tpu.memory_space<vmem>>) target(%dma_start3A_122 : memref<128x160xbf16, #tpu.memory_space<vmem_shared>>) target_semaphore(%run_scoped3A : memref<!tpu.dma_semaphore, #tpu.memory_space<semaphore_mem>>)
      %dma_wait3A_123 = arith.constant 0 : i32
      %dma_wait3A_124 = tpu.memref_slice %arg10[%add3A_14, %dma_wait3A_123] : memref<10240x160xbf16, #tpu.memory_space<vmem_shared>> -> memref<128x160xbf16, #tpu.memory_space<vmem_shared>>
      %dma_wait3A_125 = arith.constant 0 : i32
      %dma_wait3A_126 = tpu.memref_slice %arg10[%add3A_14, %dma_wait3A_125] : memref<10240x160xbf16, #tpu.memory_space<vmem_shared>> -> memref<128x160xbf16, #tpu.memory_space<vmem_shared>>
      tpu.wait_dma2 semaphore(%run_scoped3A : memref<!tpu.dma_semaphore, #tpu.memory_space<semaphore_mem>>) src(%arg9 : memref<128x160xbf16, #tpu.memory_space<vmem>>) dst(%dma_wait3A_126 : memref<128x160xbf16, #tpu.memory_space<vmem_shared>>)
      tpu.yield
    }) : () -> ()
    %mul3A_15 = arith.constant 640 : i32
    %mul3A_16 = arith.muli %arg1, %mul3A_15 : i32
    %add3A_17 = arith.constant 128 : i32
    %add3A_18 = arith.addi %mul3A_16, %add3A_17 : i32
    "tpu.region"() ({
      %run_scoped3A = tpu.sem_alloc : memref<!tpu.dma_semaphore, #tpu.memory_space<semaphore_mem>>
      %dma_start3A_119 = arith.constant 0 : i32
      %dma_start3A_120 = tpu.memref_slice %arg10[%add3A_18, %dma_start3A_119] : memref<10240x160xbf16, #tpu.memory_space<vmem_shared>> -> memref<128x160xbf16, #tpu.memory_space<vmem_shared>>
      %dma_start3A_121 = arith.constant 0 : i32
      %dma_start3A_122 = tpu.memref_slice %arg10[%add3A_18, %dma_start3A_121] : memref<10240x160xbf16, #tpu.memory_space<vmem_shared>> -> memref<128x160xbf16, #tpu.memory_space<vmem_shared>>
      tpu.enqueue_dma source(%arg9 : memref<128x160xbf16, #tpu.memory_space<vmem>>) target(%dma_start3A_122 : memref<128x160xbf16, #tpu.memory_space<vmem_shared>>) target_semaphore(%run_scoped3A : memref<!tpu.dma_semaphore, #tpu.memory_space<semaphore_mem>>)
      %dma_wait3A_123 = arith.constant 0 : i32
      %dma_wait3A_124 = tpu.memref_slice %arg10[%add3A_18, %dma_wait3A_123] : memref<10240x160xbf16, #tpu.memory_space<vmem_shared>> -> memref<128x160xbf16, #tpu.memory_space<vmem_shared>>
      %dma_wait3A_125 = arith.constant 0 : i32
      %dma_wait3A_126 = tpu.memref_slice %arg10[%add3A_18, %dma_wait3A_125] : memref<10240x160xbf16, #tpu.memory_space<vmem_shared>> -> memref<128x160xbf16, #tpu.memory_space<vmem_shared>>
      tpu.wait_dma2 semaphore(%run_scoped3A : memref<!tpu.dma_semaphore, #tpu.memory_space<semaphore_mem>>) src(%arg9 : memref<128x160xbf16, #tpu.memory_space<vmem>>) dst(%dma_wait3A_126 : memref<128x160xbf16, #tpu.memory_space<vmem_shared>>)
      tpu.yield
    }) : () -> ()
    %mul3A_19 = arith.constant 640 : i32
    %mul3A_20 = arith.muli %arg1, %mul3A_19 : i32
    %add3A_21 = arith.constant 256 : i32
    %add3A_22 = arith.addi %mul3A_20, %add3A_21 : i32
    "tpu.region"() ({
      %run_scoped3A = tpu.sem_alloc : memref<!tpu.dma_semaphore, #tpu.memory_space<semaphore_mem>>
      %dma_start3A_119 = arith.constant 0 : i32
      %dma_start3A_120 = tpu.memref_slice %arg10[%add3A_22, %dma_start3A_119] : memref<10240x160xbf16, #tpu.memory_space<vmem_shared>> -> memref<128x160xbf16, #tpu.memory_space<vmem_shared>>
      %dma_start3A_121 = arith.constant 0 : i32
      %dma_start3A_122 = tpu.memref_slice %arg10[%add3A_22, %dma_start3A_121] : memref<10240x160xbf16, #tpu.memory_space<vmem_shared>> -> memref<128x160xbf16, #tpu.memory_space<vmem_shared>>
      tpu.enqueue_dma source(%arg9 : memref<128x160xbf16, #tpu.memory_space<vmem>>) target(%dma_start3A_122 : memref<128x160xbf16, #tpu.memory_space<vmem_shared>>) target_semaphore(%run_scoped3A : memref<!tpu.dma_semaphore, #tpu.memory_space<semaphore_mem>>)
      %dma_wait3A_123 = arith.constant 0 : i32
      %dma_wait3A_124 = tpu.memref_slice %arg10[%add3A_22, %dma_wait3A_123] : memref<10240x160xbf16, #tpu.memory_space<vmem_shared>> -> memref<128x160xbf16, #tpu.memory_space<vmem_shared>>
      %dma_wait3A_125 = arith.constant 0 : i32
      %dma_wait3A_126 = tpu.memref_slice %arg10[%add3A_22, %dma_wait3A_125] : memref<10240x160xbf16, #tpu.memory_space<vmem_shared>> -> memref<128x160xbf16, #tpu.memory_space<vmem_shared>>
      tpu.wait_dma2 semaphore(%run_scoped3A : memref<!tpu.dma_semaphore, #tpu.memory_space<semaphore_mem>>) src(%arg9 : memref<128x160xbf16, #tpu.memory_space<vmem>>) dst(%dma_wait3A_126 : memref<128x160xbf16, #tpu.memory_space<vmem_shared>>)
      tpu.yield
    }) : () -> ()
    %mul3A_23 = arith.constant 640 : i32
    %mul3A_24 = arith.muli %arg1, %mul3A_23 : i32
    %add3A_25 = arith.constant 384 : i32
    %add3A_26 = arith.addi %mul3A_24, %add3A_25 : i32
    "tpu.region"() ({
      %run_scoped3A = tpu.sem_alloc : memref<!tpu.dma_semaphore, #tpu.memory_space<semaphore_mem>>
      %dma_start3A_119 = arith.constant 0 : i32
      %dma_start3A_120 = tpu.memref_slice %arg10[%add3A_26, %dma_start3A_119] : memref<10240x160xbf16, #tpu.memory_space<vmem_shared>> -> memref<128x160xbf16, #tpu.memory_space<vmem_shared>>
      %dma_start3A_121 = arith.constant 0 : i32
      %dma_start3A_122 = tpu.memref_slice %arg10[%add3A_26, %dma_start3A_121] : memref<10240x160xbf16, #tpu.memory_space<vmem_shared>> -> memref<128x160xbf16, #tpu.memory_space<vmem_shared>>
      tpu.enqueue_dma source(%arg9 : memref<128x160xbf16, #tpu.memory_space<vmem>>) target(%dma_start3A_122 : memref<128x160xbf16, #tpu.memory_space<vmem_shared>>) target_semaphore(%run_scoped3A : memref<!tpu.dma_semaphore, #tpu.memory_space<semaphore_mem>>)
      %dma_wait3A_123 = arith.constant 0 : i32
      %dma_wait3A_124 = tpu.memref_slice %arg10[%add3A_26, %dma_wait3A_123] : memref<10240x160xbf16, #tpu.memory_space<vmem_shared>> -> memref<128x160xbf16, #tpu.memory_space<vmem_shared>>
      %dma_wait3A_125 = arith.constant 0 : i32
      %dma_wait3A_126 = tpu.memref_slice %arg10[%add3A_26, %dma_wait3A_125] : memref<10240x160xbf16, #tpu.memory_space<vmem_shared>> -> memref<128x160xbf16, #tpu.memory_space<vmem_shared>>
      tpu.wait_dma2 semaphore(%run_scoped3A : memref<!tpu.dma_semaphore, #tpu.memory_space<semaphore_mem>>) src(%arg9 : memref<128x160xbf16, #tpu.memory_space<vmem>>) dst(%dma_wait3A_126 : memref<128x160xbf16, #tpu.memory_space<vmem_shared>>)
      tpu.yield
    }) : () -> ()
    %mul3A_27 = arith.constant 640 : i32
    %mul3A_28 = arith.muli %arg1, %mul3A_27 : i32
    %add3A_29 = arith.constant 512 : i32
    %add3A_30 = arith.addi %mul3A_28, %add3A_29 : i32
    "tpu.region"() ({
      %run_scoped3A = tpu.sem_alloc : memref<!tpu.dma_semaphore, #tpu.memory_space<semaphore_mem>>
      %dma_start3A_119 = arith.constant 0 : i32
      %dma_start3A_120 = tpu.memref_slice %arg10[%add3A_30, %dma_start3A_119] : memref<10240x160xbf16, #tpu.memory_space<vmem_shared>> -> memref<128x160xbf16, #tpu.memory_space<vmem_shared>>
      %dma_start3A_121 = arith.constant 0 : i32
      %dma_start3A_122 = tpu.memref_slice %arg10[%add3A_30, %dma_start3A_121] : memref<10240x160xbf16, #tpu.memory_space<vmem_shared>> -> memref<128x160xbf16, #tpu.memory_space<vmem_shared>>
      tpu.enqueue_dma source(%arg9 : memref<128x160xbf16, #tpu.memory_space<vmem>>) target(%dma_start3A_122 : memref<128x160xbf16, #tpu.memory_space<vmem_shared>>) target_semaphore(%run_scoped3A : memref<!tpu.dma_semaphore, #tpu.memory_space<semaphore_mem>>)
      %dma_wait3A_123 = arith.constant 0 : i32
      %dma_wait3A_124 = tpu.memref_slice %arg10[%add3A_30, %dma_wait3A_123] : memref<10240x160xbf16, #tpu.memory_space<vmem_shared>> -> memref<128x160xbf16, #tpu.memory_space<vmem_shared>>
      %dma_wait3A_125 = arith.constant 0 : i32
      %dma_wait3A_126 = tpu.memref_slice %arg10[%add3A_30, %dma_wait3A_125] : memref<10240x160xbf16, #tpu.memory_space<vmem_shared>> -> memref<128x160xbf16, #tpu.memory_space<vmem_shared>>
      tpu.wait_dma2 semaphore(%run_scoped3A : memref<!tpu.dma_semaphore, #tpu.memory_space<semaphore_mem>>) src(%arg9 : memref<128x160xbf16, #tpu.memory_space<vmem>>) dst(%dma_wait3A_126 : memref<128x160xbf16, #tpu.memory_space<vmem_shared>>)
      tpu.yield
    }) : () -> ()
    %barrier3A = arith.constant 0 : index
    tpu.barrier barrier_id(%barrier3A)
    %dma_start3A = arith.constant 0 : i32
    %dma_start3A_31 = arith.constant 0 : i32
    %dma_start3A_32 = arith.constant 0 : i32
    %dma_start3A_33 = arith.constant 0 : i32
    %dma_start3A_34 = tpu.memref_slice %arg8[%dma_start3A_31, %dma_start3A_32, %dma_start3A_33] : memref<2x128x160xbf16, #tpu.memory_space<vmem>> -> memref<1x128x160xbf16, #tpu.memory_space<vmem>>
    %dma_start3A_35 = tpu.memref_squeeze %dma_start3A_34 : memref<1x128x160xbf16, #tpu.memory_space<vmem>> -> memref<128x160xbf16, #tpu.memory_space<vmem>>
    %dma_start3A_36 = arith.constant 0 : i32
    %dma_start3A_37 = tpu.memref_slice %arg6[%dma_start3A, %dma_start3A_36] : memref<88x128xi32, #tpu.memory_space<vmem>> -> memref<1x128xi32, #tpu.memory_space<vmem>>
    %dma_start3A_38 = tpu.memref_squeeze %dma_start3A_37 : memref<1x128xi32, #tpu.memory_space<vmem>> -> memref<128xi32, #tpu.memory_space<vmem>>
    %dma_start3A_39 = arith.constant 0 : i32
    %dma_start3A_40 = arith.constant 0 : i32
    %dma_start3A_41 = tpu.memref_slice %arg2[%dma_start3A_39, %dma_start3A_40] : memref<10240x160xbf16, #tpu.memory_space<hbm>> -> memref<10240x160xbf16, #tpu.memory_space<hbm>>
    tpu.enqueue_indirect_dma source(%dma_start3A_41 : memref<10240x160xbf16, #tpu.memory_space<hbm>>) target(%dma_start3A_35 : memref<128x160xbf16, #tpu.memory_space<vmem>>) offsets(%dma_start3A_38 : memref<128xi32, #tpu.memory_space<vmem>>) semaphore(%arg11 : memref<!tpu.dma_semaphore, #tpu.memory_space<semaphore_mem>>)
    %dma_start3A_42 = arith.constant 1 : i32
    %dma_start3A_43 = arith.constant 1 : i32
    %dma_start3A_44 = arith.constant 0 : i32
    %dma_start3A_45 = arith.constant 0 : i32
    %dma_start3A_46 = tpu.memref_slice %arg8[%dma_start3A_43, %dma_start3A_44, %dma_start3A_45] : memref<2x128x160xbf16, #tpu.memory_space<vmem>> -> memref<1x128x160xbf16, #tpu.memory_space<vmem>>
    %dma_start3A_47 = tpu.memref_squeeze %dma_start3A_46 : memref<1x128x160xbf16, #tpu.memory_space<vmem>> -> memref<128x160xbf16, #tpu.memory_space<vmem>>
    %dma_start3A_48 = arith.constant 0 : i32
    %dma_start3A_49 = tpu.memref_slice %arg6[%dma_start3A_42, %dma_start3A_48] : memref<88x128xi32, #tpu.memory_space<vmem>> -> memref<1x128xi32, #tpu.memory_space<vmem>>
    %dma_start3A_50 = tpu.memref_squeeze %dma_start3A_49 : memref<1x128xi32, #tpu.memory_space<vmem>> -> memref<128xi32, #tpu.memory_space<vmem>>
    %dma_start3A_51 = arith.constant 0 : i32
    %dma_start3A_52 = arith.constant 0 : i32
    %dma_start3A_53 = tpu.memref_slice %arg2[%dma_start3A_51, %dma_start3A_52] : memref<10240x160xbf16, #tpu.memory_space<hbm>> -> memref<10240x160xbf16, #tpu.memory_space<hbm>>
    tpu.enqueue_indirect_dma source(%dma_start3A_53 : memref<10240x160xbf16, #tpu.memory_space<hbm>>) target(%dma_start3A_47 : memref<128x160xbf16, #tpu.memory_space<vmem>>) offsets(%dma_start3A_50 : memref<128xi32, #tpu.memory_space<vmem>>) semaphore(%arg12 : memref<!tpu.dma_semaphore, #tpu.memory_space<semaphore_mem>>)
    %scan3A_54 = arith.constant 0 : i32
    %scan3A_55 = arith.constant 0 : i32
    %scan3A_56 = arith.constant 40 : i32
    %scan3A_57 = arith.addi %scan3A_55, %scan3A_56 : i32
    %scan3A_58 = arith.constant 1 : i32
    scf.for %scan3A_119 = %scan3A_55 to %scan3A_57 step %scan3A_58  : i32 {
      %mul3A_120 = arith.constant 2 : i32
      %mul3A_121 = arith.muli %scan3A_119, %mul3A_120 : i32
      %add3A_122 = arith.constant 0 : i32
      %add3A_123 = arith.addi %mul3A_121, %add3A_122 : i32
      %dma_wait3A_124 = arith.constant 0 : i32
      %dma_wait3A_125 = arith.constant 0 : i32
      %dma_wait3A_126 = arith.constant 0 : i32
      %dma_wait3A_127 = tpu.memref_slice %arg8[%dma_wait3A_124, %dma_wait3A_125, %dma_wait3A_126] : memref<2x128x160xbf16, #tpu.memory_space<vmem>> -> memref<1x128x160xbf16, #tpu.memory_space<vmem>>
      %dma_wait3A_128 = tpu.memref_squeeze %dma_wait3A_127 : memref<1x128x160xbf16, #tpu.memory_space<vmem>> -> memref<128x160xbf16, #tpu.memory_space<vmem>>
      %dma_wait3A_129 = arith.constant 0 : i32
      %dma_wait3A_130 = tpu.memref_slice %arg6[%add3A_123, %dma_wait3A_129] : memref<88x128xi32, #tpu.memory_space<vmem>> -> memref<1x128xi32, #tpu.memory_space<vmem>>
      %dma_wait3A_131 = tpu.memref_squeeze %dma_wait3A_130 : memref<1x128xi32, #tpu.memory_space<vmem>> -> memref<128xi32, #tpu.memory_space<vmem>>
      %dma_wait3A_132 = arith.constant 0 : i32
      %dma_wait3A_133 = arith.constant 0 : i32
      %dma_wait3A_134 = tpu.memref_slice %arg2[%dma_wait3A_132, %dma_wait3A_133] : memref<10240x160xbf16, #tpu.memory_space<hbm>> -> memref<10240x160xbf16, #tpu.memory_space<hbm>>
      tpu.wait_indirect_dma semaphore(%arg11 : memref<!tpu.dma_semaphore, #tpu.memory_space<semaphore_mem>>) src(%dma_wait3A_134 : memref<10240x160xbf16, #tpu.memory_space<hbm>>) dst(%dma_wait3A_128 : memref<128x160xbf16, #tpu.memory_space<vmem>>)
      %run_scoped3A = arith.constant 0 : i32
      "tpu.region"() ({
        %run_scoped3A_177 = tpu.sem_alloc : memref<!tpu.dma_semaphore, #tpu.memory_space<semaphore_mem>>
        %dma_start3A_178 = arith.constant 0 : i32
        %dma_start3A_179 = arith.constant 0 : i32
        %dma_start3A_180 = tpu.memref_slice %arg8[%run_scoped3A, %dma_start3A_178, %dma_start3A_179] : memref<2x128x160xbf16, #tpu.memory_space<vmem>> -> memref<1x128x160xbf16, #tpu.memory_space<vmem>>
        %dma_start3A_181 = tpu.memref_squeeze %dma_start3A_180 : memref<1x128x160xbf16, #tpu.memory_space<vmem>> -> memref<128x160xbf16, #tpu.memory_space<vmem>>
        %dma_start3A_182 = arith.constant 0 : i32
        %dma_start3A_183 = tpu.memref_slice %arg7[%add3A_123, %dma_start3A_182] : memref<80x128xi32, #tpu.memory_space<vmem>> -> memref<1x128xi32, #tpu.memory_space<vmem>>
        %dma_start3A_184 = tpu.memref_squeeze %dma_start3A_183 : memref<1x128xi32, #tpu.memory_space<vmem>> -> memref<128xi32, #tpu.memory_space<vmem>>
        %dma_start3A_185 = arith.constant 0 : i32
        %dma_start3A_186 = arith.constant 0 : i32
        %dma_start3A_187 = tpu.memref_slice %arg10[%dma_start3A_185, %dma_start3A_186] : memref<10240x160xbf16, #tpu.memory_space<vmem_shared>> -> memref<10240x160xbf16, #tpu.memory_space<vmem_shared>>
        tpu.enqueue_indirect_dma source(%dma_start3A_181 : memref<128x160xbf16, #tpu.memory_space<vmem>>) target(%dma_start3A_187 : memref<10240x160xbf16, #tpu.memory_space<vmem_shared>>) offsets(%dma_start3A_184 : memref<128xi32, #tpu.memory_space<vmem>>) semaphore(%run_scoped3A_177 : memref<!tpu.dma_semaphore, #tpu.memory_space<semaphore_mem>>) {add = true}
        %dma_wait3A_188 = arith.constant 0 : i32
        %dma_wait3A_189 = arith.constant 0 : i32
        %dma_wait3A_190 = tpu.memref_slice %arg8[%run_scoped3A, %dma_wait3A_188, %dma_wait3A_189] : memref<2x128x160xbf16, #tpu.memory_space<vmem>> -> memref<1x128x160xbf16, #tpu.memory_space<vmem>>
        %dma_wait3A_191 = tpu.memref_squeeze %dma_wait3A_190 : memref<1x128x160xbf16, #tpu.memory_space<vmem>> -> memref<128x160xbf16, #tpu.memory_space<vmem>>
        %dma_wait3A_192 = arith.constant 0 : i32
        %dma_wait3A_193 = tpu.memref_slice %arg7[%add3A_123, %dma_wait3A_192] : memref<80x128xi32, #tpu.memory_space<vmem>> -> memref<1x128xi32, #tpu.memory_space<vmem>>
        %dma_wait3A_194 = tpu.memref_squeeze %dma_wait3A_193 : memref<1x128xi32, #tpu.memory_space<vmem>> -> memref<128xi32, #tpu.memory_space<vmem>>
        %dma_wait3A_195 = arith.constant 0 : i32
        %dma_wait3A_196 = arith.constant 0 : i32
        %dma_wait3A_197 = tpu.memref_slice %arg10[%dma_wait3A_195, %dma_wait3A_196] : memref<10240x160xbf16, #tpu.memory_space<vmem_shared>> -> memref<10240x160xbf16, #tpu.memory_space<vmem_shared>>
        tpu.wait_indirect_dma semaphore(%run_scoped3A_177 : memref<!tpu.dma_semaphore, #tpu.memory_space<semaphore_mem>>) src(%dma_wait3A_191 : memref<128x160xbf16, #tpu.memory_space<vmem>>) dst(%dma_wait3A_197 : memref<10240x160xbf16, #tpu.memory_space<vmem_shared>>)
        tpu.yield
      }) : () -> ()
      %add3A_135 = arith.constant 2 : i32
      %add3A_136 = arith.addi %add3A_123, %add3A_135 : i32
      %dma_start3A_137 = arith.constant 0 : i32
      %dma_start3A_138 = arith.constant 0 : i32
      %dma_start3A_139 = arith.constant 0 : i32
      %dma_start3A_140 = tpu.memref_slice %arg8[%dma_start3A_137, %dma_start3A_138, %dma_start3A_139] : memref<2x128x160xbf16, #tpu.memory_space<vmem>> -> memref<1x128x160xbf16, #tpu.memory_space<vmem>>
      %dma_start3A_141 = tpu.memref_squeeze %dma_start3A_140 : memref<1x128x160xbf16, #tpu.memory_space<vmem>> -> memref<128x160xbf16, #tpu.memory_space<vmem>>
      %dma_start3A_142 = arith.constant 0 : i32
      %dma_start3A_143 = tpu.memref_slice %arg6[%add3A_136, %dma_start3A_142] : memref<88x128xi32, #tpu.memory_space<vmem>> -> memref<1x128xi32, #tpu.memory_space<vmem>>
      %dma_start3A_144 = tpu.memref_squeeze %dma_start3A_143 : memref<1x128xi32, #tpu.memory_space<vmem>> -> memref<128xi32, #tpu.memory_space<vmem>>
      %dma_start3A_145 = arith.constant 0 : i32
      %dma_start3A_146 = arith.constant 0 : i32
      %dma_start3A_147 = tpu.memref_slice %arg2[%dma_start3A_145, %dma_start3A_146] : memref<10240x160xbf16, #tpu.memory_space<hbm>> -> memref<10240x160xbf16, #tpu.memory_space<hbm>>
      tpu.enqueue_indirect_dma source(%dma_start3A_147 : memref<10240x160xbf16, #tpu.memory_space<hbm>>) target(%dma_start3A_141 : memref<128x160xbf16, #tpu.memory_space<vmem>>) offsets(%dma_start3A_144 : memref<128xi32, #tpu.memory_space<vmem>>) semaphore(%arg11 : memref<!tpu.dma_semaphore, #tpu.memory_space<semaphore_mem>>)
      %mul3A_148 = arith.constant 2 : i32
      %mul3A_149 = arith.muli %scan3A_119, %mul3A_148 : i32
      %add3A_150 = arith.constant 1 : i32
      %add3A_151 = arith.addi %mul3A_149, %add3A_150 : i32
      %dma_wait3A_152 = arith.constant 1 : i32
      %dma_wait3A_153 = arith.constant 0 : i32
      %dma_wait3A_154 = arith.constant 0 : i32
      %dma_wait3A_155 = tpu.memref_slice %arg8[%dma_wait3A_152, %dma_wait3A_153, %dma_wait3A_154] : memref<2x128x160xbf16, #tpu.memory_space<vmem>> -> memref<1x128x160xbf16, #tpu.memory_space<vmem>>
      %dma_wait3A_156 = tpu.memref_squeeze %dma_wait3A_155 : memref<1x128x160xbf16, #tpu.memory_space<vmem>> -> memref<128x160xbf16, #tpu.memory_space<vmem>>
      %dma_wait3A_157 = arith.constant 0 : i32
      %dma_wait3A_158 = tpu.memref_slice %arg6[%add3A_151, %dma_wait3A_157] : memref<88x128xi32, #tpu.memory_space<vmem>> -> memref<1x128xi32, #tpu.memory_space<vmem>>
      %dma_wait3A_159 = tpu.memref_squeeze %dma_wait3A_158 : memref<1x128xi32, #tpu.memory_space<vmem>> -> memref<128xi32, #tpu.memory_space<vmem>>
      %dma_wait3A_160 = arith.constant 0 : i32
      %dma_wait3A_161 = arith.constant 0 : i32
      %dma_wait3A_162 = tpu.memref_slice %arg2[%dma_wait3A_160, %dma_wait3A_161] : memref<10240x160xbf16, #tpu.memory_space<hbm>> -> memref<10240x160xbf16, #tpu.memory_space<hbm>>
      tpu.wait_indirect_dma semaphore(%arg12 : memref<!tpu.dma_semaphore, #tpu.memory_space<semaphore_mem>>) src(%dma_wait3A_162 : memref<10240x160xbf16, #tpu.memory_space<hbm>>) dst(%dma_wait3A_156 : memref<128x160xbf16, #tpu.memory_space<vmem>>)
      %run_scoped3A_163 = arith.constant 1 : i32
      "tpu.region"() ({
        %run_scoped3A_177 = tpu.sem_alloc : memref<!tpu.dma_semaphore, #tpu.memory_space<semaphore_mem>>
        %dma_start3A_178 = arith.constant 0 : i32
        %dma_start3A_179 = arith.constant 0 : i32
        %dma_start3A_180 = tpu.memref_slice %arg8[%run_scoped3A_163, %dma_start3A_178, %dma_start3A_179] : memref<2x128x160xbf16, #tpu.memory_space<vmem>> -> memref<1x128x160xbf16, #tpu.memory_space<vmem>>
        %dma_start3A_181 = tpu.memref_squeeze %dma_start3A_180 : memref<1x128x160xbf16, #tpu.memory_space<vmem>> -> memref<128x160xbf16, #tpu.memory_space<vmem>>
        %dma_start3A_182 = arith.constant 0 : i32
        %dma_start3A_183 = tpu.memref_slice %arg7[%add3A_151, %dma_start3A_182] : memref<80x128xi32, #tpu.memory_space<vmem>> -> memref<1x128xi32, #tpu.memory_space<vmem>>
        %dma_start3A_184 = tpu.memref_squeeze %dma_start3A_183 : memref<1x128xi32, #tpu.memory_space<vmem>> -> memref<128xi32, #tpu.memory_space<vmem>>
        %dma_start3A_185 = arith.constant 0 : i32
        %dma_start3A_186 = arith.constant 0 : i32
        %dma_start3A_187 = tpu.memref_slice %arg10[%dma_start3A_185, %dma_start3A_186] : memref<10240x160xbf16, #tpu.memory_space<vmem_shared>> -> memref<10240x160xbf16, #tpu.memory_space<vmem_shared>>
        tpu.enqueue_indirect_dma source(%dma_start3A_181 : memref<128x160xbf16, #tpu.memory_space<vmem>>) target(%dma_start3A_187 : memref<10240x160xbf16, #tpu.memory_space<vmem_shared>>) offsets(%dma_start3A_184 : memref<128xi32, #tpu.memory_space<vmem>>) semaphore(%run_scoped3A_177 : memref<!tpu.dma_semaphore, #tpu.memory_space<semaphore_mem>>) {add = true}
        %dma_wait3A_188 = arith.constant 0 : i32
        %dma_wait3A_189 = arith.constant 0 : i32
        %dma_wait3A_190 = tpu.memref_slice %arg8[%run_scoped3A_163, %dma_wait3A_188, %dma_wait3A_189] : memref<2x128x160xbf16, #tpu.memory_space<vmem>> -> memref<1x128x160xbf16, #tpu.memory_space<vmem>>
        %dma_wait3A_191 = tpu.memref_squeeze %dma_wait3A_190 : memref<1x128x160xbf16, #tpu.memory_space<vmem>> -> memref<128x160xbf16, #tpu.memory_space<vmem>>
        %dma_wait3A_192 = arith.constant 0 : i32
        %dma_wait3A_193 = tpu.memref_slice %arg7[%add3A_151, %dma_wait3A_192] : memref<80x128xi32, #tpu.memory_space<vmem>> -> memref<1x128xi32, #tpu.memory_space<vmem>>
        %dma_wait3A_194 = tpu.memref_squeeze %dma_wait3A_193 : memref<1x128xi32, #tpu.memory_space<vmem>> -> memref<128xi32, #tpu.memory_space<vmem>>
        %dma_wait3A_195 = arith.constant 0 : i32
        %dma_wait3A_196 = arith.constant 0 : i32
        %dma_wait3A_197 = tpu.memref_slice %arg10[%dma_wait3A_195, %dma_wait3A_196] : memref<10240x160xbf16, #tpu.memory_space<vmem_shared>> -> memref<10240x160xbf16, #tpu.memory_space<vmem_shared>>
        tpu.wait_indirect_dma semaphore(%run_scoped3A_177 : memref<!tpu.dma_semaphore, #tpu.memory_space<semaphore_mem>>) src(%dma_wait3A_191 : memref<128x160xbf16, #tpu.memory_space<vmem>>) dst(%dma_wait3A_197 : memref<10240x160xbf16, #tpu.memory_space<vmem_shared>>)
        tpu.yield
      }) : () -> ()
      %add3A_164 = arith.constant 2 : i32
      %add3A_165 = arith.addi %add3A_151, %add3A_164 : i32
      %dma_start3A_166 = arith.constant 1 : i32
      %dma_start3A_167 = arith.constant 0 : i32
      %dma_start3A_168 = arith.constant 0 : i32
      %dma_start3A_169 = tpu.memref_slice %arg8[%dma_start3A_166, %dma_start3A_167, %dma_start3A_168] : memref<2x128x160xbf16, #tpu.memory_space<vmem>> -> memref<1x128x160xbf16, #tpu.memory_space<vmem>>
      %dma_start3A_170 = tpu.memref_squeeze %dma_start3A_169 : memref<1x128x160xbf16, #tpu.memory_space<vmem>> -> memref<128x160xbf16, #tpu.memory_space<vmem>>
      %dma_start3A_171 = arith.constant 0 : i32
      %dma_start3A_172 = tpu.memref_slice %arg6[%add3A_165, %dma_start3A_171] : memref<88x128xi32, #tpu.memory_space<vmem>> -> memref<1x128xi32, #tpu.memory_space<vmem>>
      %dma_start3A_173 = tpu.memref_squeeze %dma_start3A_172 : memref<1x128xi32, #tpu.memory_space<vmem>> -> memref<128xi32, #tpu.memory_space<vmem>>
      %dma_start3A_174 = arith.constant 0 : i32
      %dma_start3A_175 = arith.constant 0 : i32
      %dma_start3A_176 = tpu.memref_slice %arg2[%dma_start3A_174, %dma_start3A_175] : memref<10240x160xbf16, #tpu.memory_space<hbm>> -> memref<10240x160xbf16, #tpu.memory_space<hbm>>
      tpu.enqueue_indirect_dma source(%dma_start3A_176 : memref<10240x160xbf16, #tpu.memory_space<hbm>>) target(%dma_start3A_170 : memref<128x160xbf16, #tpu.memory_space<vmem>>) offsets(%dma_start3A_173 : memref<128xi32, #tpu.memory_space<vmem>>) semaphore(%arg12 : memref<!tpu.dma_semaphore, #tpu.memory_space<semaphore_mem>>)
    }
    %scan3A_59 = arith.constant 40 : i32
    %dma_wait3A = arith.constant 80 : i32
    %dma_wait3A_60 = arith.constant 0 : i32
    %dma_wait3A_61 = arith.constant 0 : i32
    %dma_wait3A_62 = arith.constant 0 : i32
    %dma_wait3A_63 = tpu.memref_slice %arg8[%dma_wait3A_60, %dma_wait3A_61, %dma_wait3A_62] : memref<2x128x160xbf16, #tpu.memory_space<vmem>> -> memref<1x128x160xbf16, #tpu.memory_space<vmem>>
    %dma_wait3A_64 = tpu.memref_squeeze %dma_wait3A_63 : memref<1x128x160xbf16, #tpu.memory_space<vmem>> -> memref<128x160xbf16, #tpu.memory_space<vmem>>
    %dma_wait3A_65 = arith.constant 0 : i32
    %dma_wait3A_66 = tpu.memref_slice %arg6[%dma_wait3A, %dma_wait3A_65] : memref<88x128xi32, #tpu.memory_space<vmem>> -> memref<1x128xi32, #tpu.memory_space<vmem>>
    %dma_wait3A_67 = tpu.memref_squeeze %dma_wait3A_66 : memref<1x128xi32, #tpu.memory_space<vmem>> -> memref<128xi32, #tpu.memory_space<vmem>>
    %dma_wait3A_68 = arith.constant 0 : i32
    %dma_wait3A_69 = arith.constant 0 : i32
    %dma_wait3A_70 = tpu.memref_slice %arg2[%dma_wait3A_68, %dma_wait3A_69] : memref<10240x160xbf16, #tpu.memory_space<hbm>> -> memref<10240x160xbf16, #tpu.memory_space<hbm>>
    tpu.wait_indirect_dma semaphore(%arg11 : memref<!tpu.dma_semaphore, #tpu.memory_space<semaphore_mem>>) src(%dma_wait3A_70 : memref<10240x160xbf16, #tpu.memory_space<hbm>>) dst(%dma_wait3A_64 : memref<128x160xbf16, #tpu.memory_space<vmem>>)
    %dma_wait3A_71 = arith.constant 81 : i32
    %dma_wait3A_72 = arith.constant 1 : i32
    %dma_wait3A_73 = arith.constant 0 : i32
    %dma_wait3A_74 = arith.constant 0 : i32
    %dma_wait3A_75 = tpu.memref_slice %arg8[%dma_wait3A_72, %dma_wait3A_73, %dma_wait3A_74] : memref<2x128x160xbf16, #tpu.memory_space<vmem>> -> memref<1x128x160xbf16, #tpu.memory_space<vmem>>
    %dma_wait3A_76 = tpu.memref_squeeze %dma_wait3A_75 : memref<1x128x160xbf16, #tpu.memory_space<vmem>> -> memref<128x160xbf16, #tpu.memory_space<vmem>>
    %dma_wait3A_77 = arith.constant 0 : i32
    %dma_wait3A_78 = tpu.memref_slice %arg6[%dma_wait3A_71, %dma_wait3A_77] : memref<88x128xi32, #tpu.memory_space<vmem>> -> memref<1x128xi32, #tpu.memory_space<vmem>>
    %dma_wait3A_79 = tpu.memref_squeeze %dma_wait3A_78 : memref<1x128xi32, #tpu.memory_space<vmem>> -> memref<128xi32, #tpu.memory_space<vmem>>
    %dma_wait3A_80 = arith.constant 0 : i32
    %dma_wait3A_81 = arith.constant 0 : i32
    %dma_wait3A_82 = tpu.memref_slice %arg2[%dma_wait3A_80, %dma_wait3A_81] : memref<10240x160xbf16, #tpu.memory_space<hbm>> -> memref<10240x160xbf16, #tpu.memory_space<hbm>>
    tpu.wait_indirect_dma semaphore(%arg12 : memref<!tpu.dma_semaphore, #tpu.memory_space<semaphore_mem>>) src(%dma_wait3A_82 : memref<10240x160xbf16, #tpu.memory_space<hbm>>) dst(%dma_wait3A_76 : memref<128x160xbf16, #tpu.memory_space<vmem>>)
    %barrier3A_83 = arith.constant 0 : index
    tpu.barrier barrier_id(%barrier3A_83)
    %mul3A_84 = arith.constant 640 : i32
    %mul3A_85 = arith.muli %arg1, %mul3A_84 : i32
    %add3A_86 = arith.constant 0 : i32
    %add3A_87 = arith.addi %mul3A_85, %add3A_86 : i32
    "tpu.region"() ({
      %run_scoped3A = tpu.sem_alloc : memref<!tpu.dma_semaphore, #tpu.memory_space<semaphore_mem>>
      %dma_start3A_119 = arith.constant 0 : i32
      %dma_start3A_120 = tpu.memref_slice %arg10[%add3A_87, %dma_start3A_119] : memref<10240x160xbf16, #tpu.memory_space<vmem_shared>> -> memref<128x160xbf16, #tpu.memory_space<vmem_shared>>
      %dma_start3A_121 = arith.constant 0 : i32
      %dma_start3A_122 = tpu.memref_slice %arg10[%add3A_87, %dma_start3A_121] : memref<10240x160xbf16, #tpu.memory_space<vmem_shared>> -> memref<128x160xbf16, #tpu.memory_space<vmem_shared>>
      tpu.enqueue_dma source(%dma_start3A_122 : memref<128x160xbf16, #tpu.memory_space<vmem_shared>>) target(%arg9 : memref<128x160xbf16, #tpu.memory_space<vmem>>) target_semaphore(%run_scoped3A : memref<!tpu.dma_semaphore, #tpu.memory_space<semaphore_mem>>)
      %dma_wait3A_123 = arith.constant 0 : i32
      %dma_wait3A_124 = tpu.memref_slice %arg10[%add3A_87, %dma_wait3A_123] : memref<10240x160xbf16, #tpu.memory_space<vmem_shared>> -> memref<128x160xbf16, #tpu.memory_space<vmem_shared>>
      %dma_wait3A_125 = arith.constant 0 : i32
      %dma_wait3A_126 = tpu.memref_slice %arg10[%add3A_87, %dma_wait3A_125] : memref<10240x160xbf16, #tpu.memory_space<vmem_shared>> -> memref<128x160xbf16, #tpu.memory_space<vmem_shared>>
      tpu.wait_dma2 semaphore(%run_scoped3A : memref<!tpu.dma_semaphore, #tpu.memory_space<semaphore_mem>>) src(%dma_wait3A_126 : memref<128x160xbf16, #tpu.memory_space<vmem_shared>>) dst(%arg9 : memref<128x160xbf16, #tpu.memory_space<vmem>>)
      tpu.yield
    }) : () -> ()
    %mul3A_88 = arith.constant 10240 : i32
    %mul3A_89 = arith.muli %arg0, %mul3A_88 : i32
    %add3A_90 = arith.addi %mul3A_89, %add3A_87 : i32
    "tpu.region"() ({
      %run_scoped3A = tpu.sem_alloc : memref<!tpu.dma_semaphore, #tpu.memory_space<semaphore_mem>>
      %dma_start3A_119 = arith.constant 0 : i32
      %dma_start3A_120 = tpu.memref_slice %arg5[%add3A_90, %dma_start3A_119] : memref<20480x160xbf16, #tpu.memory_space<hbm>> -> memref<128x160xbf16, #tpu.memory_space<hbm>>
      %dma_start3A_121 = arith.constant 0 : i32
      %dma_start3A_122 = tpu.memref_slice %arg5[%add3A_90, %dma_start3A_121] : memref<20480x160xbf16, #tpu.memory_space<hbm>> -> memref<128x160xbf16, #tpu.memory_space<hbm>>
      tpu.enqueue_dma source(%arg9 : memref<128x160xbf16, #tpu.memory_space<vmem>>) target(%dma_start3A_122 : memref<128x160xbf16, #tpu.memory_space<hbm>>) target_semaphore(%run_scoped3A : memref<!tpu.dma_semaphore, #tpu.memory_space<semaphore_mem>>)
      %dma_wait3A_123 = arith.constant 0 : i32
      %dma_wait3A_124 = tpu.memref_slice %arg5[%add3A_90, %dma_wait3A_123] : memref<20480x160xbf16, #tpu.memory_space<hbm>> -> memref<128x160xbf16, #tpu.memory_space<hbm>>
      %dma_wait3A_125 = arith.constant 0 : i32
      %dma_wait3A_126 = tpu.memref_slice %arg5[%add3A_90, %dma_wait3A_125] : memref<20480x160xbf16, #tpu.memory_space<hbm>> -> memref<128x160xbf16, #tpu.memory_space<hbm>>
      tpu.wait_dma2 semaphore(%run_scoped3A : memref<!tpu.dma_semaphore, #tpu.memory_space<semaphore_mem>>) src(%arg9 : memref<128x160xbf16, #tpu.memory_space<vmem>>) dst(%dma_wait3A_126 : memref<128x160xbf16, #tpu.memory_space<hbm>>)
      tpu.yield
    }) : () -> ()
    %mul3A_91 = arith.constant 640 : i32
    %mul3A_92 = arith.muli %arg1, %mul3A_91 : i32
    %add3A_93 = arith.constant 128 : i32
    %add3A_94 = arith.addi %mul3A_92, %add3A_93 : i32
    "tpu.region"() ({
      %run_scoped3A = tpu.sem_alloc : memref<!tpu.dma_semaphore, #tpu.memory_space<semaphore_mem>>
      %dma_start3A_119 = arith.constant 0 : i32
      %dma_start3A_120 = tpu.memref_slice %arg10[%add3A_94, %dma_start3A_119] : memref<10240x160xbf16, #tpu.memory_space<vmem_shared>> -> memref<128x160xbf16, #tpu.memory_space<vmem_shared>>
      %dma_start3A_121 = arith.constant 0 : i32
      %dma_start3A_122 = tpu.memref_slice %arg10[%add3A_94, %dma_start3A_121] : memref<10240x160xbf16, #tpu.memory_space<vmem_shared>> -> memref<128x160xbf16, #tpu.memory_space<vmem_shared>>
      tpu.enqueue_dma source(%dma_start3A_122 : memref<128x160xbf16, #tpu.memory_space<vmem_shared>>) target(%arg9 : memref<128x160xbf16, #tpu.memory_space<vmem>>) target_semaphore(%run_scoped3A : memref<!tpu.dma_semaphore, #tpu.memory_space<semaphore_mem>>)
      %dma_wait3A_123 = arith.constant 0 : i32
      %dma_wait3A_124 = tpu.memref_slice %arg10[%add3A_94, %dma_wait3A_123] : memref<10240x160xbf16, #tpu.memory_space<vmem_shared>> -> memref<128x160xbf16, #tpu.memory_space<vmem_shared>>
      %dma_wait3A_125 = arith.constant 0 : i32
      %dma_wait3A_126 = tpu.memref_slice %arg10[%add3A_94, %dma_wait3A_125] : memref<10240x160xbf16, #tpu.memory_space<vmem_shared>> -> memref<128x160xbf16, #tpu.memory_space<vmem_shared>>
      tpu.wait_dma2 semaphore(%run_scoped3A : memref<!tpu.dma_semaphore, #tpu.memory_space<semaphore_mem>>) src(%dma_wait3A_126 : memref<128x160xbf16, #tpu.memory_space<vmem_shared>>) dst(%arg9 : memref<128x160xbf16, #tpu.memory_space<vmem>>)
      tpu.yield
    }) : () -> ()
    %mul3A_95 = arith.constant 10240 : i32
    %mul3A_96 = arith.muli %arg0, %mul3A_95 : i32
    %add3A_97 = arith.addi %mul3A_96, %add3A_94 : i32
    "tpu.region"() ({
      %run_scoped3A = tpu.sem_alloc : memref<!tpu.dma_semaphore, #tpu.memory_space<semaphore_mem>>
      %dma_start3A_119 = arith.constant 0 : i32
      %dma_start3A_120 = tpu.memref_slice %arg5[%add3A_97, %dma_start3A_119] : memref<20480x160xbf16, #tpu.memory_space<hbm>> -> memref<128x160xbf16, #tpu.memory_space<hbm>>
      %dma_start3A_121 = arith.constant 0 : i32
      %dma_start3A_122 = tpu.memref_slice %arg5[%add3A_97, %dma_start3A_121] : memref<20480x160xbf16, #tpu.memory_space<hbm>> -> memref<128x160xbf16, #tpu.memory_space<hbm>>
      tpu.enqueue_dma source(%arg9 : memref<128x160xbf16, #tpu.memory_space<vmem>>) target(%dma_start3A_122 : memref<128x160xbf16, #tpu.memory_space<hbm>>) target_semaphore(%run_scoped3A : memref<!tpu.dma_semaphore, #tpu.memory_space<semaphore_mem>>)
      %dma_wait3A_123 = arith.constant 0 : i32
      %dma_wait3A_124 = tpu.memref_slice %arg5[%add3A_97, %dma_wait3A_123] : memref<20480x160xbf16, #tpu.memory_space<hbm>> -> memref<128x160xbf16, #tpu.memory_space<hbm>>
      %dma_wait3A_125 = arith.constant 0 : i32
      %dma_wait3A_126 = tpu.memref_slice %arg5[%add3A_97, %dma_wait3A_125] : memref<20480x160xbf16, #tpu.memory_space<hbm>> -> memref<128x160xbf16, #tpu.memory_space<hbm>>
      tpu.wait_dma2 semaphore(%run_scoped3A : memref<!tpu.dma_semaphore, #tpu.memory_space<semaphore_mem>>) src(%arg9 : memref<128x160xbf16, #tpu.memory_space<vmem>>) dst(%dma_wait3A_126 : memref<128x160xbf16, #tpu.memory_space<hbm>>)
      tpu.yield
    }) : () -> ()
    %mul3A_98 = arith.constant 640 : i32
    %mul3A_99 = arith.muli %arg1, %mul3A_98 : i32
    %add3A_100 = arith.constant 256 : i32
    %add3A_101 = arith.addi %mul3A_99, %add3A_100 : i32
    "tpu.region"() ({
      %run_scoped3A = tpu.sem_alloc : memref<!tpu.dma_semaphore, #tpu.memory_space<semaphore_mem>>
      %dma_start3A_119 = arith.constant 0 : i32
      %dma_start3A_120 = tpu.memref_slice %arg10[%add3A_101, %dma_start3A_119] : memref<10240x160xbf16, #tpu.memory_space<vmem_shared>> -> memref<128x160xbf16, #tpu.memory_space<vmem_shared>>
      %dma_start3A_121 = arith.constant 0 : i32
      %dma_start3A_122 = tpu.memref_slice %arg10[%add3A_101, %dma_start3A_121] : memref<10240x160xbf16, #tpu.memory_space<vmem_shared>> -> memref<128x160xbf16, #tpu.memory_space<vmem_shared>>
      tpu.enqueue_dma source(%dma_start3A_122 : memref<128x160xbf16, #tpu.memory_space<vmem_shared>>) target(%arg9 : memref<128x160xbf16, #tpu.memory_space<vmem>>) target_semaphore(%run_scoped3A : memref<!tpu.dma_semaphore, #tpu.memory_space<semaphore_mem>>)
      %dma_wait3A_123 = arith.constant 0 : i32
      %dma_wait3A_124 = tpu.memref_slice %arg10[%add3A_101, %dma_wait3A_123] : memref<10240x160xbf16, #tpu.memory_space<vmem_shared>> -> memref<128x160xbf16, #tpu.memory_space<vmem_shared>>
      %dma_wait3A_125 = arith.constant 0 : i32
      %dma_wait3A_126 = tpu.memref_slice %arg10[%add3A_101, %dma_wait3A_125] : memref<10240x160xbf16, #tpu.memory_space<vmem_shared>> -> memref<128x160xbf16, #tpu.memory_space<vmem_shared>>
      tpu.wait_dma2 semaphore(%run_scoped3A : memref<!tpu.dma_semaphore, #tpu.memory_space<semaphore_mem>>) src(%dma_wait3A_126 : memref<128x160xbf16, #tpu.memory_space<vmem_shared>>) dst(%arg9 : memref<128x160xbf16, #tpu.memory_space<vmem>>)
      tpu.yield
    }) : () -> ()
    %mul3A_102 = arith.constant 10240 : i32
    %mul3A_103 = arith.muli %arg0, %mul3A_102 : i32
    %add3A_104 = arith.addi %mul3A_103, %add3A_101 : i32
    "tpu.region"() ({
      %run_scoped3A = tpu.sem_alloc : memref<!tpu.dma_semaphore, #tpu.memory_space<semaphore_mem>>
      %dma_start3A_119 = arith.constant 0 : i32
      %dma_start3A_120 = tpu.memref_slice %arg5[%add3A_104, %dma_start3A_119] : memref<20480x160xbf16, #tpu.memory_space<hbm>> -> memref<128x160xbf16, #tpu.memory_space<hbm>>
      %dma_start3A_121 = arith.constant 0 : i32
      %dma_start3A_122 = tpu.memref_slice %arg5[%add3A_104, %dma_start3A_121] : memref<20480x160xbf16, #tpu.memory_space<hbm>> -> memref<128x160xbf16, #tpu.memory_space<hbm>>
      tpu.enqueue_dma source(%arg9 : memref<128x160xbf16, #tpu.memory_space<vmem>>) target(%dma_start3A_122 : memref<128x160xbf16, #tpu.memory_space<hbm>>) target_semaphore(%run_scoped3A : memref<!tpu.dma_semaphore, #tpu.memory_space<semaphore_mem>>)
      %dma_wait3A_123 = arith.constant 0 : i32
      %dma_wait3A_124 = tpu.memref_slice %arg5[%add3A_104, %dma_wait3A_123] : memref<20480x160xbf16, #tpu.memory_space<hbm>> -> memref<128x160xbf16, #tpu.memory_space<hbm>>
      %dma_wait3A_125 = arith.constant 0 : i32
      %dma_wait3A_126 = tpu.memref_slice %arg5[%add3A_104, %dma_wait3A_125] : memref<20480x160xbf16, #tpu.memory_space<hbm>> -> memref<128x160xbf16, #tpu.memory_space<hbm>>
      tpu.wait_dma2 semaphore(%run_scoped3A : memref<!tpu.dma_semaphore, #tpu.memory_space<semaphore_mem>>) src(%arg9 : memref<128x160xbf16, #tpu.memory_space<vmem>>) dst(%dma_wait3A_126 : memref<128x160xbf16, #tpu.memory_space<hbm>>)
      tpu.yield
    }) : () -> ()
    %mul3A_105 = arith.constant 640 : i32
    %mul3A_106 = arith.muli %arg1, %mul3A_105 : i32
    %add3A_107 = arith.constant 384 : i32
    %add3A_108 = arith.addi %mul3A_106, %add3A_107 : i32
    "tpu.region"() ({
      %run_scoped3A = tpu.sem_alloc : memref<!tpu.dma_semaphore, #tpu.memory_space<semaphore_mem>>
      %dma_start3A_119 = arith.constant 0 : i32
      %dma_start3A_120 = tpu.memref_slice %arg10[%add3A_108, %dma_start3A_119] : memref<10240x160xbf16, #tpu.memory_space<vmem_shared>> -> memref<128x160xbf16, #tpu.memory_space<vmem_shared>>
      %dma_start3A_121 = arith.constant 0 : i32
      %dma_start3A_122 = tpu.memref_slice %arg10[%add3A_108, %dma_start3A_121] : memref<10240x160xbf16, #tpu.memory_space<vmem_shared>> -> memref<128x160xbf16, #tpu.memory_space<vmem_shared>>
      tpu.enqueue_dma source(%dma_start3A_122 : memref<128x160xbf16, #tpu.memory_space<vmem_shared>>) target(%arg9 : memref<128x160xbf16, #tpu.memory_space<vmem>>) target_semaphore(%run_scoped3A : memref<!tpu.dma_semaphore, #tpu.memory_space<semaphore_mem>>)
      %dma_wait3A_123 = arith.constant 0 : i32
      %dma_wait3A_124 = tpu.memref_slice %arg10[%add3A_108, %dma_wait3A_123] : memref<10240x160xbf16, #tpu.memory_space<vmem_shared>> -> memref<128x160xbf16, #tpu.memory_space<vmem_shared>>
      %dma_wait3A_125 = arith.constant 0 : i32
      %dma_wait3A_126 = tpu.memref_slice %arg10[%add3A_108, %dma_wait3A_125] : memref<10240x160xbf16, #tpu.memory_space<vmem_shared>> -> memref<128x160xbf16, #tpu.memory_space<vmem_shared>>
      tpu.wait_dma2 semaphore(%run_scoped3A : memref<!tpu.dma_semaphore, #tpu.memory_space<semaphore_mem>>) src(%dma_wait3A_126 : memref<128x160xbf16, #tpu.memory_space<vmem_shared>>) dst(%arg9 : memref<128x160xbf16, #tpu.memory_space<vmem>>)
      tpu.yield
    }) : () -> ()
    %mul3A_109 = arith.constant 10240 : i32
    %mul3A_110 = arith.muli %arg0, %mul3A_109 : i32
    %add3A_111 = arith.addi %mul3A_110, %add3A_108 : i32
    "tpu.region"() ({
      %run_scoped3A = tpu.sem_alloc : memref<!tpu.dma_semaphore, #tpu.memory_space<semaphore_mem>>
      %dma_start3A_119 = arith.constant 0 : i32
      %dma_start3A_120 = tpu.memref_slice %arg5[%add3A_111, %dma_start3A_119] : memref<20480x160xbf16, #tpu.memory_space<hbm>> -> memref<128x160xbf16, #tpu.memory_space<hbm>>
      %dma_start3A_121 = arith.constant 0 : i32
      %dma_start3A_122 = tpu.memref_slice %arg5[%add3A_111, %dma_start3A_121] : memref<20480x160xbf16, #tpu.memory_space<hbm>> -> memref<128x160xbf16, #tpu.memory_space<hbm>>
      tpu.enqueue_dma source(%arg9 : memref<128x160xbf16, #tpu.memory_space<vmem>>) target(%dma_start3A_122 : memref<128x160xbf16, #tpu.memory_space<hbm>>) target_semaphore(%run_scoped3A : memref<!tpu.dma_semaphore, #tpu.memory_space<semaphore_mem>>)
      %dma_wait3A_123 = arith.constant 0 : i32
      %dma_wait3A_124 = tpu.memref_slice %arg5[%add3A_111, %dma_wait3A_123] : memref<20480x160xbf16, #tpu.memory_space<hbm>> -> memref<128x160xbf16, #tpu.memory_space<hbm>>
      %dma_wait3A_125 = arith.constant 0 : i32
      %dma_wait3A_126 = tpu.memref_slice %arg5[%add3A_111, %dma_wait3A_125] : memref<20480x160xbf16, #tpu.memory_space<hbm>> -> memref<128x160xbf16, #tpu.memory_space<hbm>>
      tpu.wait_dma2 semaphore(%run_scoped3A : memref<!tpu.dma_semaphore, #tpu.memory_space<semaphore_mem>>) src(%arg9 : memref<128x160xbf16, #tpu.memory_space<vmem>>) dst(%dma_wait3A_126 : memref<128x160xbf16, #tpu.memory_space<hbm>>)
      tpu.yield
    }) : () -> ()
    %mul3A_112 = arith.constant 640 : i32
    %mul3A_113 = arith.muli %arg1, %mul3A_112 : i32
    %add3A_114 = arith.constant 512 : i32
    %add3A_115 = arith.addi %mul3A_113, %add3A_114 : i32
    "tpu.region"() ({
      %run_scoped3A = tpu.sem_alloc : memref<!tpu.dma_semaphore, #tpu.memory_space<semaphore_mem>>
      %dma_start3A_119 = arith.constant 0 : i32
      %dma_start3A_120 = tpu.memref_slice %arg10[%add3A_115, %dma_start3A_119] : memref<10240x160xbf16, #tpu.memory_space<vmem_shared>> -> memref<128x160xbf16, #tpu.memory_space<vmem_shared>>
      %dma_start3A_121 = arith.constant 0 : i32
      %dma_start3A_122 = tpu.memref_slice %arg10[%add3A_115, %dma_start3A_121] : memref<10240x160xbf16, #tpu.memory_space<vmem_shared>> -> memref<128x160xbf16, #tpu.memory_space<vmem_shared>>
      tpu.enqueue_dma source(%dma_start3A_122 : memref<128x160xbf16, #tpu.memory_space<vmem_shared>>) target(%arg9 : memref<128x160xbf16, #tpu.memory_space<vmem>>) target_semaphore(%run_scoped3A : memref<!tpu.dma_semaphore, #tpu.memory_space<semaphore_mem>>)
      %dma_wait3A_123 = arith.constant 0 : i32
      %dma_wait3A_124 = tpu.memref_slice %arg10[%add3A_115, %dma_wait3A_123] : memref<10240x160xbf16, #tpu.memory_space<vmem_shared>> -> memref<128x160xbf16, #tpu.memory_space<vmem_shared>>
      %dma_wait3A_125 = arith.constant 0 : i32
      %dma_wait3A_126 = tpu.memref_slice %arg10[%add3A_115, %dma_wait3A_125] : memref<10240x160xbf16, #tpu.memory_space<vmem_shared>> -> memref<128x160xbf16, #tpu.memory_space<vmem_shared>>
      tpu.wait_dma2 semaphore(%run_scoped3A : memref<!tpu.dma_semaphore, #tpu.memory_space<semaphore_mem>>) src(%dma_wait3A_126 : memref<128x160xbf16, #tpu.memory_space<vmem_shared>>) dst(%arg9 : memref<128x160xbf16, #tpu.memory_space<vmem>>)
      tpu.yield
    }) : () -> ()
    %mul3A_116 = arith.constant 10240 : i32
    %mul3A_117 = arith.muli %arg0, %mul3A_116 : i32
    %add3A_118 = arith.addi %mul3A_117, %add3A_115 : i32
    "tpu.region"() ({
      %run_scoped3A = tpu.sem_alloc : memref<!tpu.dma_semaphore, #tpu.memory_space<semaphore_mem>>
      %dma_start3A_119 = arith.constant 0 : i32
      %dma_start3A_120 = tpu.memref_slice %arg5[%add3A_118, %dma_start3A_119] : memref<20480x160xbf16, #tpu.memory_space<hbm>> -> memref<128x160xbf16, #tpu.memory_space<hbm>>
      %dma_start3A_121 = arith.constant 0 : i32
      %dma_start3A_122 = tpu.memref_slice %arg5[%add3A_118, %dma_start3A_121] : memref<20480x160xbf16, #tpu.memory_space<hbm>> -> memref<128x160xbf16, #tpu.memory_space<hbm>>
      tpu.enqueue_dma source(%arg9 : memref<128x160xbf16, #tpu.memory_space<vmem>>) target(%dma_start3A_122 : memref<128x160xbf16, #tpu.memory_space<hbm>>) target_semaphore(%run_scoped3A : memref<!tpu.dma_semaphore, #tpu.memory_space<semaphore_mem>>)
      %dma_wait3A_123 = arith.constant 0 : i32
      %dma_wait3A_124 = tpu.memref_slice %arg5[%add3A_118, %dma_wait3A_123] : memref<20480x160xbf16, #tpu.memory_space<hbm>> -> memref<128x160xbf16, #tpu.memory_space<hbm>>
      %dma_wait3A_125 = arith.constant 0 : i32
      %dma_wait3A_126 = tpu.memref_slice %arg5[%add3A_118, %dma_wait3A_125] : memref<20480x160xbf16, #tpu.memory_space<hbm>> -> memref<128x160xbf16, #tpu.memory_space<hbm>>
      tpu.wait_dma2 semaphore(%run_scoped3A : memref<!tpu.dma_semaphore, #tpu.memory_space<semaphore_mem>>) src(%arg9 : memref<128x160xbf16, #tpu.memory_space<vmem>>) dst(%dma_wait3A_126 : memref<128x160xbf16, #tpu.memory_space<hbm>>)
      tpu.yield
    }) : () -> ()
    return
  }
}

#map = affine_map<(d0, d1) -> (0, 0)>
module attributes {stable_mosaic.version = 14 : i64} {
  func.func @agg(%arg0: i32, %arg1: i32, %arg2: memref<10240x128xbf16, #tpu.memory_space<hbm>>, %arg3: memref<2816x128xi32, #tpu.memory_space<hbm>>, %arg4: memref<2560x128xi32, #tpu.memory_space<hbm>>, %arg5: memref<20480x128xbf16, #tpu.memory_space<hbm>>, %arg6: memref<88x128xi32, #tpu.memory_space<vmem>>, %arg7: memref<80x128xi32, #tpu.memory_space<vmem>>, %arg8: memref<2x128x128xbf16, #tpu.memory_space<vmem>>, %arg9: memref<128x128xbf16, #tpu.memory_space<vmem>>, %arg10: memref<10240x128xbf16, #tpu.memory_space<vmem_shared>>, %arg11: memref<!tpu.dma_semaphore, #tpu.memory_space<semaphore_mem>>, %arg12: memref<!tpu.dma_semaphore, #tpu.memory_space<semaphore_mem>>) attributes {dimension_semantics = [#tpu.dimension_semantics<core_parallel>, #tpu.dimension_semantics<subcore_parallel>], iteration_bounds = array<i64: 2, 16>, scalar_prefetch = 0 : i64, scratch_operands = 7 : i64, tpu.core_type = #tpu.core_type<sc_vector_subcore>, window_params = [{transform_indices = #map}, {transform_indices = #map}, {transform_indices = #map}, {transform_indices = #map}]} {
    %mul3A = arith.constant 16 : i32
    %mul3A_0 = arith.muli %arg0, %mul3A : i32
    %add3A = arith.addi %mul3A_0, %arg1 : i32
    %mul3A_1 = arith.constant 88 : i32
    %mul3A_2 = arith.muli %add3A, %mul3A_1 : i32
    "tpu.region"() ({
      %run_scoped3A = tpu.sem_alloc : memref<!tpu.dma_semaphore, #tpu.memory_space<semaphore_mem>>
      %dma_start3A_119 = arith.constant 0 : i32
      %dma_start3A_120 = tpu.memref_slice %arg3[%mul3A_2, %dma_start3A_119] : memref<2816x128xi32, #tpu.memory_space<hbm>> -> memref<88x128xi32, #tpu.memory_space<hbm>>
      %dma_start3A_121 = arith.constant 0 : i32
      %dma_start3A_122 = tpu.memref_slice %arg3[%mul3A_2, %dma_start3A_121] : memref<2816x128xi32, #tpu.memory_space<hbm>> -> memref<88x128xi32, #tpu.memory_space<hbm>>
      tpu.enqueue_dma source(%dma_start3A_122 : memref<88x128xi32, #tpu.memory_space<hbm>>) target(%arg6 : memref<88x128xi32, #tpu.memory_space<vmem>>) target_semaphore(%run_scoped3A : memref<!tpu.dma_semaphore, #tpu.memory_space<semaphore_mem>>)
      %dma_wait3A_123 = arith.constant 0 : i32
      %dma_wait3A_124 = tpu.memref_slice %arg3[%mul3A_2, %dma_wait3A_123] : memref<2816x128xi32, #tpu.memory_space<hbm>> -> memref<88x128xi32, #tpu.memory_space<hbm>>
      %dma_wait3A_125 = arith.constant 0 : i32
      %dma_wait3A_126 = tpu.memref_slice %arg3[%mul3A_2, %dma_wait3A_125] : memref<2816x128xi32, #tpu.memory_space<hbm>> -> memref<88x128xi32, #tpu.memory_space<hbm>>
      tpu.wait_dma2 semaphore(%run_scoped3A : memref<!tpu.dma_semaphore, #tpu.memory_space<semaphore_mem>>) src(%dma_wait3A_126 : memref<88x128xi32, #tpu.memory_space<hbm>>) dst(%arg6 : memref<88x128xi32, #tpu.memory_space<vmem>>)
      tpu.yield
    }) : () -> ()
    %mul3A_3 = arith.constant 80 : i32
    %mul3A_4 = arith.muli %add3A, %mul3A_3 : i32
    "tpu.region"() ({
      %run_scoped3A = tpu.sem_alloc : memref<!tpu.dma_semaphore, #tpu.memory_space<semaphore_mem>>
      %dma_start3A_119 = arith.constant 0 : i32
      %dma_start3A_120 = tpu.memref_slice %arg4[%mul3A_4, %dma_start3A_119] : memref<2560x128xi32, #tpu.memory_space<hbm>> -> memref<80x128xi32, #tpu.memory_space<hbm>>
      %dma_start3A_121 = arith.constant 0 : i32
      %dma_start3A_122 = tpu.memref_slice %arg4[%mul3A_4, %dma_start3A_121] : memref<2560x128xi32, #tpu.memory_space<hbm>> -> memref<80x128xi32, #tpu.memory_space<hbm>>
      tpu.enqueue_dma source(%dma_start3A_122 : memref<80x128xi32, #tpu.memory_space<hbm>>) target(%arg7 : memref<80x128xi32, #tpu.memory_space<vmem>>) target_semaphore(%run_scoped3A : memref<!tpu.dma_semaphore, #tpu.memory_space<semaphore_mem>>)
      %dma_wait3A_123 = arith.constant 0 : i32
      %dma_wait3A_124 = tpu.memref_slice %arg4[%mul3A_4, %dma_wait3A_123] : memref<2560x128xi32, #tpu.memory_space<hbm>> -> memref<80x128xi32, #tpu.memory_space<hbm>>
      %dma_wait3A_125 = arith.constant 0 : i32
      %dma_wait3A_126 = tpu.memref_slice %arg4[%mul3A_4, %dma_wait3A_125] : memref<2560x128xi32, #tpu.memory_space<hbm>> -> memref<80x128xi32, #tpu.memory_space<hbm>>
      tpu.wait_dma2 semaphore(%run_scoped3A : memref<!tpu.dma_semaphore, #tpu.memory_space<semaphore_mem>>) src(%dma_wait3A_126 : memref<80x128xi32, #tpu.memory_space<hbm>>) dst(%arg7 : memref<80x128xi32, #tpu.memory_space<vmem>>)
      tpu.yield
    }) : () -> ()
    %broadcast_in_dim3A = arith.constant 0.000000e+00 : bf16
    %broadcast_in_dim3A_5 = vector.broadcast %broadcast_in_dim3A : bf16 to vector<32xbf16>
    %scan3A = arith.constant 0 : i32
    %scan3A_6 = arith.constant 0 : i32
    %scan3A_7 = arith.constant 128 : i32
    %scan3A_8 = arith.addi %scan3A_6, %scan3A_7 : i32
    %scan3A_9 = arith.constant 1 : i32
    scf.for %scan3A_119 = %scan3A_6 to %scan3A_8 step %scan3A_9  : i32 {
      %swap3A = arith.index_cast %scan3A_119 : i32 to index
      %swap3A_120 = arith.constant 0 : index
      %swap3A_121 = tpu.vector_load %arg9[%swap3A, %swap3A_120] {strides = array<i32>} : memref<128x128xbf16, #tpu.memory_space<vmem>>, vector<1x32xbf16>,
      %swap3A_122 = vector.shape_cast %swap3A_121 : vector<1x32xbf16> to vector<32xbf16>
      %swap3A_123 = vector.shape_cast %broadcast_in_dim3A_5 : vector<32xbf16> to vector<1x32xbf16>
      tpu.vector_store %arg9[%swap3A, %swap3A_120], %swap3A_123 {strides = array<i32>} : memref<128x128xbf16, #tpu.memory_space<vmem>>, vector<1x32xbf16>,
      %swap3A_124 = arith.index_cast %scan3A_119 : i32 to index
      %swap3A_125 = arith.constant 32 : index
      %swap3A_126 = tpu.vector_load %arg9[%swap3A_124, %swap3A_125] {strides = array<i32>} : memref<128x128xbf16, #tpu.memory_space<vmem>>, vector<1x32xbf16>,
      %swap3A_127 = vector.shape_cast %swap3A_126 : vector<1x32xbf16> to vector<32xbf16>
      %swap3A_128 = vector.shape_cast %broadcast_in_dim3A_5 : vector<32xbf16> to vector<1x32xbf16>
      tpu.vector_store %arg9[%swap3A_124, %swap3A_125], %swap3A_128 {strides = array<i32>} : memref<128x128xbf16, #tpu.memory_space<vmem>>, vector<1x32xbf16>,
      %swap3A_129 = arith.index_cast %scan3A_119 : i32 to index
      %swap3A_130 = arith.constant 64 : index
      %swap3A_131 = tpu.vector_load %arg9[%swap3A_129, %swap3A_130] {strides = array<i32>} : memref<128x128xbf16, #tpu.memory_space<vmem>>, vector<1x32xbf16>,
      %swap3A_132 = vector.shape_cast %swap3A_131 : vector<1x32xbf16> to vector<32xbf16>
      %swap3A_133 = vector.shape_cast %broadcast_in_dim3A_5 : vector<32xbf16> to vector<1x32xbf16>
      tpu.vector_store %arg9[%swap3A_129, %swap3A_130], %swap3A_133 {strides = array<i32>} : memref<128x128xbf16, #tpu.memory_space<vmem>>, vector<1x32xbf16>,
      %swap3A_134 = arith.index_cast %scan3A_119 : i32 to index
      %swap3A_135 = arith.constant 96 : index
      %swap3A_136 = tpu.vector_load %arg9[%swap3A_134, %swap3A_135] {strides = array<i32>} : memref<128x128xbf16, #tpu.memory_space<vmem>>, vector<1x32xbf16>,
      %swap3A_137 = vector.shape_cast %swap3A_136 : vector<1x32xbf16> to vector<32xbf16>
      %swap3A_138 = vector.shape_cast %broadcast_in_dim3A_5 : vector<32xbf16> to vector<1x32xbf16>
      tpu.vector_store %arg9[%swap3A_134, %swap3A_135], %swap3A_138 {strides = array<i32>} : memref<128x128xbf16, #tpu.memory_space<vmem>>, vector<1x32xbf16>,
    }
    %scan3A_10 = arith.constant 128 : i32
    %mul3A_11 = arith.constant 640 : i32
    %mul3A_12 = arith.muli %arg1, %mul3A_11 : i32
    %add3A_13 = arith.constant 0 : i32
    %add3A_14 = arith.addi %mul3A_12, %add3A_13 : i32
    "tpu.region"() ({
      %run_scoped3A = tpu.sem_alloc : memref<!tpu.dma_semaphore, #tpu.memory_space<semaphore_mem>>
      %dma_start3A_119 = arith.constant 0 : i32
      %dma_start3A_120 = tpu.memref_slice %arg10[%add3A_14, %dma_start3A_119] : memref<10240x128xbf16, #tpu.memory_space<vmem_shared>> -> memref<128x128xbf16, #tpu.memory_space<vmem_shared>>
      %dma_start3A_121 = arith.constant 0 : i32
      %dma_start3A_122 = tpu.memref_slice %arg10[%add3A_14, %dma_start3A_121] : memref<10240x128xbf16, #tpu.memory_space<vmem_shared>> -> memref<128x128xbf16, #tpu.memory_space<vmem_shared>>
      tpu.enqueue_dma source(%arg9 : memref<128x128xbf16, #tpu.memory_space<vmem>>) target(%dma_start3A_122 : memref<128x128xbf16, #tpu.memory_space<vmem_shared>>) target_semaphore(%run_scoped3A : memref<!tpu.dma_semaphore, #tpu.memory_space<semaphore_mem>>)
      %dma_wait3A_123 = arith.constant 0 : i32
      %dma_wait3A_124 = tpu.memref_slice %arg10[%add3A_14, %dma_wait3A_123] : memref<10240x128xbf16, #tpu.memory_space<vmem_shared>> -> memref<128x128xbf16, #tpu.memory_space<vmem_shared>>
      %dma_wait3A_125 = arith.constant 0 : i32
      %dma_wait3A_126 = tpu.memref_slice %arg10[%add3A_14, %dma_wait3A_125] : memref<10240x128xbf16, #tpu.memory_space<vmem_shared>> -> memref<128x128xbf16, #tpu.memory_space<vmem_shared>>
      tpu.wait_dma2 semaphore(%run_scoped3A : memref<!tpu.dma_semaphore, #tpu.memory_space<semaphore_mem>>) src(%arg9 : memref<128x128xbf16, #tpu.memory_space<vmem>>) dst(%dma_wait3A_126 : memref<128x128xbf16, #tpu.memory_space<vmem_shared>>)
      tpu.yield
    }) : () -> ()
    %mul3A_15 = arith.constant 640 : i32
    %mul3A_16 = arith.muli %arg1, %mul3A_15 : i32
    %add3A_17 = arith.constant 128 : i32
    %add3A_18 = arith.addi %mul3A_16, %add3A_17 : i32
    "tpu.region"() ({
      %run_scoped3A = tpu.sem_alloc : memref<!tpu.dma_semaphore, #tpu.memory_space<semaphore_mem>>
      %dma_start3A_119 = arith.constant 0 : i32
      %dma_start3A_120 = tpu.memref_slice %arg10[%add3A_18, %dma_start3A_119] : memref<10240x128xbf16, #tpu.memory_space<vmem_shared>> -> memref<128x128xbf16, #tpu.memory_space<vmem_shared>>
      %dma_start3A_121 = arith.constant 0 : i32
      %dma_start3A_122 = tpu.memref_slice %arg10[%add3A_18, %dma_start3A_121] : memref<10240x128xbf16, #tpu.memory_space<vmem_shared>> -> memref<128x128xbf16, #tpu.memory_space<vmem_shared>>
      tpu.enqueue_dma source(%arg9 : memref<128x128xbf16, #tpu.memory_space<vmem>>) target(%dma_start3A_122 : memref<128x128xbf16, #tpu.memory_space<vmem_shared>>) target_semaphore(%run_scoped3A : memref<!tpu.dma_semaphore, #tpu.memory_space<semaphore_mem>>)
      %dma_wait3A_123 = arith.constant 0 : i32
      %dma_wait3A_124 = tpu.memref_slice %arg10[%add3A_18, %dma_wait3A_123] : memref<10240x128xbf16, #tpu.memory_space<vmem_shared>> -> memref<128x128xbf16, #tpu.memory_space<vmem_shared>>
      %dma_wait3A_125 = arith.constant 0 : i32
      %dma_wait3A_126 = tpu.memref_slice %arg10[%add3A_18, %dma_wait3A_125] : memref<10240x128xbf16, #tpu.memory_space<vmem_shared>> -> memref<128x128xbf16, #tpu.memory_space<vmem_shared>>
      tpu.wait_dma2 semaphore(%run_scoped3A : memref<!tpu.dma_semaphore, #tpu.memory_space<semaphore_mem>>) src(%arg9 : memref<128x128xbf16, #tpu.memory_space<vmem>>) dst(%dma_wait3A_126 : memref<128x128xbf16, #tpu.memory_space<vmem_shared>>)
      tpu.yield
    }) : () -> ()
    %mul3A_19 = arith.constant 640 : i32
    %mul3A_20 = arith.muli %arg1, %mul3A_19 : i32
    %add3A_21 = arith.constant 256 : i32
    %add3A_22 = arith.addi %mul3A_20, %add3A_21 : i32
    "tpu.region"() ({
      %run_scoped3A = tpu.sem_alloc : memref<!tpu.dma_semaphore, #tpu.memory_space<semaphore_mem>>
      %dma_start3A_119 = arith.constant 0 : i32
      %dma_start3A_120 = tpu.memref_slice %arg10[%add3A_22, %dma_start3A_119] : memref<10240x128xbf16, #tpu.memory_space<vmem_shared>> -> memref<128x128xbf16, #tpu.memory_space<vmem_shared>>
      %dma_start3A_121 = arith.constant 0 : i32
      %dma_start3A_122 = tpu.memref_slice %arg10[%add3A_22, %dma_start3A_121] : memref<10240x128xbf16, #tpu.memory_space<vmem_shared>> -> memref<128x128xbf16, #tpu.memory_space<vmem_shared>>
      tpu.enqueue_dma source(%arg9 : memref<128x128xbf16, #tpu.memory_space<vmem>>) target(%dma_start3A_122 : memref<128x128xbf16, #tpu.memory_space<vmem_shared>>) target_semaphore(%run_scoped3A : memref<!tpu.dma_semaphore, #tpu.memory_space<semaphore_mem>>)
      %dma_wait3A_123 = arith.constant 0 : i32
      %dma_wait3A_124 = tpu.memref_slice %arg10[%add3A_22, %dma_wait3A_123] : memref<10240x128xbf16, #tpu.memory_space<vmem_shared>> -> memref<128x128xbf16, #tpu.memory_space<vmem_shared>>
      %dma_wait3A_125 = arith.constant 0 : i32
      %dma_wait3A_126 = tpu.memref_slice %arg10[%add3A_22, %dma_wait3A_125] : memref<10240x128xbf16, #tpu.memory_space<vmem_shared>> -> memref<128x128xbf16, #tpu.memory_space<vmem_shared>>
      tpu.wait_dma2 semaphore(%run_scoped3A : memref<!tpu.dma_semaphore, #tpu.memory_space<semaphore_mem>>) src(%arg9 : memref<128x128xbf16, #tpu.memory_space<vmem>>) dst(%dma_wait3A_126 : memref<128x128xbf16, #tpu.memory_space<vmem_shared>>)
      tpu.yield
    }) : () -> ()
    %mul3A_23 = arith.constant 640 : i32
    %mul3A_24 = arith.muli %arg1, %mul3A_23 : i32
    %add3A_25 = arith.constant 384 : i32
    %add3A_26 = arith.addi %mul3A_24, %add3A_25 : i32
    "tpu.region"() ({
      %run_scoped3A = tpu.sem_alloc : memref<!tpu.dma_semaphore, #tpu.memory_space<semaphore_mem>>
      %dma_start3A_119 = arith.constant 0 : i32
      %dma_start3A_120 = tpu.memref_slice %arg10[%add3A_26, %dma_start3A_119] : memref<10240x128xbf16, #tpu.memory_space<vmem_shared>> -> memref<128x128xbf16, #tpu.memory_space<vmem_shared>>
      %dma_start3A_121 = arith.constant 0 : i32
      %dma_start3A_122 = tpu.memref_slice %arg10[%add3A_26, %dma_start3A_121] : memref<10240x128xbf16, #tpu.memory_space<vmem_shared>> -> memref<128x128xbf16, #tpu.memory_space<vmem_shared>>
      tpu.enqueue_dma source(%arg9 : memref<128x128xbf16, #tpu.memory_space<vmem>>) target(%dma_start3A_122 : memref<128x128xbf16, #tpu.memory_space<vmem_shared>>) target_semaphore(%run_scoped3A : memref<!tpu.dma_semaphore, #tpu.memory_space<semaphore_mem>>)
      %dma_wait3A_123 = arith.constant 0 : i32
      %dma_wait3A_124 = tpu.memref_slice %arg10[%add3A_26, %dma_wait3A_123] : memref<10240x128xbf16, #tpu.memory_space<vmem_shared>> -> memref<128x128xbf16, #tpu.memory_space<vmem_shared>>
      %dma_wait3A_125 = arith.constant 0 : i32
      %dma_wait3A_126 = tpu.memref_slice %arg10[%add3A_26, %dma_wait3A_125] : memref<10240x128xbf16, #tpu.memory_space<vmem_shared>> -> memref<128x128xbf16, #tpu.memory_space<vmem_shared>>
      tpu.wait_dma2 semaphore(%run_scoped3A : memref<!tpu.dma_semaphore, #tpu.memory_space<semaphore_mem>>) src(%arg9 : memref<128x128xbf16, #tpu.memory_space<vmem>>) dst(%dma_wait3A_126 : memref<128x128xbf16, #tpu.memory_space<vmem_shared>>)
      tpu.yield
    }) : () -> ()
    %mul3A_27 = arith.constant 640 : i32
    %mul3A_28 = arith.muli %arg1, %mul3A_27 : i32
    %add3A_29 = arith.constant 512 : i32
    %add3A_30 = arith.addi %mul3A_28, %add3A_29 : i32
    "tpu.region"() ({
      %run_scoped3A = tpu.sem_alloc : memref<!tpu.dma_semaphore, #tpu.memory_space<semaphore_mem>>
      %dma_start3A_119 = arith.constant 0 : i32
      %dma_start3A_120 = tpu.memref_slice %arg10[%add3A_30, %dma_start3A_119] : memref<10240x128xbf16, #tpu.memory_space<vmem_shared>> -> memref<128x128xbf16, #tpu.memory_space<vmem_shared>>
      %dma_start3A_121 = arith.constant 0 : i32
      %dma_start3A_122 = tpu.memref_slice %arg10[%add3A_30, %dma_start3A_121] : memref<10240x128xbf16, #tpu.memory_space<vmem_shared>> -> memref<128x128xbf16, #tpu.memory_space<vmem_shared>>
      tpu.enqueue_dma source(%arg9 : memref<128x128xbf16, #tpu.memory_space<vmem>>) target(%dma_start3A_122 : memref<128x128xbf16, #tpu.memory_space<vmem_shared>>) target_semaphore(%run_scoped3A : memref<!tpu.dma_semaphore, #tpu.memory_space<semaphore_mem>>)
      %dma_wait3A_123 = arith.constant 0 : i32
      %dma_wait3A_124 = tpu.memref_slice %arg10[%add3A_30, %dma_wait3A_123] : memref<10240x128xbf16, #tpu.memory_space<vmem_shared>> -> memref<128x128xbf16, #tpu.memory_space<vmem_shared>>
      %dma_wait3A_125 = arith.constant 0 : i32
      %dma_wait3A_126 = tpu.memref_slice %arg10[%add3A_30, %dma_wait3A_125] : memref<10240x128xbf16, #tpu.memory_space<vmem_shared>> -> memref<128x128xbf16, #tpu.memory_space<vmem_shared>>
      tpu.wait_dma2 semaphore(%run_scoped3A : memref<!tpu.dma_semaphore, #tpu.memory_space<semaphore_mem>>) src(%arg9 : memref<128x128xbf16, #tpu.memory_space<vmem>>) dst(%dma_wait3A_126 : memref<128x128xbf16, #tpu.memory_space<vmem_shared>>)
      tpu.yield
    }) : () -> ()
    %barrier3A = arith.constant 0 : index
    tpu.barrier barrier_id(%barrier3A)
    %dma_start3A = arith.constant 0 : i32
    %dma_start3A_31 = arith.constant 0 : i32
    %dma_start3A_32 = arith.constant 0 : i32
    %dma_start3A_33 = arith.constant 0 : i32
    %dma_start3A_34 = tpu.memref_slice %arg8[%dma_start3A_31, %dma_start3A_32, %dma_start3A_33] : memref<2x128x128xbf16, #tpu.memory_space<vmem>> -> memref<1x128x128xbf16, #tpu.memory_space<vmem>>
    %dma_start3A_35 = tpu.memref_squeeze %dma_start3A_34 : memref<1x128x128xbf16, #tpu.memory_space<vmem>> -> memref<128x128xbf16, #tpu.memory_space<vmem>>
    %dma_start3A_36 = arith.constant 0 : i32
    %dma_start3A_37 = tpu.memref_slice %arg6[%dma_start3A, %dma_start3A_36] : memref<88x128xi32, #tpu.memory_space<vmem>> -> memref<1x128xi32, #tpu.memory_space<vmem>>
    %dma_start3A_38 = tpu.memref_squeeze %dma_start3A_37 : memref<1x128xi32, #tpu.memory_space<vmem>> -> memref<128xi32, #tpu.memory_space<vmem>>
    %dma_start3A_39 = arith.constant 0 : i32
    %dma_start3A_40 = arith.constant 0 : i32
    %dma_start3A_41 = tpu.memref_slice %arg2[%dma_start3A_39, %dma_start3A_40] : memref<10240x128xbf16, #tpu.memory_space<hbm>> -> memref<10240x128xbf16, #tpu.memory_space<hbm>>
    tpu.enqueue_indirect_dma source(%dma_start3A_41 : memref<10240x128xbf16, #tpu.memory_space<hbm>>) target(%dma_start3A_35 : memref<128x128xbf16, #tpu.memory_space<vmem>>) offsets(%dma_start3A_38 : memref<128xi32, #tpu.memory_space<vmem>>) semaphore(%arg11 : memref<!tpu.dma_semaphore, #tpu.memory_space<semaphore_mem>>)
    %dma_start3A_42 = arith.constant 1 : i32
    %dma_start3A_43 = arith.constant 1 : i32
    %dma_start3A_44 = arith.constant 0 : i32
    %dma_start3A_45 = arith.constant 0 : i32
    %dma_start3A_46 = tpu.memref_slice %arg8[%dma_start3A_43, %dma_start3A_44, %dma_start3A_45] : memref<2x128x128xbf16, #tpu.memory_space<vmem>> -> memref<1x128x128xbf16, #tpu.memory_space<vmem>>
    %dma_start3A_47 = tpu.memref_squeeze %dma_start3A_46 : memref<1x128x128xbf16, #tpu.memory_space<vmem>> -> memref<128x128xbf16, #tpu.memory_space<vmem>>
    %dma_start3A_48 = arith.constant 0 : i32
    %dma_start3A_49 = tpu.memref_slice %arg6[%dma_start3A_42, %dma_start3A_48] : memref<88x128xi32, #tpu.memory_space<vmem>> -> memref<1x128xi32, #tpu.memory_space<vmem>>
    %dma_start3A_50 = tpu.memref_squeeze %dma_start3A_49 : memref<1x128xi32, #tpu.memory_space<vmem>> -> memref<128xi32, #tpu.memory_space<vmem>>
    %dma_start3A_51 = arith.constant 0 : i32
    %dma_start3A_52 = arith.constant 0 : i32
    %dma_start3A_53 = tpu.memref_slice %arg2[%dma_start3A_51, %dma_start3A_52] : memref<10240x128xbf16, #tpu.memory_space<hbm>> -> memref<10240x128xbf16, #tpu.memory_space<hbm>>
    tpu.enqueue_indirect_dma source(%dma_start3A_53 : memref<10240x128xbf16, #tpu.memory_space<hbm>>) target(%dma_start3A_47 : memref<128x128xbf16, #tpu.memory_space<vmem>>) offsets(%dma_start3A_50 : memref<128xi32, #tpu.memory_space<vmem>>) semaphore(%arg12 : memref<!tpu.dma_semaphore, #tpu.memory_space<semaphore_mem>>)
    %scan3A_54 = arith.constant 0 : i32
    %scan3A_55 = arith.constant 0 : i32
    %scan3A_56 = arith.constant 40 : i32
    %scan3A_57 = arith.addi %scan3A_55, %scan3A_56 : i32
    %scan3A_58 = arith.constant 1 : i32
    scf.for %scan3A_119 = %scan3A_55 to %scan3A_57 step %scan3A_58  : i32 {
      %mul3A_120 = arith.constant 2 : i32
      %mul3A_121 = arith.muli %scan3A_119, %mul3A_120 : i32
      %add3A_122 = arith.constant 0 : i32
      %add3A_123 = arith.addi %mul3A_121, %add3A_122 : i32
      %dma_wait3A_124 = arith.constant 0 : i32
      %dma_wait3A_125 = arith.constant 0 : i32
      %dma_wait3A_126 = arith.constant 0 : i32
      %dma_wait3A_127 = tpu.memref_slice %arg8[%dma_wait3A_124, %dma_wait3A_125, %dma_wait3A_126] : memref<2x128x128xbf16, #tpu.memory_space<vmem>> -> memref<1x128x128xbf16, #tpu.memory_space<vmem>>
      %dma_wait3A_128 = tpu.memref_squeeze %dma_wait3A_127 : memref<1x128x128xbf16, #tpu.memory_space<vmem>> -> memref<128x128xbf16, #tpu.memory_space<vmem>>
      %dma_wait3A_129 = arith.constant 0 : i32
      %dma_wait3A_130 = tpu.memref_slice %arg6[%add3A_123, %dma_wait3A_129] : memref<88x128xi32, #tpu.memory_space<vmem>> -> memref<1x128xi32, #tpu.memory_space<vmem>>
      %dma_wait3A_131 = tpu.memref_squeeze %dma_wait3A_130 : memref<1x128xi32, #tpu.memory_space<vmem>> -> memref<128xi32, #tpu.memory_space<vmem>>
      %dma_wait3A_132 = arith.constant 0 : i32
      %dma_wait3A_133 = arith.constant 0 : i32
      %dma_wait3A_134 = tpu.memref_slice %arg2[%dma_wait3A_132, %dma_wait3A_133] : memref<10240x128xbf16, #tpu.memory_space<hbm>> -> memref<10240x128xbf16, #tpu.memory_space<hbm>>
      tpu.wait_indirect_dma semaphore(%arg11 : memref<!tpu.dma_semaphore, #tpu.memory_space<semaphore_mem>>) src(%dma_wait3A_134 : memref<10240x128xbf16, #tpu.memory_space<hbm>>) dst(%dma_wait3A_128 : memref<128x128xbf16, #tpu.memory_space<vmem>>)
      %run_scoped3A = arith.constant 0 : i32
      "tpu.region"() ({
        %run_scoped3A_177 = tpu.sem_alloc : memref<!tpu.dma_semaphore, #tpu.memory_space<semaphore_mem>>
        %dma_start3A_178 = arith.constant 0 : i32
        %dma_start3A_179 = arith.constant 0 : i32
        %dma_start3A_180 = tpu.memref_slice %arg8[%run_scoped3A, %dma_start3A_178, %dma_start3A_179] : memref<2x128x128xbf16, #tpu.memory_space<vmem>> -> memref<1x128x128xbf16, #tpu.memory_space<vmem>>
        %dma_start3A_181 = tpu.memref_squeeze %dma_start3A_180 : memref<1x128x128xbf16, #tpu.memory_space<vmem>> -> memref<128x128xbf16, #tpu.memory_space<vmem>>
        %dma_start3A_182 = arith.constant 0 : i32
        %dma_start3A_183 = tpu.memref_slice %arg7[%add3A_123, %dma_start3A_182] : memref<80x128xi32, #tpu.memory_space<vmem>> -> memref<1x128xi32, #tpu.memory_space<vmem>>
        %dma_start3A_184 = tpu.memref_squeeze %dma_start3A_183 : memref<1x128xi32, #tpu.memory_space<vmem>> -> memref<128xi32, #tpu.memory_space<vmem>>
        %dma_start3A_185 = arith.constant 0 : i32
        %dma_start3A_186 = arith.constant 0 : i32
        %dma_start3A_187 = tpu.memref_slice %arg10[%dma_start3A_185, %dma_start3A_186] : memref<10240x128xbf16, #tpu.memory_space<vmem_shared>> -> memref<10240x128xbf16, #tpu.memory_space<vmem_shared>>
        tpu.enqueue_indirect_dma source(%dma_start3A_181 : memref<128x128xbf16, #tpu.memory_space<vmem>>) target(%dma_start3A_187 : memref<10240x128xbf16, #tpu.memory_space<vmem_shared>>) offsets(%dma_start3A_184 : memref<128xi32, #tpu.memory_space<vmem>>) semaphore(%run_scoped3A_177 : memref<!tpu.dma_semaphore, #tpu.memory_space<semaphore_mem>>) {add = true}
        %dma_wait3A_188 = arith.constant 0 : i32
        %dma_wait3A_189 = arith.constant 0 : i32
        %dma_wait3A_190 = tpu.memref_slice %arg8[%run_scoped3A, %dma_wait3A_188, %dma_wait3A_189] : memref<2x128x128xbf16, #tpu.memory_space<vmem>> -> memref<1x128x128xbf16, #tpu.memory_space<vmem>>
        %dma_wait3A_191 = tpu.memref_squeeze %dma_wait3A_190 : memref<1x128x128xbf16, #tpu.memory_space<vmem>> -> memref<128x128xbf16, #tpu.memory_space<vmem>>
        %dma_wait3A_192 = arith.constant 0 : i32
        %dma_wait3A_193 = tpu.memref_slice %arg7[%add3A_123, %dma_wait3A_192] : memref<80x128xi32, #tpu.memory_space<vmem>> -> memref<1x128xi32, #tpu.memory_space<vmem>>
        %dma_wait3A_194 = tpu.memref_squeeze %dma_wait3A_193 : memref<1x128xi32, #tpu.memory_space<vmem>> -> memref<128xi32, #tpu.memory_space<vmem>>
        %dma_wait3A_195 = arith.constant 0 : i32
        %dma_wait3A_196 = arith.constant 0 : i32
        %dma_wait3A_197 = tpu.memref_slice %arg10[%dma_wait3A_195, %dma_wait3A_196] : memref<10240x128xbf16, #tpu.memory_space<vmem_shared>> -> memref<10240x128xbf16, #tpu.memory_space<vmem_shared>>
        tpu.wait_indirect_dma semaphore(%run_scoped3A_177 : memref<!tpu.dma_semaphore, #tpu.memory_space<semaphore_mem>>) src(%dma_wait3A_191 : memref<128x128xbf16, #tpu.memory_space<vmem>>) dst(%dma_wait3A_197 : memref<10240x128xbf16, #tpu.memory_space<vmem_shared>>)
        tpu.yield
      }) : () -> ()
      %add3A_135 = arith.constant 2 : i32
      %add3A_136 = arith.addi %add3A_123, %add3A_135 : i32
      %dma_start3A_137 = arith.constant 0 : i32
      %dma_start3A_138 = arith.constant 0 : i32
      %dma_start3A_139 = arith.constant 0 : i32
      %dma_start3A_140 = tpu.memref_slice %arg8[%dma_start3A_137, %dma_start3A_138, %dma_start3A_139] : memref<2x128x128xbf16, #tpu.memory_space<vmem>> -> memref<1x128x128xbf16, #tpu.memory_space<vmem>>
      %dma_start3A_141 = tpu.memref_squeeze %dma_start3A_140 : memref<1x128x128xbf16, #tpu.memory_space<vmem>> -> memref<128x128xbf16, #tpu.memory_space<vmem>>
      %dma_start3A_142 = arith.constant 0 : i32
      %dma_start3A_143 = tpu.memref_slice %arg6[%add3A_136, %dma_start3A_142] : memref<88x128xi32, #tpu.memory_space<vmem>> -> memref<1x128xi32, #tpu.memory_space<vmem>>
      %dma_start3A_144 = tpu.memref_squeeze %dma_start3A_143 : memref<1x128xi32, #tpu.memory_space<vmem>> -> memref<128xi32, #tpu.memory_space<vmem>>
      %dma_start3A_145 = arith.constant 0 : i32
      %dma_start3A_146 = arith.constant 0 : i32
      %dma_start3A_147 = tpu.memref_slice %arg2[%dma_start3A_145, %dma_start3A_146] : memref<10240x128xbf16, #tpu.memory_space<hbm>> -> memref<10240x128xbf16, #tpu.memory_space<hbm>>
      tpu.enqueue_indirect_dma source(%dma_start3A_147 : memref<10240x128xbf16, #tpu.memory_space<hbm>>) target(%dma_start3A_141 : memref<128x128xbf16, #tpu.memory_space<vmem>>) offsets(%dma_start3A_144 : memref<128xi32, #tpu.memory_space<vmem>>) semaphore(%arg11 : memref<!tpu.dma_semaphore, #tpu.memory_space<semaphore_mem>>)
      %mul3A_148 = arith.constant 2 : i32
      %mul3A_149 = arith.muli %scan3A_119, %mul3A_148 : i32
      %add3A_150 = arith.constant 1 : i32
      %add3A_151 = arith.addi %mul3A_149, %add3A_150 : i32
      %dma_wait3A_152 = arith.constant 1 : i32
      %dma_wait3A_153 = arith.constant 0 : i32
      %dma_wait3A_154 = arith.constant 0 : i32
      %dma_wait3A_155 = tpu.memref_slice %arg8[%dma_wait3A_152, %dma_wait3A_153, %dma_wait3A_154] : memref<2x128x128xbf16, #tpu.memory_space<vmem>> -> memref<1x128x128xbf16, #tpu.memory_space<vmem>>
      %dma_wait3A_156 = tpu.memref_squeeze %dma_wait3A_155 : memref<1x128x128xbf16, #tpu.memory_space<vmem>> -> memref<128x128xbf16, #tpu.memory_space<vmem>>
      %dma_wait3A_157 = arith.constant 0 : i32
      %dma_wait3A_158 = tpu.memref_slice %arg6[%add3A_151, %dma_wait3A_157] : memref<88x128xi32, #tpu.memory_space<vmem>> -> memref<1x128xi32, #tpu.memory_space<vmem>>
      %dma_wait3A_159 = tpu.memref_squeeze %dma_wait3A_158 : memref<1x128xi32, #tpu.memory_space<vmem>> -> memref<128xi32, #tpu.memory_space<vmem>>
      %dma_wait3A_160 = arith.constant 0 : i32
      %dma_wait3A_161 = arith.constant 0 : i32
      %dma_wait3A_162 = tpu.memref_slice %arg2[%dma_wait3A_160, %dma_wait3A_161] : memref<10240x128xbf16, #tpu.memory_space<hbm>> -> memref<10240x128xbf16, #tpu.memory_space<hbm>>
      tpu.wait_indirect_dma semaphore(%arg12 : memref<!tpu.dma_semaphore, #tpu.memory_space<semaphore_mem>>) src(%dma_wait3A_162 : memref<10240x128xbf16, #tpu.memory_space<hbm>>) dst(%dma_wait3A_156 : memref<128x128xbf16, #tpu.memory_space<vmem>>)
      %run_scoped3A_163 = arith.constant 1 : i32
      "tpu.region"() ({
        %run_scoped3A_177 = tpu.sem_alloc : memref<!tpu.dma_semaphore, #tpu.memory_space<semaphore_mem>>
        %dma_start3A_178 = arith.constant 0 : i32
        %dma_start3A_179 = arith.constant 0 : i32
        %dma_start3A_180 = tpu.memref_slice %arg8[%run_scoped3A_163, %dma_start3A_178, %dma_start3A_179] : memref<2x128x128xbf16, #tpu.memory_space<vmem>> -> memref<1x128x128xbf16, #tpu.memory_space<vmem>>
        %dma_start3A_181 = tpu.memref_squeeze %dma_start3A_180 : memref<1x128x128xbf16, #tpu.memory_space<vmem>> -> memref<128x128xbf16, #tpu.memory_space<vmem>>
        %dma_start3A_182 = arith.constant 0 : i32
        %dma_start3A_183 = tpu.memref_slice %arg7[%add3A_151, %dma_start3A_182] : memref<80x128xi32, #tpu.memory_space<vmem>> -> memref<1x128xi32, #tpu.memory_space<vmem>>
        %dma_start3A_184 = tpu.memref_squeeze %dma_start3A_183 : memref<1x128xi32, #tpu.memory_space<vmem>> -> memref<128xi32, #tpu.memory_space<vmem>>
        %dma_start3A_185 = arith.constant 0 : i32
        %dma_start3A_186 = arith.constant 0 : i32
        %dma_start3A_187 = tpu.memref_slice %arg10[%dma_start3A_185, %dma_start3A_186] : memref<10240x128xbf16, #tpu.memory_space<vmem_shared>> -> memref<10240x128xbf16, #tpu.memory_space<vmem_shared>>
        tpu.enqueue_indirect_dma source(%dma_start3A_181 : memref<128x128xbf16, #tpu.memory_space<vmem>>) target(%dma_start3A_187 : memref<10240x128xbf16, #tpu.memory_space<vmem_shared>>) offsets(%dma_start3A_184 : memref<128xi32, #tpu.memory_space<vmem>>) semaphore(%run_scoped3A_177 : memref<!tpu.dma_semaphore, #tpu.memory_space<semaphore_mem>>) {add = true}
        %dma_wait3A_188 = arith.constant 0 : i32
        %dma_wait3A_189 = arith.constant 0 : i32
        %dma_wait3A_190 = tpu.memref_slice %arg8[%run_scoped3A_163, %dma_wait3A_188, %dma_wait3A_189] : memref<2x128x128xbf16, #tpu.memory_space<vmem>> -> memref<1x128x128xbf16, #tpu.memory_space<vmem>>
        %dma_wait3A_191 = tpu.memref_squeeze %dma_wait3A_190 : memref<1x128x128xbf16, #tpu.memory_space<vmem>> -> memref<128x128xbf16, #tpu.memory_space<vmem>>
        %dma_wait3A_192 = arith.constant 0 : i32
        %dma_wait3A_193 = tpu.memref_slice %arg7[%add3A_151, %dma_wait3A_192] : memref<80x128xi32, #tpu.memory_space<vmem>> -> memref<1x128xi32, #tpu.memory_space<vmem>>
        %dma_wait3A_194 = tpu.memref_squeeze %dma_wait3A_193 : memref<1x128xi32, #tpu.memory_space<vmem>> -> memref<128xi32, #tpu.memory_space<vmem>>
        %dma_wait3A_195 = arith.constant 0 : i32
        %dma_wait3A_196 = arith.constant 0 : i32
        %dma_wait3A_197 = tpu.memref_slice %arg10[%dma_wait3A_195, %dma_wait3A_196] : memref<10240x128xbf16, #tpu.memory_space<vmem_shared>> -> memref<10240x128xbf16, #tpu.memory_space<vmem_shared>>
        tpu.wait_indirect_dma semaphore(%run_scoped3A_177 : memref<!tpu.dma_semaphore, #tpu.memory_space<semaphore_mem>>) src(%dma_wait3A_191 : memref<128x128xbf16, #tpu.memory_space<vmem>>) dst(%dma_wait3A_197 : memref<10240x128xbf16, #tpu.memory_space<vmem_shared>>)
        tpu.yield
      }) : () -> ()
      %add3A_164 = arith.constant 2 : i32
      %add3A_165 = arith.addi %add3A_151, %add3A_164 : i32
      %dma_start3A_166 = arith.constant 1 : i32
      %dma_start3A_167 = arith.constant 0 : i32
      %dma_start3A_168 = arith.constant 0 : i32
      %dma_start3A_169 = tpu.memref_slice %arg8[%dma_start3A_166, %dma_start3A_167, %dma_start3A_168] : memref<2x128x128xbf16, #tpu.memory_space<vmem>> -> memref<1x128x128xbf16, #tpu.memory_space<vmem>>
      %dma_start3A_170 = tpu.memref_squeeze %dma_start3A_169 : memref<1x128x128xbf16, #tpu.memory_space<vmem>> -> memref<128x128xbf16, #tpu.memory_space<vmem>>
      %dma_start3A_171 = arith.constant 0 : i32
      %dma_start3A_172 = tpu.memref_slice %arg6[%add3A_165, %dma_start3A_171] : memref<88x128xi32, #tpu.memory_space<vmem>> -> memref<1x128xi32, #tpu.memory_space<vmem>>
      %dma_start3A_173 = tpu.memref_squeeze %dma_start3A_172 : memref<1x128xi32, #tpu.memory_space<vmem>> -> memref<128xi32, #tpu.memory_space<vmem>>
      %dma_start3A_174 = arith.constant 0 : i32
      %dma_start3A_175 = arith.constant 0 : i32
      %dma_start3A_176 = tpu.memref_slice %arg2[%dma_start3A_174, %dma_start3A_175] : memref<10240x128xbf16, #tpu.memory_space<hbm>> -> memref<10240x128xbf16, #tpu.memory_space<hbm>>
      tpu.enqueue_indirect_dma source(%dma_start3A_176 : memref<10240x128xbf16, #tpu.memory_space<hbm>>) target(%dma_start3A_170 : memref<128x128xbf16, #tpu.memory_space<vmem>>) offsets(%dma_start3A_173 : memref<128xi32, #tpu.memory_space<vmem>>) semaphore(%arg12 : memref<!tpu.dma_semaphore, #tpu.memory_space<semaphore_mem>>)
    }
    %scan3A_59 = arith.constant 40 : i32
    %dma_wait3A = arith.constant 80 : i32
    %dma_wait3A_60 = arith.constant 0 : i32
    %dma_wait3A_61 = arith.constant 0 : i32
    %dma_wait3A_62 = arith.constant 0 : i32
    %dma_wait3A_63 = tpu.memref_slice %arg8[%dma_wait3A_60, %dma_wait3A_61, %dma_wait3A_62] : memref<2x128x128xbf16, #tpu.memory_space<vmem>> -> memref<1x128x128xbf16, #tpu.memory_space<vmem>>
    %dma_wait3A_64 = tpu.memref_squeeze %dma_wait3A_63 : memref<1x128x128xbf16, #tpu.memory_space<vmem>> -> memref<128x128xbf16, #tpu.memory_space<vmem>>
    %dma_wait3A_65 = arith.constant 0 : i32
    %dma_wait3A_66 = tpu.memref_slice %arg6[%dma_wait3A, %dma_wait3A_65] : memref<88x128xi32, #tpu.memory_space<vmem>> -> memref<1x128xi32, #tpu.memory_space<vmem>>
    %dma_wait3A_67 = tpu.memref_squeeze %dma_wait3A_66 : memref<1x128xi32, #tpu.memory_space<vmem>> -> memref<128xi32, #tpu.memory_space<vmem>>
    %dma_wait3A_68 = arith.constant 0 : i32
    %dma_wait3A_69 = arith.constant 0 : i32
    %dma_wait3A_70 = tpu.memref_slice %arg2[%dma_wait3A_68, %dma_wait3A_69] : memref<10240x128xbf16, #tpu.memory_space<hbm>> -> memref<10240x128xbf16, #tpu.memory_space<hbm>>
    tpu.wait_indirect_dma semaphore(%arg11 : memref<!tpu.dma_semaphore, #tpu.memory_space<semaphore_mem>>) src(%dma_wait3A_70 : memref<10240x128xbf16, #tpu.memory_space<hbm>>) dst(%dma_wait3A_64 : memref<128x128xbf16, #tpu.memory_space<vmem>>)
    %dma_wait3A_71 = arith.constant 81 : i32
    %dma_wait3A_72 = arith.constant 1 : i32
    %dma_wait3A_73 = arith.constant 0 : i32
    %dma_wait3A_74 = arith.constant 0 : i32
    %dma_wait3A_75 = tpu.memref_slice %arg8[%dma_wait3A_72, %dma_wait3A_73, %dma_wait3A_74] : memref<2x128x128xbf16, #tpu.memory_space<vmem>> -> memref<1x128x128xbf16, #tpu.memory_space<vmem>>
    %dma_wait3A_76 = tpu.memref_squeeze %dma_wait3A_75 : memref<1x128x128xbf16, #tpu.memory_space<vmem>> -> memref<128x128xbf16, #tpu.memory_space<vmem>>
    %dma_wait3A_77 = arith.constant 0 : i32
    %dma_wait3A_78 = tpu.memref_slice %arg6[%dma_wait3A_71, %dma_wait3A_77] : memref<88x128xi32, #tpu.memory_space<vmem>> -> memref<1x128xi32, #tpu.memory_space<vmem>>
    %dma_wait3A_79 = tpu.memref_squeeze %dma_wait3A_78 : memref<1x128xi32, #tpu.memory_space<vmem>> -> memref<128xi32, #tpu.memory_space<vmem>>
    %dma_wait3A_80 = arith.constant 0 : i32
    %dma_wait3A_81 = arith.constant 0 : i32
    %dma_wait3A_82 = tpu.memref_slice %arg2[%dma_wait3A_80, %dma_wait3A_81] : memref<10240x128xbf16, #tpu.memory_space<hbm>> -> memref<10240x128xbf16, #tpu.memory_space<hbm>>
    tpu.wait_indirect_dma semaphore(%arg12 : memref<!tpu.dma_semaphore, #tpu.memory_space<semaphore_mem>>) src(%dma_wait3A_82 : memref<10240x128xbf16, #tpu.memory_space<hbm>>) dst(%dma_wait3A_76 : memref<128x128xbf16, #tpu.memory_space<vmem>>)
    %barrier3A_83 = arith.constant 0 : index
    tpu.barrier barrier_id(%barrier3A_83)
    %mul3A_84 = arith.constant 640 : i32
    %mul3A_85 = arith.muli %arg1, %mul3A_84 : i32
    %add3A_86 = arith.constant 0 : i32
    %add3A_87 = arith.addi %mul3A_85, %add3A_86 : i32
    "tpu.region"() ({
      %run_scoped3A = tpu.sem_alloc : memref<!tpu.dma_semaphore, #tpu.memory_space<semaphore_mem>>
      %dma_start3A_119 = arith.constant 0 : i32
      %dma_start3A_120 = tpu.memref_slice %arg10[%add3A_87, %dma_start3A_119] : memref<10240x128xbf16, #tpu.memory_space<vmem_shared>> -> memref<128x128xbf16, #tpu.memory_space<vmem_shared>>
      %dma_start3A_121 = arith.constant 0 : i32
      %dma_start3A_122 = tpu.memref_slice %arg10[%add3A_87, %dma_start3A_121] : memref<10240x128xbf16, #tpu.memory_space<vmem_shared>> -> memref<128x128xbf16, #tpu.memory_space<vmem_shared>>
      tpu.enqueue_dma source(%dma_start3A_122 : memref<128x128xbf16, #tpu.memory_space<vmem_shared>>) target(%arg9 : memref<128x128xbf16, #tpu.memory_space<vmem>>) target_semaphore(%run_scoped3A : memref<!tpu.dma_semaphore, #tpu.memory_space<semaphore_mem>>)
      %dma_wait3A_123 = arith.constant 0 : i32
      %dma_wait3A_124 = tpu.memref_slice %arg10[%add3A_87, %dma_wait3A_123] : memref<10240x128xbf16, #tpu.memory_space<vmem_shared>> -> memref<128x128xbf16, #tpu.memory_space<vmem_shared>>
      %dma_wait3A_125 = arith.constant 0 : i32
      %dma_wait3A_126 = tpu.memref_slice %arg10[%add3A_87, %dma_wait3A_125] : memref<10240x128xbf16, #tpu.memory_space<vmem_shared>> -> memref<128x128xbf16, #tpu.memory_space<vmem_shared>>
      tpu.wait_dma2 semaphore(%run_scoped3A : memref<!tpu.dma_semaphore, #tpu.memory_space<semaphore_mem>>) src(%dma_wait3A_126 : memref<128x128xbf16, #tpu.memory_space<vmem_shared>>) dst(%arg9 : memref<128x128xbf16, #tpu.memory_space<vmem>>)
      tpu.yield
    }) : () -> ()
    %mul3A_88 = arith.constant 10240 : i32
    %mul3A_89 = arith.muli %arg0, %mul3A_88 : i32
    %add3A_90 = arith.addi %mul3A_89, %add3A_87 : i32
    "tpu.region"() ({
      %run_scoped3A = tpu.sem_alloc : memref<!tpu.dma_semaphore, #tpu.memory_space<semaphore_mem>>
      %dma_start3A_119 = arith.constant 0 : i32
      %dma_start3A_120 = tpu.memref_slice %arg5[%add3A_90, %dma_start3A_119] : memref<20480x128xbf16, #tpu.memory_space<hbm>> -> memref<128x128xbf16, #tpu.memory_space<hbm>>
      %dma_start3A_121 = arith.constant 0 : i32
      %dma_start3A_122 = tpu.memref_slice %arg5[%add3A_90, %dma_start3A_121] : memref<20480x128xbf16, #tpu.memory_space<hbm>> -> memref<128x128xbf16, #tpu.memory_space<hbm>>
      tpu.enqueue_dma source(%arg9 : memref<128x128xbf16, #tpu.memory_space<vmem>>) target(%dma_start3A_122 : memref<128x128xbf16, #tpu.memory_space<hbm>>) target_semaphore(%run_scoped3A : memref<!tpu.dma_semaphore, #tpu.memory_space<semaphore_mem>>)
      %dma_wait3A_123 = arith.constant 0 : i32
      %dma_wait3A_124 = tpu.memref_slice %arg5[%add3A_90, %dma_wait3A_123] : memref<20480x128xbf16, #tpu.memory_space<hbm>> -> memref<128x128xbf16, #tpu.memory_space<hbm>>
      %dma_wait3A_125 = arith.constant 0 : i32
      %dma_wait3A_126 = tpu.memref_slice %arg5[%add3A_90, %dma_wait3A_125] : memref<20480x128xbf16, #tpu.memory_space<hbm>> -> memref<128x128xbf16, #tpu.memory_space<hbm>>
      tpu.wait_dma2 semaphore(%run_scoped3A : memref<!tpu.dma_semaphore, #tpu.memory_space<semaphore_mem>>) src(%arg9 : memref<128x128xbf16, #tpu.memory_space<vmem>>) dst(%dma_wait3A_126 : memref<128x128xbf16, #tpu.memory_space<hbm>>)
      tpu.yield
    }) : () -> ()
    %mul3A_91 = arith.constant 640 : i32
    %mul3A_92 = arith.muli %arg1, %mul3A_91 : i32
    %add3A_93 = arith.constant 128 : i32
    %add3A_94 = arith.addi %mul3A_92, %add3A_93 : i32
    "tpu.region"() ({
      %run_scoped3A = tpu.sem_alloc : memref<!tpu.dma_semaphore, #tpu.memory_space<semaphore_mem>>
      %dma_start3A_119 = arith.constant 0 : i32
      %dma_start3A_120 = tpu.memref_slice %arg10[%add3A_94, %dma_start3A_119] : memref<10240x128xbf16, #tpu.memory_space<vmem_shared>> -> memref<128x128xbf16, #tpu.memory_space<vmem_shared>>
      %dma_start3A_121 = arith.constant 0 : i32
      %dma_start3A_122 = tpu.memref_slice %arg10[%add3A_94, %dma_start3A_121] : memref<10240x128xbf16, #tpu.memory_space<vmem_shared>> -> memref<128x128xbf16, #tpu.memory_space<vmem_shared>>
      tpu.enqueue_dma source(%dma_start3A_122 : memref<128x128xbf16, #tpu.memory_space<vmem_shared>>) target(%arg9 : memref<128x128xbf16, #tpu.memory_space<vmem>>) target_semaphore(%run_scoped3A : memref<!tpu.dma_semaphore, #tpu.memory_space<semaphore_mem>>)
      %dma_wait3A_123 = arith.constant 0 : i32
      %dma_wait3A_124 = tpu.memref_slice %arg10[%add3A_94, %dma_wait3A_123] : memref<10240x128xbf16, #tpu.memory_space<vmem_shared>> -> memref<128x128xbf16, #tpu.memory_space<vmem_shared>>
      %dma_wait3A_125 = arith.constant 0 : i32
      %dma_wait3A_126 = tpu.memref_slice %arg10[%add3A_94, %dma_wait3A_125] : memref<10240x128xbf16, #tpu.memory_space<vmem_shared>> -> memref<128x128xbf16, #tpu.memory_space<vmem_shared>>
      tpu.wait_dma2 semaphore(%run_scoped3A : memref<!tpu.dma_semaphore, #tpu.memory_space<semaphore_mem>>) src(%dma_wait3A_126 : memref<128x128xbf16, #tpu.memory_space<vmem_shared>>) dst(%arg9 : memref<128x128xbf16, #tpu.memory_space<vmem>>)
      tpu.yield
    }) : () -> ()
    %mul3A_95 = arith.constant 10240 : i32
    %mul3A_96 = arith.muli %arg0, %mul3A_95 : i32
    %add3A_97 = arith.addi %mul3A_96, %add3A_94 : i32
    "tpu.region"() ({
      %run_scoped3A = tpu.sem_alloc : memref<!tpu.dma_semaphore, #tpu.memory_space<semaphore_mem>>
      %dma_start3A_119 = arith.constant 0 : i32
      %dma_start3A_120 = tpu.memref_slice %arg5[%add3A_97, %dma_start3A_119] : memref<20480x128xbf16, #tpu.memory_space<hbm>> -> memref<128x128xbf16, #tpu.memory_space<hbm>>
      %dma_start3A_121 = arith.constant 0 : i32
      %dma_start3A_122 = tpu.memref_slice %arg5[%add3A_97, %dma_start3A_121] : memref<20480x128xbf16, #tpu.memory_space<hbm>> -> memref<128x128xbf16, #tpu.memory_space<hbm>>
      tpu.enqueue_dma source(%arg9 : memref<128x128xbf16, #tpu.memory_space<vmem>>) target(%dma_start3A_122 : memref<128x128xbf16, #tpu.memory_space<hbm>>) target_semaphore(%run_scoped3A : memref<!tpu.dma_semaphore, #tpu.memory_space<semaphore_mem>>)
      %dma_wait3A_123 = arith.constant 0 : i32
      %dma_wait3A_124 = tpu.memref_slice %arg5[%add3A_97, %dma_wait3A_123] : memref<20480x128xbf16, #tpu.memory_space<hbm>> -> memref<128x128xbf16, #tpu.memory_space<hbm>>
      %dma_wait3A_125 = arith.constant 0 : i32
      %dma_wait3A_126 = tpu.memref_slice %arg5[%add3A_97, %dma_wait3A_125] : memref<20480x128xbf16, #tpu.memory_space<hbm>> -> memref<128x128xbf16, #tpu.memory_space<hbm>>
      tpu.wait_dma2 semaphore(%run_scoped3A : memref<!tpu.dma_semaphore, #tpu.memory_space<semaphore_mem>>) src(%arg9 : memref<128x128xbf16, #tpu.memory_space<vmem>>) dst(%dma_wait3A_126 : memref<128x128xbf16, #tpu.memory_space<hbm>>)
      tpu.yield
    }) : () -> ()
    %mul3A_98 = arith.constant 640 : i32
    %mul3A_99 = arith.muli %arg1, %mul3A_98 : i32
    %add3A_100 = arith.constant 256 : i32
    %add3A_101 = arith.addi %mul3A_99, %add3A_100 : i32
    "tpu.region"() ({
      %run_scoped3A = tpu.sem_alloc : memref<!tpu.dma_semaphore, #tpu.memory_space<semaphore_mem>>
      %dma_start3A_119 = arith.constant 0 : i32
      %dma_start3A_120 = tpu.memref_slice %arg10[%add3A_101, %dma_start3A_119] : memref<10240x128xbf16, #tpu.memory_space<vmem_shared>> -> memref<128x128xbf16, #tpu.memory_space<vmem_shared>>
      %dma_start3A_121 = arith.constant 0 : i32
      %dma_start3A_122 = tpu.memref_slice %arg10[%add3A_101, %dma_start3A_121] : memref<10240x128xbf16, #tpu.memory_space<vmem_shared>> -> memref<128x128xbf16, #tpu.memory_space<vmem_shared>>
      tpu.enqueue_dma source(%dma_start3A_122 : memref<128x128xbf16, #tpu.memory_space<vmem_shared>>) target(%arg9 : memref<128x128xbf16, #tpu.memory_space<vmem>>) target_semaphore(%run_scoped3A : memref<!tpu.dma_semaphore, #tpu.memory_space<semaphore_mem>>)
      %dma_wait3A_123 = arith.constant 0 : i32
      %dma_wait3A_124 = tpu.memref_slice %arg10[%add3A_101, %dma_wait3A_123] : memref<10240x128xbf16, #tpu.memory_space<vmem_shared>> -> memref<128x128xbf16, #tpu.memory_space<vmem_shared>>
      %dma_wait3A_125 = arith.constant 0 : i32
      %dma_wait3A_126 = tpu.memref_slice %arg10[%add3A_101, %dma_wait3A_125] : memref<10240x128xbf16, #tpu.memory_space<vmem_shared>> -> memref<128x128xbf16, #tpu.memory_space<vmem_shared>>
      tpu.wait_dma2 semaphore(%run_scoped3A : memref<!tpu.dma_semaphore, #tpu.memory_space<semaphore_mem>>) src(%dma_wait3A_126 : memref<128x128xbf16, #tpu.memory_space<vmem_shared>>) dst(%arg9 : memref<128x128xbf16, #tpu.memory_space<vmem>>)
      tpu.yield
    }) : () -> ()
    %mul3A_102 = arith.constant 10240 : i32
    %mul3A_103 = arith.muli %arg0, %mul3A_102 : i32
    %add3A_104 = arith.addi %mul3A_103, %add3A_101 : i32
    "tpu.region"() ({
      %run_scoped3A = tpu.sem_alloc : memref<!tpu.dma_semaphore, #tpu.memory_space<semaphore_mem>>
      %dma_start3A_119 = arith.constant 0 : i32
      %dma_start3A_120 = tpu.memref_slice %arg5[%add3A_104, %dma_start3A_119] : memref<20480x128xbf16, #tpu.memory_space<hbm>> -> memref<128x128xbf16, #tpu.memory_space<hbm>>
      %dma_start3A_121 = arith.constant 0 : i32
      %dma_start3A_122 = tpu.memref_slice %arg5[%add3A_104, %dma_start3A_121] : memref<20480x128xbf16, #tpu.memory_space<hbm>> -> memref<128x128xbf16, #tpu.memory_space<hbm>>
      tpu.enqueue_dma source(%arg9 : memref<128x128xbf16, #tpu.memory_space<vmem>>) target(%dma_start3A_122 : memref<128x128xbf16, #tpu.memory_space<hbm>>) target_semaphore(%run_scoped3A : memref<!tpu.dma_semaphore, #tpu.memory_space<semaphore_mem>>)
      %dma_wait3A_123 = arith.constant 0 : i32
      %dma_wait3A_124 = tpu.memref_slice %arg5[%add3A_104, %dma_wait3A_123] : memref<20480x128xbf16, #tpu.memory_space<hbm>> -> memref<128x128xbf16, #tpu.memory_space<hbm>>
      %dma_wait3A_125 = arith.constant 0 : i32
      %dma_wait3A_126 = tpu.memref_slice %arg5[%add3A_104, %dma_wait3A_125] : memref<20480x128xbf16, #tpu.memory_space<hbm>> -> memref<128x128xbf16, #tpu.memory_space<hbm>>
      tpu.wait_dma2 semaphore(%run_scoped3A : memref<!tpu.dma_semaphore, #tpu.memory_space<semaphore_mem>>) src(%arg9 : memref<128x128xbf16, #tpu.memory_space<vmem>>) dst(%dma_wait3A_126 : memref<128x128xbf16, #tpu.memory_space<hbm>>)
      tpu.yield
    }) : () -> ()
    %mul3A_105 = arith.constant 640 : i32
    %mul3A_106 = arith.muli %arg1, %mul3A_105 : i32
    %add3A_107 = arith.constant 384 : i32
    %add3A_108 = arith.addi %mul3A_106, %add3A_107 : i32
    "tpu.region"() ({
      %run_scoped3A = tpu.sem_alloc : memref<!tpu.dma_semaphore, #tpu.memory_space<semaphore_mem>>
      %dma_start3A_119 = arith.constant 0 : i32
      %dma_start3A_120 = tpu.memref_slice %arg10[%add3A_108, %dma_start3A_119] : memref<10240x128xbf16, #tpu.memory_space<vmem_shared>> -> memref<128x128xbf16, #tpu.memory_space<vmem_shared>>
      %dma_start3A_121 = arith.constant 0 : i32
      %dma_start3A_122 = tpu.memref_slice %arg10[%add3A_108, %dma_start3A_121] : memref<10240x128xbf16, #tpu.memory_space<vmem_shared>> -> memref<128x128xbf16, #tpu.memory_space<vmem_shared>>
      tpu.enqueue_dma source(%dma_start3A_122 : memref<128x128xbf16, #tpu.memory_space<vmem_shared>>) target(%arg9 : memref<128x128xbf16, #tpu.memory_space<vmem>>) target_semaphore(%run_scoped3A : memref<!tpu.dma_semaphore, #tpu.memory_space<semaphore_mem>>)
      %dma_wait3A_123 = arith.constant 0 : i32
      %dma_wait3A_124 = tpu.memref_slice %arg10[%add3A_108, %dma_wait3A_123] : memref<10240x128xbf16, #tpu.memory_space<vmem_shared>> -> memref<128x128xbf16, #tpu.memory_space<vmem_shared>>
      %dma_wait3A_125 = arith.constant 0 : i32
      %dma_wait3A_126 = tpu.memref_slice %arg10[%add3A_108, %dma_wait3A_125] : memref<10240x128xbf16, #tpu.memory_space<vmem_shared>> -> memref<128x128xbf16, #tpu.memory_space<vmem_shared>>
      tpu.wait_dma2 semaphore(%run_scoped3A : memref<!tpu.dma_semaphore, #tpu.memory_space<semaphore_mem>>) src(%dma_wait3A_126 : memref<128x128xbf16, #tpu.memory_space<vmem_shared>>) dst(%arg9 : memref<128x128xbf16, #tpu.memory_space<vmem>>)
      tpu.yield
    }) : () -> ()
    %mul3A_109 = arith.constant 10240 : i32
    %mul3A_110 = arith.muli %arg0, %mul3A_109 : i32
    %add3A_111 = arith.addi %mul3A_110, %add3A_108 : i32
    "tpu.region"() ({
      %run_scoped3A = tpu.sem_alloc : memref<!tpu.dma_semaphore, #tpu.memory_space<semaphore_mem>>
      %dma_start3A_119 = arith.constant 0 : i32
      %dma_start3A_120 = tpu.memref_slice %arg5[%add3A_111, %dma_start3A_119] : memref<20480x128xbf16, #tpu.memory_space<hbm>> -> memref<128x128xbf16, #tpu.memory_space<hbm>>
      %dma_start3A_121 = arith.constant 0 : i32
      %dma_start3A_122 = tpu.memref_slice %arg5[%add3A_111, %dma_start3A_121] : memref<20480x128xbf16, #tpu.memory_space<hbm>> -> memref<128x128xbf16, #tpu.memory_space<hbm>>
      tpu.enqueue_dma source(%arg9 : memref<128x128xbf16, #tpu.memory_space<vmem>>) target(%dma_start3A_122 : memref<128x128xbf16, #tpu.memory_space<hbm>>) target_semaphore(%run_scoped3A : memref<!tpu.dma_semaphore, #tpu.memory_space<semaphore_mem>>)
      %dma_wait3A_123 = arith.constant 0 : i32
      %dma_wait3A_124 = tpu.memref_slice %arg5[%add3A_111, %dma_wait3A_123] : memref<20480x128xbf16, #tpu.memory_space<hbm>> -> memref<128x128xbf16, #tpu.memory_space<hbm>>
      %dma_wait3A_125 = arith.constant 0 : i32
      %dma_wait3A_126 = tpu.memref_slice %arg5[%add3A_111, %dma_wait3A_125] : memref<20480x128xbf16, #tpu.memory_space<hbm>> -> memref<128x128xbf16, #tpu.memory_space<hbm>>
      tpu.wait_dma2 semaphore(%run_scoped3A : memref<!tpu.dma_semaphore, #tpu.memory_space<semaphore_mem>>) src(%arg9 : memref<128x128xbf16, #tpu.memory_space<vmem>>) dst(%dma_wait3A_126 : memref<128x128xbf16, #tpu.memory_space<hbm>>)
      tpu.yield
    }) : () -> ()
    %mul3A_112 = arith.constant 640 : i32
    %mul3A_113 = arith.muli %arg1, %mul3A_112 : i32
    %add3A_114 = arith.constant 512 : i32
    %add3A_115 = arith.addi %mul3A_113, %add3A_114 : i32
    "tpu.region"() ({
      %run_scoped3A = tpu.sem_alloc : memref<!tpu.dma_semaphore, #tpu.memory_space<semaphore_mem>>
      %dma_start3A_119 = arith.constant 0 : i32
      %dma_start3A_120 = tpu.memref_slice %arg10[%add3A_115, %dma_start3A_119] : memref<10240x128xbf16, #tpu.memory_space<vmem_shared>> -> memref<128x128xbf16, #tpu.memory_space<vmem_shared>>
      %dma_start3A_121 = arith.constant 0 : i32
      %dma_start3A_122 = tpu.memref_slice %arg10[%add3A_115, %dma_start3A_121] : memref<10240x128xbf16, #tpu.memory_space<vmem_shared>> -> memref<128x128xbf16, #tpu.memory_space<vmem_shared>>
      tpu.enqueue_dma source(%dma_start3A_122 : memref<128x128xbf16, #tpu.memory_space<vmem_shared>>) target(%arg9 : memref<128x128xbf16, #tpu.memory_space<vmem>>) target_semaphore(%run_scoped3A : memref<!tpu.dma_semaphore, #tpu.memory_space<semaphore_mem>>)
      %dma_wait3A_123 = arith.constant 0 : i32
      %dma_wait3A_124 = tpu.memref_slice %arg10[%add3A_115, %dma_wait3A_123] : memref<10240x128xbf16, #tpu.memory_space<vmem_shared>> -> memref<128x128xbf16, #tpu.memory_space<vmem_shared>>
      %dma_wait3A_125 = arith.constant 0 : i32
      %dma_wait3A_126 = tpu.memref_slice %arg10[%add3A_115, %dma_wait3A_125] : memref<10240x128xbf16, #tpu.memory_space<vmem_shared>> -> memref<128x128xbf16, #tpu.memory_space<vmem_shared>>
      tpu.wait_dma2 semaphore(%run_scoped3A : memref<!tpu.dma_semaphore, #tpu.memory_space<semaphore_mem>>) src(%dma_wait3A_126 : memref<128x128xbf16, #tpu.memory_space<vmem_shared>>) dst(%arg9 : memref<128x128xbf16, #tpu.memory_space<vmem>>)
      tpu.yield
    }) : () -> ()
    %mul3A_116 = arith.constant 10240 : i32
    %mul3A_117 = arith.muli %arg0, %mul3A_116 : i32
    %add3A_118 = arith.addi %mul3A_117, %add3A_115 : i32
    "tpu.region"() ({
      %run_scoped3A = tpu.sem_alloc : memref<!tpu.dma_semaphore, #tpu.memory_space<semaphore_mem>>
      %dma_start3A_119 = arith.constant 0 : i32
      %dma_start3A_120 = tpu.memref_slice %arg5[%add3A_118, %dma_start3A_119] : memref<20480x128xbf16, #tpu.memory_space<hbm>> -> memref<128x128xbf16, #tpu.memory_space<hbm>>
      %dma_start3A_121 = arith.constant 0 : i32
      %dma_start3A_122 = tpu.memref_slice %arg5[%add3A_118, %dma_start3A_121] : memref<20480x128xbf16, #tpu.memory_space<hbm>> -> memref<128x128xbf16, #tpu.memory_space<hbm>>
      tpu.enqueue_dma source(%arg9 : memref<128x128xbf16, #tpu.memory_space<vmem>>) target(%dma_start3A_122 : memref<128x128xbf16, #tpu.memory_space<hbm>>) target_semaphore(%run_scoped3A : memref<!tpu.dma_semaphore, #tpu.memory_space<semaphore_mem>>)
      %dma_wait3A_123 = arith.constant 0 : i32
      %dma_wait3A_124 = tpu.memref_slice %arg5[%add3A_118, %dma_wait3A_123] : memref<20480x128xbf16, #tpu.memory_space<hbm>> -> memref<128x128xbf16, #tpu.memory_space<hbm>>
      %dma_wait3A_125 = arith.constant 0 : i32
      %dma_wait3A_126 = tpu.memref_slice %arg5[%add3A_118, %dma_wait3A_125] : memref<20480x128xbf16, #tpu.memory_space<hbm>> -> memref<128x128xbf16, #tpu.memory_space<hbm>>
      tpu.wait_dma2 semaphore(%run_scoped3A : memref<!tpu.dma_semaphore, #tpu.memory_space<semaphore_mem>>) src(%arg9 : memref<128x128xbf16, #tpu.memory_space<vmem>>) dst(%dma_wait3A_126 : memref<128x128xbf16, #tpu.memory_space<hbm>>)
      tpu.yield
    }) : () -> ()
    return
  }
}

module attributes {stable_mosaic.version = 14 : i64} {
  func.func @_stats0_body(%arg0: i32, %arg1: memref<1024x128xf32, #tpu.memory_space<vmem>>, %arg2: memref<1024x160xbf16, #tpu.memory_space<vmem>>, %arg3: memref<1024x160xbf16, #tpu.memory_space<vmem>>, %arg4: memref<128x128xf32, #tpu.memory_space<vmem>>, %arg5: memref<128x128xf32, #tpu.memory_space<vmem>>, %arg6: memref<1x128xf32, #tpu.memory_space<vmem>>, %arg7: memref<1024x128xf32, #tpu.memory_space<vmem>>, %arg8: memref<1x128xf32, #tpu.memory_space<vmem>>, %arg9: memref<1x128xf32, #tpu.memory_space<vmem>>, %arg10: memref<1024x1xf32, #tpu.memory_space<vmem>>) attributes {dimension_semantics = [#tpu.dimension_semantics<arbitrary>], iteration_bounds = array<i64: 10>, scalar_prefetch = 0 : i64, scratch_operands = 0 : i64, tpu.core_type = #tpu.core_type<tc>, window_params = [{transform_indices = @transform_0, window_bounds = array<i64: 1024, 128>}, {transform_indices = @transform_1, window_bounds = array<i64: 1024, 160>}, {transform_indices = @transform_2, window_bounds = array<i64: 1024, 160>}, {pipeline_mode = #tpu.pipeline_mode<synchronous>, transform_indices = @transform_3, window_bounds = array<i64: 128, 128>}, {pipeline_mode = #tpu.pipeline_mode<synchronous>, transform_indices = @transform_4, window_bounds = array<i64: 128, 128>}, {pipeline_mode = #tpu.pipeline_mode<synchronous>, transform_indices = @transform_5, window_bounds = array<i64: 1, 128>}, {transform_indices = @transform_6, window_bounds = array<i64: 1024, 128>}, {pipeline_mode = #tpu.pipeline_mode<synchronous>, transform_indices = @transform_7, window_bounds = array<i64: 1, 128>}, {pipeline_mode = #tpu.pipeline_mode<synchronous>, transform_indices = @transform_8, window_bounds = array<i64: 1, 128>}, {transform_indices = @transform_9, window_bounds = array<i64: 1024, 1>}]} {
    %get3A = arith.constant 0 : index
    %get3A_0 = arith.constant 0 : index
    %get3A_1 = vector.load %arg2[%get3A, %get3A_0] : memref<1024x160xbf16, #tpu.memory_space<vmem>>, vector<1024x160xbf16>
    %convert_element_type3A = arith.extf %get3A_1 : vector<1024x160xbf16> to vector<1024x160xf32>
    %get3A_2 = arith.constant 0 : index
    %get3A_3 = arith.constant 0 : index
    %get3A_4 = vector.load %arg3[%get3A_2, %get3A_3] : memref<1024x160xbf16, #tpu.memory_space<vmem>>, vector<1024x160xbf16>
    %convert_element_type3A_5 = arith.extf %get3A_4 : vector<1024x160xbf16> to vector<1024x160xf32>
    %slice3A = vector.extract_strided_slice %convert_element_type3A {offsets = [0, 128], sizes = [1024, 32], strides = [1, 1]} : vector<1024x160xf32> to vector<1024x32xf32>
    %slice3A_6 = vector.extract_strided_slice %convert_element_type3A_5 {offsets = [0, 128], sizes = [1024, 32], strides = [1, 1]} : vector<1024x160xf32> to vector<1024x32xf32>
    %add3A = arith.addf %slice3A, %slice3A_6 : vector<1024x32xf32>
    %reduce_sum3A = arith.constant dense<0.000000e+00> : vector<1024xf32>
    %reduce_sum3A_7 = vector.multi_reduction <add>, %add3A, %reduce_sum3A [1] : vector<1024x32xf32> to vector<1024xf32>
    %broadcast_in_dim3A = vector.shape_cast %reduce_sum3A_7 : vector<1024xf32> to vector<1024x1xf32>
    %max3A = arith.constant 1.000000e+00 : f32
    %max3A_8 = vector.broadcast %max3A : f32 to vector<1024x1xf32>
    %max3A_9 = arith.maximumf %broadcast_in_dim3A, %max3A_8 : vector<1024x1xf32>
    %div3A = arith.constant 1.000000e+00 : f32
    %div3A_10 = vector.broadcast %div3A : f32 to vector<1024x1xf32>
    %div3A_11 = arith.divf %div3A_10, %max3A_9 : vector<1024x1xf32>
    %swap3A = arith.constant 0 : index
    %swap3A_12 = arith.constant 0 : index
    %swap3A_13 = vector.load %arg10[%swap3A, %swap3A_12] : memref<1024x1xf32, #tpu.memory_space<vmem>>, vector<1024x1xf32>
    tpu.vector_store %arg10[%swap3A, %swap3A_12], %div3A_11 {strides = array<i32>} : memref<1024x1xf32, #tpu.memory_space<vmem>>, vector<1024x1xf32>,
    %slice3A_14 = vector.extract_strided_slice %convert_element_type3A {offsets = [0, 0], sizes = [1024, 128], strides = [1, 1]} : vector<1024x160xf32> to vector<1024x128xf32>
    %slice3A_15 = vector.extract_strided_slice %convert_element_type3A_5 {offsets = [0, 0], sizes = [1024, 128], strides = [1, 1]} : vector<1024x160xf32> to vector<1024x128xf32>
    %add3A_16 = arith.addf %slice3A_14, %slice3A_15 : vector<1024x128xf32>
    %mul3A = vector.broadcast %div3A_11 : vector<1024x1xf32> to vector<1024x128xf32>
    %mul3A_17 = arith.mulf %add3A_16, %mul3A : vector<1024x128xf32>
    %get3A_18 = arith.constant 0 : index
    %get3A_19 = arith.constant 0 : index
    %get3A_20 = vector.load %arg1[%get3A_18, %get3A_19] : memref<1024x128xf32, #tpu.memory_space<vmem>>, vector<1024x128xf32>
    %get3A_21 = arith.constant 0 : index
    %get3A_22 = arith.constant 0 : index
    %get3A_23 = vector.load %arg4[%get3A_21, %get3A_22] : memref<128x128xf32, #tpu.memory_space<vmem>>, vector<128x128xf32>
    %dot_general3A = arith.constant dense<0.000000e+00> : vector<1024x128xf32>
    %dot_general3A_24 = tpu.matmul %get3A_20, %get3A_23, %dot_general3A {dimension_numbers = #tpu.dot_dimension_numbers<[1], [0], [0], [1], [0, 0, 1, 1], [], []>, transpose_lhs_hint = false} : vector<1024x128xf32>, vector<128x128xf32>, vector<1024x128xf32> -> vector<1024x128xf32>
    %get3A_25 = arith.constant 0 : index
    %get3A_26 = arith.constant 0 : index
    %get3A_27 = vector.load %arg5[%get3A_25, %get3A_26] : memref<128x128xf32, #tpu.memory_space<vmem>>, vector<128x128xf32>
    %dot_general3A_28 = arith.constant dense<0.000000e+00> : vector<1024x128xf32>
    %dot_general3A_29 = tpu.matmul %mul3A_17, %get3A_27, %dot_general3A_28 {dimension_numbers = #tpu.dot_dimension_numbers<[1], [0], [0], [1], [0, 0, 1, 1], [], []>, transpose_lhs_hint = false} : vector<1024x128xf32>, vector<128x128xf32>, vector<1024x128xf32> -> vector<1024x128xf32>
    %add3A_30 = arith.addf %dot_general3A_24, %dot_general3A_29 : vector<1024x128xf32>
    %get3A_31 = arith.constant 0 : index
    %get3A_32 = arith.constant 0 : index
    %get3A_33 = vector.load %arg6[%get3A_31, %get3A_32] : memref<1x128xf32, #tpu.memory_space<vmem>>, vector<1x128xf32>
    %add3A_34 = vector.broadcast %get3A_33 : vector<1x128xf32> to vector<1024x128xf32>
    %add3A_35 = arith.addf %add3A_30, %add3A_34 : vector<1024x128xf32>
    %swap3A_36 = arith.constant 0 : index
    %swap3A_37 = arith.constant 0 : index
    %swap3A_38 = vector.load %arg7[%swap3A_36, %swap3A_37] : memref<1024x128xf32, #tpu.memory_space<vmem>>, vector<1024x128xf32>
    tpu.vector_store %arg7[%swap3A_36, %swap3A_37], %add3A_35 {strides = array<i32>} : memref<1024x128xf32, #tpu.memory_space<vmem>>, vector<1024x128xf32>,
    %eq3A = arith.constant 0 : i32
    %eq3A_39 = arith.cmpi eq, %arg0, %eq3A : i32
    %convert_element_type3A_40 = arith.extui %eq3A_39 : i1 to i32
    %cond3A = arith.constant 0 : i32
    %cond3A_41 = arith.cmpi ne, %convert_element_type3A_40, %cond3A : i32
    scf.if %cond3A_41 {
      %broadcast_in_dim3A_72 = arith.constant 0.000000e+00 : f32
      %broadcast_in_dim3A_73 = vector.broadcast %broadcast_in_dim3A_72 : f32 to vector<1x128xf32>
      %swap3A_74 = arith.constant 0 : index
      %swap3A_75 = arith.constant 0 : index
      %swap3A_76 = vector.load %arg8[%swap3A_74, %swap3A_75] : memref<1x128xf32, #tpu.memory_space<vmem>>, vector<1x128xf32>
      tpu.vector_store %arg8[%swap3A_74, %swap3A_75], %broadcast_in_dim3A_73 {strides = array<i32>} : memref<1x128xf32, #tpu.memory_space<vmem>>, vector<1x128xf32>,
      %broadcast_in_dim3A_77 = arith.constant 0.000000e+00 : f32
      %broadcast_in_dim3A_78 = vector.broadcast %broadcast_in_dim3A_77 : f32 to vector<1x128xf32>
      %swap3A_79 = arith.constant 0 : index
      %swap3A_80 = arith.constant 0 : index
      %swap3A_81 = vector.load %arg9[%swap3A_79, %swap3A_80] : memref<1x128xf32, #tpu.memory_space<vmem>>, vector<1x128xf32>
      tpu.vector_store %arg9[%swap3A_79, %swap3A_80], %broadcast_in_dim3A_78 {strides = array<i32>} : memref<1x128xf32, #tpu.memory_space<vmem>>, vector<1x128xf32>,
    } else {
    }
    %mul3A_42 = arith.constant 1024 : i32
    %mul3A_43 = arith.muli %arg0, %mul3A_42 : i32
    %iota3A = tpu.iota {dimensions = array<i32: 0>} : vector<1024x1xi32>
    %add3A_44 = vector.broadcast %mul3A_43 : i32 to vector<1024x1xi32>
    %add3A_45 = arith.addi %add3A_44, %iota3A : vector<1024x1xi32>
    %lt3A = arith.constant 10000 : i32
    %lt3A_46 = vector.broadcast %lt3A : i32 to vector<1024x1xi32>
    %lt3A_47 = arith.cmpi slt, %add3A_45, %lt3A_46 : vector<1024x1xi32>
    %jit3A = arith.constant 0.000000e+00 : f32
    %broadcast_in_dim3A_48 = vector.shape_cast %lt3A_47 : vector<1024x1xi1> to vector<1024x1xi1>
    %broadcast_in_dim3A_49 = vector.broadcast %broadcast_in_dim3A_48 : vector<1024x1xi1> to vector<1024x128xi1>
    %broadcast_in_dim3A_50 = vector.broadcast %jit3A : f32 to vector<1024x128xf32>
    %select_n3A = arith.select %broadcast_in_dim3A_49, %add3A_35, %broadcast_in_dim3A_50 : vector<1024x128xi1>, vector<1024x128xf32>
    %get3A_51 = arith.constant 0 : index
    %get3A_52 = arith.constant 0 : index
    %get3A_53 = vector.load %arg8[%get3A_51, %get3A_52] : memref<1x128xf32, #tpu.memory_space<vmem>>, vector<1x128xf32>
    %reduce_sum3A_54 = arith.constant dense<0.000000e+00> : vector<128xf32>
    %reduce_sum3A_55 = vector.multi_reduction <add>, %select_n3A, %reduce_sum3A_54 [0] : vector<1024x128xf32> to vector<128xf32>
    %broadcast_in_dim3A_56 = vector.shape_cast %reduce_sum3A_55 : vector<128xf32> to vector<1x128xf32>
    %add3A_57 = arith.addf %get3A_53, %broadcast_in_dim3A_56 : vector<1x128xf32>
    %swap3A_58 = arith.constant 0 : index
    %swap3A_59 = arith.constant 0 : index
    %swap3A_60 = vector.load %arg8[%swap3A_58, %swap3A_59] : memref<1x128xf32, #tpu.memory_space<vmem>>, vector<1x128xf32>
    tpu.vector_store %arg8[%swap3A_58, %swap3A_59], %add3A_57 {strides = array<i32>} : memref<1x128xf32, #tpu.memory_space<vmem>>, vector<1x128xf32>,
    %get3A_61 = arith.constant 0 : index
    %get3A_62 = arith.constant 0 : index
    %get3A_63 = vector.load %arg9[%get3A_61, %get3A_62] : memref<1x128xf32, #tpu.memory_space<vmem>>, vector<1x128xf32>
    %mul3A_64 = arith.mulf %select_n3A, %select_n3A : vector<1024x128xf32>
    %reduce_sum3A_65 = arith.constant dense<0.000000e+00> : vector<128xf32>
    %reduce_sum3A_66 = vector.multi_reduction <add>, %mul3A_64, %reduce_sum3A_65 [0] : vector<1024x128xf32> to vector<128xf32>
    %broadcast_in_dim3A_67 = vector.shape_cast %reduce_sum3A_66 : vector<128xf32> to vector<1x128xf32>
    %add3A_68 = arith.addf %get3A_63, %broadcast_in_dim3A_67 : vector<1x128xf32>
    %swap3A_69 = arith.constant 0 : index
    %swap3A_70 = arith.constant 0 : index
    %swap3A_71 = vector.load %arg9[%swap3A_69, %swap3A_70] : memref<1x128xf32, #tpu.memory_space<vmem>>, vector<1x128xf32>
    tpu.vector_store %arg9[%swap3A_69, %swap3A_70], %add3A_68 {strides = array<i32>} : memref<1x128xf32, #tpu.memory_space<vmem>>, vector<1x128xf32>,
    return
  }
  func.func @transform_0(%arg0: i32) -> (i32, i32) {
    %c0_i32 = arith.constant 0 : i32
    %c0_i32_0 = arith.constant 0 : i32
    return %arg0, %c0_i32 : i32, i32
  }
  func.func @transform_1(%arg0: i32) -> (i32, i32) {
    %c0_i32 = arith.constant 0 : i32
    %c0_i32_0 = arith.constant 0 : i32
    return %arg0, %c0_i32 : i32, i32
  }
  func.func @transform_2(%arg0: i32) -> (i32, i32) {
    %add3A = arith.constant 10 : i32
    %add3A_0 = arith.addi %arg0, %add3A : i32
    %c0_i32 = arith.constant 0 : i32
    %c0_i32_1 = arith.constant 0 : i32
    return %add3A_0, %c0_i32 : i32, i32
  }
  func.func @transform_3(%arg0: i32) -> (i32, i32) {
    %c0_i32 = arith.constant 0 : i32
    %c0_i32_0 = arith.constant 0 : i32
    %c0_i32_1 = arith.constant 0 : i32
    return %c0_i32, %c0_i32_0 : i32, i32
  }
  func.func @transform_4(%arg0: i32) -> (i32, i32) {
    %c0_i32 = arith.constant 0 : i32
    %c0_i32_0 = arith.constant 0 : i32
    %c0_i32_1 = arith.constant 0 : i32
    return %c0_i32, %c0_i32_0 : i32, i32
  }
  func.func @transform_5(%arg0: i32) -> (i32, i32) {
    %c0_i32 = arith.constant 0 : i32
    %c0_i32_0 = arith.constant 0 : i32
    %c0_i32_1 = arith.constant 0 : i32
    return %c0_i32, %c0_i32_0 : i32, i32
  }
  func.func @transform_6(%arg0: i32) -> (i32, i32) {
    %c0_i32 = arith.constant 0 : i32
    %c0_i32_0 = arith.constant 0 : i32
    return %arg0, %c0_i32 : i32, i32
  }
  func.func @transform_7(%arg0: i32) -> (i32, i32) {
    %c0_i32 = arith.constant 0 : i32
    %c0_i32_0 = arith.constant 0 : i32
    %c0_i32_1 = arith.constant 0 : i32
    return %c0_i32, %c0_i32_0 : i32, i32
  }
  func.func @transform_8(%arg0: i32) -> (i32, i32) {
    %c0_i32 = arith.constant 0 : i32
    %c0_i32_0 = arith.constant 0 : i32
    %c0_i32_1 = arith.constant 0 : i32
    return %c0_i32, %c0_i32_0 : i32, i32
  }
  func.func @transform_9(%arg0: i32) -> (i32, i32) {
    %c0_i32 = arith.constant 0 : i32
    %c0_i32_0 = arith.constant 0 : i32
    return %arg0, %c0_i32 : i32, i32
  }
}

module attributes {stable_mosaic.version = 14 : i64} {
  func.func @_apply_body(%arg0: i32, %arg1: memref<1024x128xf32, #tpu.memory_space<vmem>>, %arg2: memref<1x128xf32, #tpu.memory_space<vmem>>, %arg3: memref<1x128xf32, #tpu.memory_space<vmem>>, %arg4: memref<1x128xf32, #tpu.memory_space<vmem>>, %arg5: memref<1x128xf32, #tpu.memory_space<vmem>>, %arg6: memref<1024x128xf32, #tpu.memory_space<vmem>>, %arg7: memref<1024x128xbf16, #tpu.memory_space<vmem>>) attributes {dimension_semantics = [#tpu.dimension_semantics<arbitrary>], iteration_bounds = array<i64: 10>, scalar_prefetch = 0 : i64, scratch_operands = 0 : i64, tpu.core_type = #tpu.core_type<tc>, window_params = [{transform_indices = @transform_0, window_bounds = array<i64: 1024, 128>}, {pipeline_mode = #tpu.pipeline_mode<synchronous>, transform_indices = @transform_1, window_bounds = array<i64: 1, 128>}, {pipeline_mode = #tpu.pipeline_mode<synchronous>, transform_indices = @transform_2, window_bounds = array<i64: 1, 128>}, {pipeline_mode = #tpu.pipeline_mode<synchronous>, transform_indices = @transform_3, window_bounds = array<i64: 1, 128>}, {pipeline_mode = #tpu.pipeline_mode<synchronous>, transform_indices = @transform_4, window_bounds = array<i64: 1, 128>}, {transform_indices = @transform_5, window_bounds = array<i64: 1024, 128>}, {transform_indices = @transform_6, window_bounds = array<i64: 1024, 128>}]} {
    %get3A = arith.constant 0 : index
    %get3A_0 = arith.constant 0 : index
    %get3A_1 = vector.load %arg2[%get3A, %get3A_0] : memref<1x128xf32, #tpu.memory_space<vmem>>, vector<1x128xf32>
    %mul3A = arith.constant 9.99999974E-5 : f32
    %mul3A_2 = vector.broadcast %mul3A : f32 to vector<1x128xf32>
    %mul3A_3 = arith.mulf %get3A_1, %mul3A_2 : vector<1x128xf32>
    %get3A_4 = arith.constant 0 : index
    %get3A_5 = arith.constant 0 : index
    %get3A_6 = vector.load %arg3[%get3A_4, %get3A_5] : memref<1x128xf32, #tpu.memory_space<vmem>>, vector<1x128xf32>
    %mul3A_7 = arith.constant 9.99999974E-5 : f32
    %mul3A_8 = vector.broadcast %mul3A_7 : f32 to vector<1x128xf32>
    %mul3A_9 = arith.mulf %get3A_6, %mul3A_8 : vector<1x128xf32>
    %mul3A_10 = arith.mulf %mul3A_3, %mul3A_3 : vector<1x128xf32>
    %sub3A = arith.subf %mul3A_9, %mul3A_10 : vector<1x128xf32>
    %get3A_11 = arith.constant 0 : index
    %get3A_12 = arith.constant 0 : index
    %get3A_13 = vector.load %arg4[%get3A_11, %get3A_12] : memref<1x128xf32, #tpu.memory_space<vmem>>, vector<1x128xf32>
    %add3A = arith.constant 9.99999974E-6 : f32
    %add3A_14 = vector.broadcast %add3A : f32 to vector<1x128xf32>
    %add3A_15 = arith.addf %sub3A, %add3A_14 : vector<1x128xf32>
    %rsqrt3A = math.rsqrt %add3A_15 : vector<1x128xf32>
    %mul3A_16 = arith.mulf %get3A_13, %rsqrt3A : vector<1x128xf32>
    %get3A_17 = arith.constant 0 : index
    %get3A_18 = arith.constant 0 : index
    %get3A_19 = vector.load %arg1[%get3A_17, %get3A_18] : memref<1024x128xf32, #tpu.memory_space<vmem>>, vector<1024x128xf32>
    %sub3A_20 = vector.broadcast %mul3A_3 : vector<1x128xf32> to vector<1024x128xf32>
    %sub3A_21 = arith.subf %get3A_19, %sub3A_20 : vector<1024x128xf32>
    %mul3A_22 = vector.broadcast %mul3A_16 : vector<1x128xf32> to vector<1024x128xf32>
    %mul3A_23 = arith.mulf %mul3A_22, %sub3A_21 : vector<1024x128xf32>
    %get3A_24 = arith.constant 0 : index
    %get3A_25 = arith.constant 0 : index
    %get3A_26 = vector.load %arg5[%get3A_24, %get3A_25] : memref<1x128xf32, #tpu.memory_space<vmem>>, vector<1x128xf32>
    %add3A_27 = vector.broadcast %get3A_26 : vector<1x128xf32> to vector<1024x128xf32>
    %add3A_28 = arith.addf %mul3A_23, %add3A_27 : vector<1024x128xf32>
    %max3A = arith.constant 0.000000e+00 : f32
    %max3A_29 = vector.broadcast %max3A : f32 to vector<1024x128xf32>
    %max3A_30 = arith.maximumf %add3A_28, %max3A_29 : vector<1024x128xf32>
    %swap3A = arith.constant 0 : index
    %swap3A_31 = arith.constant 0 : index
    %swap3A_32 = vector.load %arg6[%swap3A, %swap3A_31] : memref<1024x128xf32, #tpu.memory_space<vmem>>, vector<1024x128xf32>
    tpu.vector_store %arg6[%swap3A, %swap3A_31], %max3A_30 {strides = array<i32>} : memref<1024x128xf32, #tpu.memory_space<vmem>>, vector<1024x128xf32>,
    %convert_element_type3A = arith.truncf %max3A_30 : vector<1024x128xf32> to vector<1024x128xbf16>
    %swap3A_33 = arith.constant 0 : index
    %swap3A_34 = arith.constant 0 : index
    %swap3A_35 = vector.load %arg7[%swap3A_33, %swap3A_34] : memref<1024x128xbf16, #tpu.memory_space<vmem>>, vector<1024x128xbf16>
    tpu.vector_store %arg7[%swap3A_33, %swap3A_34], %convert_element_type3A {strides = array<i32>} : memref<1024x128xbf16, #tpu.memory_space<vmem>>, vector<1024x128xbf16>,
    return
  }
  func.func @transform_0(%arg0: i32) -> (i32, i32) {
    %c0_i32 = arith.constant 0 : i32
    %c0_i32_0 = arith.constant 0 : i32
    return %arg0, %c0_i32 : i32, i32
  }
  func.func @transform_1(%arg0: i32) -> (i32, i32) {
    %c0_i32 = arith.constant 0 : i32
    %c0_i32_0 = arith.constant 0 : i32
    %c0_i32_1 = arith.constant 0 : i32
    return %c0_i32, %c0_i32_0 : i32, i32
  }
  func.func @transform_2(%arg0: i32) -> (i32, i32) {
    %c0_i32 = arith.constant 0 : i32
    %c0_i32_0 = arith.constant 0 : i32
    %c0_i32_1 = arith.constant 0 : i32
    return %c0_i32, %c0_i32_0 : i32, i32
  }
  func.func @transform_3(%arg0: i32) -> (i32, i32) {
    %c0_i32 = arith.constant 0 : i32
    %c0_i32_0 = arith.constant 0 : i32
    %c0_i32_1 = arith.constant 0 : i32
    return %c0_i32, %c0_i32_0 : i32, i32
  }
  func.func @transform_4(%arg0: i32) -> (i32, i32) {
    %c0_i32 = arith.constant 0 : i32
    %c0_i32_0 = arith.constant 0 : i32
    %c0_i32_1 = arith.constant 0 : i32
    return %c0_i32, %c0_i32_0 : i32, i32
  }
  func.func @transform_5(%arg0: i32) -> (i32, i32) {
    %c0_i32 = arith.constant 0 : i32
    %c0_i32_0 = arith.constant 0 : i32
    return %arg0, %c0_i32 : i32, i32
  }
  func.func @transform_6(%arg0: i32) -> (i32, i32) {
    %c0_i32 = arith.constant 0 : i32
    %c0_i32_0 = arith.constant 0 : i32
    return %arg0, %c0_i32 : i32, i32
  }
}

module attributes {stable_mosaic.version = 14 : i64} {
  func.func @_stats_mid_body(%arg0: i32, %arg1: memref<1024x128xf32, #tpu.memory_space<vmem>>, %arg2: memref<1024x1xf32, #tpu.memory_space<vmem>>, %arg3: memref<1024x128xbf16, #tpu.memory_space<vmem>>, %arg4: memref<1024x128xbf16, #tpu.memory_space<vmem>>, %arg5: memref<128x128xf32, #tpu.memory_space<vmem>>, %arg6: memref<128x128xf32, #tpu.memory_space<vmem>>, %arg7: memref<1x128xf32, #tpu.memory_space<vmem>>, %arg8: memref<1024x128xf32, #tpu.memory_space<vmem>>, %arg9: memref<1x128xf32, #tpu.memory_space<vmem>>, %arg10: memref<1x128xf32, #tpu.memory_space<vmem>>) attributes {dimension_semantics = [#tpu.dimension_semantics<arbitrary>], iteration_bounds = array<i64: 10>, scalar_prefetch = 0 : i64, scratch_operands = 0 : i64, tpu.core_type = #tpu.core_type<tc>, window_params = [{transform_indices = @transform_0, window_bounds = array<i64: 1024, 128>}, {transform_indices = @transform_1, window_bounds = array<i64: 1024, 1>}, {transform_indices = @transform_2, window_bounds = array<i64: 1024, 128>}, {transform_indices = @transform_3, window_bounds = array<i64: 1024, 128>}, {pipeline_mode = #tpu.pipeline_mode<synchronous>, transform_indices = @transform_4, window_bounds = array<i64: 128, 128>}, {pipeline_mode = #tpu.pipeline_mode<synchronous>, transform_indices = @transform_5, window_bounds = array<i64: 128, 128>}, {pipeline_mode = #tpu.pipeline_mode<synchronous>, transform_indices = @transform_6, window_bounds = array<i64: 1, 128>}, {transform_indices = @transform_7, window_bounds = array<i64: 1024, 128>}, {pipeline_mode = #tpu.pipeline_mode<synchronous>, transform_indices = @transform_8, window_bounds = array<i64: 1, 128>}, {pipeline_mode = #tpu.pipeline_mode<synchronous>, transform_indices = @transform_9, window_bounds = array<i64: 1, 128>}]} {
    %get3A = arith.constant 0 : index
    %get3A_0 = arith.constant 0 : index
    %get3A_1 = vector.load %arg2[%get3A, %get3A_0] : memref<1024x1xf32, #tpu.memory_space<vmem>>, vector<1024x1xf32>
    %get3A_2 = arith.constant 0 : index
    %get3A_3 = arith.constant 0 : index
    %get3A_4 = vector.load %arg3[%get3A_2, %get3A_3] : memref<1024x128xbf16, #tpu.memory_space<vmem>>, vector<1024x128xbf16>
    %convert_element_type3A = arith.extf %get3A_4 : vector<1024x128xbf16> to vector<1024x128xf32>
    %get3A_5 = arith.constant 0 : index
    %get3A_6 = arith.constant 0 : index
    %get3A_7 = vector.load %arg4[%get3A_5, %get3A_6] : memref<1024x128xbf16, #tpu.memory_space<vmem>>, vector<1024x128xbf16>
    %convert_element_type3A_8 = arith.extf %get3A_7 : vector<1024x128xbf16> to vector<1024x128xf32>
    %add3A = arith.addf %convert_element_type3A, %convert_element_type3A_8 : vector<1024x128xf32>
    %mul3A = vector.broadcast %get3A_1 : vector<1024x1xf32> to vector<1024x128xf32>
    %mul3A_9 = arith.mulf %add3A, %mul3A : vector<1024x128xf32>
    %get3A_10 = arith.constant 0 : index
    %get3A_11 = arith.constant 0 : index
    %get3A_12 = vector.load %arg1[%get3A_10, %get3A_11] : memref<1024x128xf32, #tpu.memory_space<vmem>>, vector<1024x128xf32>
    %get3A_13 = arith.constant 0 : index
    %get3A_14 = arith.constant 0 : index
    %get3A_15 = vector.load %arg5[%get3A_13, %get3A_14] : memref<128x128xf32, #tpu.memory_space<vmem>>, vector<128x128xf32>
    %dot_general3A = arith.constant dense<0.000000e+00> : vector<1024x128xf32>
    %dot_general3A_16 = tpu.matmul %get3A_12, %get3A_15, %dot_general3A {dimension_numbers = #tpu.dot_dimension_numbers<[1], [0], [0], [1], [0, 0, 1, 1], [], []>, transpose_lhs_hint = false} : vector<1024x128xf32>, vector<128x128xf32>, vector<1024x128xf32> -> vector<1024x128xf32>
    %get3A_17 = arith.constant 0 : index
    %get3A_18 = arith.constant 0 : index
    %get3A_19 = vector.load %arg6[%get3A_17, %get3A_18] : memref<128x128xf32, #tpu.memory_space<vmem>>, vector<128x128xf32>
    %dot_general3A_20 = arith.constant dense<0.000000e+00> : vector<1024x128xf32>
    %dot_general3A_21 = tpu.matmul %mul3A_9, %get3A_19, %dot_general3A_20 {dimension_numbers = #tpu.dot_dimension_numbers<[1], [0], [0], [1], [0, 0, 1, 1], [], []>, transpose_lhs_hint = false} : vector<1024x128xf32>, vector<128x128xf32>, vector<1024x128xf32> -> vector<1024x128xf32>
    %add3A_22 = arith.addf %dot_general3A_16, %dot_general3A_21 : vector<1024x128xf32>
    %get3A_23 = arith.constant 0 : index
    %get3A_24 = arith.constant 0 : index
    %get3A_25 = vector.load %arg7[%get3A_23, %get3A_24] : memref<1x128xf32, #tpu.memory_space<vmem>>, vector<1x128xf32>
    %add3A_26 = vector.broadcast %get3A_25 : vector<1x128xf32> to vector<1024x128xf32>
    %add3A_27 = arith.addf %add3A_22, %add3A_26 : vector<1024x128xf32>
    %swap3A = arith.constant 0 : index
    %swap3A_28 = arith.constant 0 : index
    %swap3A_29 = vector.load %arg8[%swap3A, %swap3A_28] : memref<1024x128xf32, #tpu.memory_space<vmem>>, vector<1024x128xf32>
    tpu.vector_store %arg8[%swap3A, %swap3A_28], %add3A_27 {strides = array<i32>} : memref<1024x128xf32, #tpu.memory_space<vmem>>, vector<1024x128xf32>,
    %eq3A = arith.constant 0 : i32
    %eq3A_30 = arith.cmpi eq, %arg0, %eq3A : i32
    %convert_element_type3A_31 = arith.extui %eq3A_30 : i1 to i32
    %cond3A = arith.constant 0 : i32
    %cond3A_32 = arith.cmpi ne, %convert_element_type3A_31, %cond3A : i32
    scf.if %cond3A_32 {
      %broadcast_in_dim3A_61 = arith.constant 0.000000e+00 : f32
      %broadcast_in_dim3A_62 = vector.broadcast %broadcast_in_dim3A_61 : f32 to vector<1x128xf32>
      %swap3A_63 = arith.constant 0 : index
      %swap3A_64 = arith.constant 0 : index
      %swap3A_65 = vector.load %arg9[%swap3A_63, %swap3A_64] : memref<1x128xf32, #tpu.memory_space<vmem>>, vector<1x128xf32>
      tpu.vector_store %arg9[%swap3A_63, %swap3A_64], %broadcast_in_dim3A_62 {strides = array<i32>} : memref<1x128xf32, #tpu.memory_space<vmem>>, vector<1x128xf32>,
      %broadcast_in_dim3A_66 = arith.constant 0.000000e+00 : f32
      %broadcast_in_dim3A_67 = vector.broadcast %broadcast_in_dim3A_66 : f32 to vector<1x128xf32>
      %swap3A_68 = arith.constant 0 : index
      %swap3A_69 = arith.constant 0 : index
      %swap3A_70 = vector.load %arg10[%swap3A_68, %swap3A_69] : memref<1x128xf32, #tpu.memory_space<vmem>>, vector<1x128xf32>
      tpu.vector_store %arg10[%swap3A_68, %swap3A_69], %broadcast_in_dim3A_67 {strides = array<i32>} : memref<1x128xf32, #tpu.memory_space<vmem>>, vector<1x128xf32>,
    } else {
    }
    %mul3A_33 = arith.constant 1024 : i32
    %mul3A_34 = arith.muli %arg0, %mul3A_33 : i32
    %iota3A = tpu.iota {dimensions = array<i32: 0>} : vector<1024x1xi32>
    %add3A_35 = vector.broadcast %mul3A_34 : i32 to vector<1024x1xi32>
    %add3A_36 = arith.addi %add3A_35, %iota3A : vector<1024x1xi32>
    %lt3A = arith.constant 10000 : i32
    %lt3A_37 = vector.broadcast %lt3A : i32 to vector<1024x1xi32>
    %lt3A_38 = arith.cmpi slt, %add3A_36, %lt3A_37 : vector<1024x1xi32>
    %jit3A = arith.constant 0.000000e+00 : f32
    %broadcast_in_dim3A = vector.shape_cast %lt3A_38 : vector<1024x1xi1> to vector<1024x1xi1>
    %broadcast_in_dim3A_39 = vector.broadcast %broadcast_in_dim3A : vector<1024x1xi1> to vector<1024x128xi1>
    %broadcast_in_dim3A_40 = vector.broadcast %jit3A : f32 to vector<1024x128xf32>
    %select_n3A = arith.select %broadcast_in_dim3A_39, %add3A_27, %broadcast_in_dim3A_40 : vector<1024x128xi1>, vector<1024x128xf32>
    %get3A_41 = arith.constant 0 : index
    %get3A_42 = arith.constant 0 : index
    %get3A_43 = vector.load %arg9[%get3A_41, %get3A_42] : memref<1x128xf32, #tpu.memory_space<vmem>>, vector<1x128xf32>
    %reduce_sum3A = arith.constant dense<0.000000e+00> : vector<128xf32>
    %reduce_sum3A_44 = vector.multi_reduction <add>, %select_n3A, %reduce_sum3A [0] : vector<1024x128xf32> to vector<128xf32>
    %broadcast_in_dim3A_45 = vector.shape_cast %reduce_sum3A_44 : vector<128xf32> to vector<1x128xf32>
    %add3A_46 = arith.addf %get3A_43, %broadcast_in_dim3A_45 : vector<1x128xf32>
    %swap3A_47 = arith.constant 0 : index
    %swap3A_48 = arith.constant 0 : index
    %swap3A_49 = vector.load %arg9[%swap3A_47, %swap3A_48] : memref<1x128xf32, #tpu.memory_space<vmem>>, vector<1x128xf32>
    tpu.vector_store %arg9[%swap3A_47, %swap3A_48], %add3A_46 {strides = array<i32>} : memref<1x128xf32, #tpu.memory_space<vmem>>, vector<1x128xf32>,
    %get3A_50 = arith.constant 0 : index
    %get3A_51 = arith.constant 0 : index
    %get3A_52 = vector.load %arg10[%get3A_50, %get3A_51] : memref<1x128xf32, #tpu.memory_space<vmem>>, vector<1x128xf32>
    %mul3A_53 = arith.mulf %select_n3A, %select_n3A : vector<1024x128xf32>
    %reduce_sum3A_54 = arith.constant dense<0.000000e+00> : vector<128xf32>
    %reduce_sum3A_55 = vector.multi_reduction <add>, %mul3A_53, %reduce_sum3A_54 [0] : vector<1024x128xf32> to vector<128xf32>
    %broadcast_in_dim3A_56 = vector.shape_cast %reduce_sum3A_55 : vector<128xf32> to vector<1x128xf32>
    %add3A_57 = arith.addf %get3A_52, %broadcast_in_dim3A_56 : vector<1x128xf32>
    %swap3A_58 = arith.constant 0 : index
    %swap3A_59 = arith.constant 0 : index
    %swap3A_60 = vector.load %arg10[%swap3A_58, %swap3A_59] : memref<1x128xf32, #tpu.memory_space<vmem>>, vector<1x128xf32>
    tpu.vector_store %arg10[%swap3A_58, %swap3A_59], %add3A_57 {strides = array<i32>} : memref<1x128xf32, #tpu.memory_space<vmem>>, vector<1x128xf32>,
    return
  }
  func.func @transform_0(%arg0: i32) -> (i32, i32) {
    %c0_i32 = arith.constant 0 : i32
    %c0_i32_0 = arith.constant 0 : i32
    return %arg0, %c0_i32 : i32, i32
  }
  func.func @transform_1(%arg0: i32) -> (i32, i32) {
    %c0_i32 = arith.constant 0 : i32
    %c0_i32_0 = arith.constant 0 : i32
    return %arg0, %c0_i32 : i32, i32
  }
  func.func @transform_2(%arg0: i32) -> (i32, i32) {
    %c0_i32 = arith.constant 0 : i32
    %c0_i32_0 = arith.constant 0 : i32
    return %arg0, %c0_i32 : i32, i32
  }
  func.func @transform_3(%arg0: i32) -> (i32, i32) {
    %add3A = arith.constant 10 : i32
    %add3A_0 = arith.addi %arg0, %add3A : i32
    %c0_i32 = arith.constant 0 : i32
    %c0_i32_1 = arith.constant 0 : i32
    return %add3A_0, %c0_i32 : i32, i32
  }
  func.func @transform_4(%arg0: i32) -> (i32, i32) {
    %c0_i32 = arith.constant 0 : i32
    %c0_i32_0 = arith.constant 0 : i32
    %c0_i32_1 = arith.constant 0 : i32
    return %c0_i32, %c0_i32_0 : i32, i32
  }
  func.func @transform_5(%arg0: i32) -> (i32, i32) {
    %c0_i32 = arith.constant 0 : i32
    %c0_i32_0 = arith.constant 0 : i32
    %c0_i32_1 = arith.constant 0 : i32
    return %c0_i32, %c0_i32_0 : i32, i32
  }
  func.func @transform_6(%arg0: i32) -> (i32, i32) {
    %c0_i32 = arith.constant 0 : i32
    %c0_i32_0 = arith.constant 0 : i32
    %c0_i32_1 = arith.constant 0 : i32
    return %c0_i32, %c0_i32_0 : i32, i32
  }
  func.func @transform_7(%arg0: i32) -> (i32, i32) {
    %c0_i32 = arith.constant 0 : i32
    %c0_i32_0 = arith.constant 0 : i32
    return %arg0, %c0_i32 : i32, i32
  }
  func.func @transform_8(%arg0: i32) -> (i32, i32) {
    %c0_i32 = arith.constant 0 : i32
    %c0_i32_0 = arith.constant 0 : i32
    %c0_i32_1 = arith.constant 0 : i32
    return %c0_i32, %c0_i32_0 : i32, i32
  }
  func.func @transform_9(%arg0: i32) -> (i32, i32) {
    %c0_i32 = arith.constant 0 : i32
    %c0_i32_0 = arith.constant 0 : i32
    %c0_i32_1 = arith.constant 0 : i32
    return %c0_i32, %c0_i32_0 : i32, i32
  }
}

module attributes {stable_mosaic.version = 14 : i64} {
  func.func @_last_body(%arg0: i32, %arg1: memref<1024x128xf32, #tpu.memory_space<vmem>>, %arg2: memref<1024x1xf32, #tpu.memory_space<vmem>>, %arg3: memref<1024x128xbf16, #tpu.memory_space<vmem>>, %arg4: memref<1024x128xbf16, #tpu.memory_space<vmem>>, %arg5: memref<128x128xf32, #tpu.memory_space<vmem>>, %arg6: memref<128x128xf32, #tpu.memory_space<vmem>>, %arg7: memref<1x128xf32, #tpu.memory_space<vmem>>, %arg8: memref<1024x128xf32, #tpu.memory_space<vmem>>) attributes {dimension_semantics = [#tpu.dimension_semantics<arbitrary>], iteration_bounds = array<i64: 10>, scalar_prefetch = 0 : i64, scratch_operands = 0 : i64, tpu.core_type = #tpu.core_type<tc>, window_params = [{transform_indices = @transform_0, window_bounds = array<i64: 1024, 128>}, {transform_indices = @transform_1, window_bounds = array<i64: 1024, 1>}, {transform_indices = @transform_2, window_bounds = array<i64: 1024, 128>}, {transform_indices = @transform_3, window_bounds = array<i64: 1024, 128>}, {pipeline_mode = #tpu.pipeline_mode<synchronous>, transform_indices = @transform_4, window_bounds = array<i64: 128, 128>}, {pipeline_mode = #tpu.pipeline_mode<synchronous>, transform_indices = @transform_5, window_bounds = array<i64: 128, 128>}, {pipeline_mode = #tpu.pipeline_mode<synchronous>, transform_indices = @transform_6, window_bounds = array<i64: 1, 128>}, {transform_indices = @transform_7, window_bounds = array<i64: 1024, 128>}]} {
    %get3A = arith.constant 0 : index
    %get3A_0 = arith.constant 0 : index
    %get3A_1 = vector.load %arg2[%get3A, %get3A_0] : memref<1024x1xf32, #tpu.memory_space<vmem>>, vector<1024x1xf32>
    %get3A_2 = arith.constant 0 : index
    %get3A_3 = arith.constant 0 : index
    %get3A_4 = vector.load %arg3[%get3A_2, %get3A_3] : memref<1024x128xbf16, #tpu.memory_space<vmem>>, vector<1024x128xbf16>
    %convert_element_type3A = arith.extf %get3A_4 : vector<1024x128xbf16> to vector<1024x128xf32>
    %get3A_5 = arith.constant 0 : index
    %get3A_6 = arith.constant 0 : index
    %get3A_7 = vector.load %arg4[%get3A_5, %get3A_6] : memref<1024x128xbf16, #tpu.memory_space<vmem>>, vector<1024x128xbf16>
    %convert_element_type3A_8 = arith.extf %get3A_7 : vector<1024x128xbf16> to vector<1024x128xf32>
    %add3A = arith.addf %convert_element_type3A, %convert_element_type3A_8 : vector<1024x128xf32>
    %mul3A = vector.broadcast %get3A_1 : vector<1024x1xf32> to vector<1024x128xf32>
    %mul3A_9 = arith.mulf %add3A, %mul3A : vector<1024x128xf32>
    %get3A_10 = arith.constant 0 : index
    %get3A_11 = arith.constant 0 : index
    %get3A_12 = vector.load %arg1[%get3A_10, %get3A_11] : memref<1024x128xf32, #tpu.memory_space<vmem>>, vector<1024x128xf32>
    %get3A_13 = arith.constant 0 : index
    %get3A_14 = arith.constant 0 : index
    %get3A_15 = vector.load %arg5[%get3A_13, %get3A_14] : memref<128x128xf32, #tpu.memory_space<vmem>>, vector<128x128xf32>
    %dot_general3A = arith.constant dense<0.000000e+00> : vector<1024x128xf32>
    %dot_general3A_16 = tpu.matmul %get3A_12, %get3A_15, %dot_general3A {dimension_numbers = #tpu.dot_dimension_numbers<[1], [0], [0], [1], [0, 0, 1, 1], [], []>, transpose_lhs_hint = false} : vector<1024x128xf32>, vector<128x128xf32>, vector<1024x128xf32> -> vector<1024x128xf32>
    %get3A_17 = arith.constant 0 : index
    %get3A_18 = arith.constant 0 : index
    %get3A_19 = vector.load %arg6[%get3A_17, %get3A_18] : memref<128x128xf32, #tpu.memory_space<vmem>>, vector<128x128xf32>
    %dot_general3A_20 = arith.constant dense<0.000000e+00> : vector<1024x128xf32>
    %dot_general3A_21 = tpu.matmul %mul3A_9, %get3A_19, %dot_general3A_20 {dimension_numbers = #tpu.dot_dimension_numbers<[1], [0], [0], [1], [0, 0, 1, 1], [], []>, transpose_lhs_hint = false} : vector<1024x128xf32>, vector<128x128xf32>, vector<1024x128xf32> -> vector<1024x128xf32>
    %add3A_22 = arith.addf %dot_general3A_16, %dot_general3A_21 : vector<1024x128xf32>
    %get3A_23 = arith.constant 0 : index
    %get3A_24 = arith.constant 0 : index
    %get3A_25 = vector.load %arg7[%get3A_23, %get3A_24] : memref<1x128xf32, #tpu.memory_space<vmem>>, vector<1x128xf32>
    %add3A_26 = vector.broadcast %get3A_25 : vector<1x128xf32> to vector<1024x128xf32>
    %add3A_27 = arith.addf %add3A_22, %add3A_26 : vector<1024x128xf32>
    %swap3A = arith.constant 0 : index
    %swap3A_28 = arith.constant 0 : index
    %swap3A_29 = vector.load %arg8[%swap3A, %swap3A_28] : memref<1024x128xf32, #tpu.memory_space<vmem>>, vector<1024x128xf32>
    tpu.vector_store %arg8[%swap3A, %swap3A_28], %add3A_27 {strides = array<i32>} : memref<1024x128xf32, #tpu.memory_space<vmem>>, vector<1024x128xf32>,
    return
  }
  func.func @transform_0(%arg0: i32) -> (i32, i32) {
    %c0_i32 = arith.constant 0 : i32
    %c0_i32_0 = arith.constant 0 : i32
    return %arg0, %c0_i32 : i32, i32
  }
  func.func @transform_1(%arg0: i32) -> (i32, i32) {
    %c0_i32 = arith.constant 0 : i32
    %c0_i32_0 = arith.constant 0 : i32
    return %arg0, %c0_i32 : i32, i32
  }
  func.func @transform_2(%arg0: i32) -> (i32, i32) {
    %c0_i32 = arith.constant 0 : i32
    %c0_i32_0 = arith.constant 0 : i32
    return %arg0, %c0_i32 : i32, i32
  }
  func.func @transform_3(%arg0: i32) -> (i32, i32) {
    %add3A = arith.constant 10 : i32
    %add3A_0 = arith.addi %arg0, %add3A : i32
    %c0_i32 = arith.constant 0 : i32
    %c0_i32_1 = arith.constant 0 : i32
    return %add3A_0, %c0_i32 : i32, i32
  }
  func.func @transform_4(%arg0: i32) -> (i32, i32) {
    %c0_i32 = arith.constant 0 : i32
    %c0_i32_0 = arith.constant 0 : i32
    %c0_i32_1 = arith.constant 0 : i32
    return %c0_i32, %c0_i32_0 : i32, i32
  }
  func.func @transform_5(%arg0: i32) -> (i32, i32) {
    %c0_i32 = arith.constant 0 : i32
    %c0_i32_0 = arith.constant 0 : i32
    %c0_i32_1 = arith.constant 0 : i32
    return %c0_i32, %c0_i32_0 : i32, i32
  }
  func.func @transform_6(%arg0: i32) -> (i32, i32) {
    %c0_i32 = arith.constant 0 : i32
    %c0_i32_0 = arith.constant 0 : i32
    %c0_i32_1 = arith.constant 0 : i32
    return %c0_i32, %c0_i32_0 : i32, i32
  }
  func.func @transform_7(%arg0: i32) -> (i32, i32) {
    %c0_i32 = arith.constant 0 : i32
    %c0_i32_0 = arith.constant 0 : i32
    return %arg0, %c0_i32 : i32, i32
  }
}

</mosaic_0001>

<sc_bundles>
// kernel: kernel.10.cloned.1.call-start
scs
__scs_entry_jumppad:
0x0: {  	(pc) =	sbr.rel $0x88, $3  }
0x1: {  	(tag) =	ssettag $0x0;
	lr =	simm.s32 $0x1  }
0x2: {  	[smem:$0x3F92] =	sst lr;
	_ =	strace $0xD0000000  }
0x3: {  	_ = 	snop  }
0x4: {  	_ = 	snop  }
0x5: {  	_ = 	snop  }
0x6: {  	_ = 	snop  }
0x7: {  	_ = 	snop  }
__scs_overlays_trampoline_lowered:
0x8: {  	[smem:$0x3FA1] =	sst s0  }
0x9: {  	[smem:$0x3FA2] =	sst s1  }
0xa: {  	[smem:$0x3FA3] =	sst s2  }
0xb: {  	[smem:$0x3FA4] =	sst s3  }
0xc: {  	[smem:$0x3FA5] =	sst s4  }
0xd: {  	[smem:$0x3FA6] =	sst s5  }
0xe: {  	[smem:$0x3FA7] =	sst s6  }
0xf: {  	[smem:$0x3FA8] =	sst s7  }
0x10: {  	[smem:$0x3FA9] =	sst s8  }
0x11: {  	[smem:$0x3FAA] =	sst s9;
	s0 =	simm.s32 @!p0 $0x0  }
0x12: {  	s1 =	sld [smem:$0x3F90];
	s0 =	simm.s32 @p0 $0x1  }
0x13: {  	[smem:$0x3FAB] =	sst s0;
	s0 =	simm.s32 @!p1 $0x0  }
0x14: {  	s2 =	sld [smem:$0x3F8F];
	s0 =	simm.s32 @p1 $0x1  }
0x15: {  	[smem:$0x3FAC] =	sst s0;
	s0 =	simm.s32 @!p2 $0x0  }
0x16: {  	s3 =	sld [smem:$0x3FDB];
	s0 =	simm.s32 @p2 $0x1  }
0x17: {  	s4 =	simm.s32 $0x1BF5;
	[smem:$0x3FAE] =	sst s0  }
0x18: {  	s0 =	sld [smem:$0x3F91];
	_ =	swait.ge [sflag:s4], $0x0  }
0x19: {  	s7 =	sld [smem:$0x3F92]  }
0x1a: {  	s8 =	sadd.s32 $0xFFFFE003, lr  }
0x1b: {  	s9 =	sadd.s32 $0xFFFFFEF7, lr;
	s5 =	simm.s32 $0xFFFFFFFF;
	p2 =	slt.u32 s8, $0xFFFFF086  }
0x1c: {  	p1 =	slt.u32 s9, $0xF7A;
	s5 =	simm.s32 @!p2 $0x0  }
0x1d: {  	s5 =	simm.s32 @p1 $0x1;
	p0 =	seq.s32 s7, s2  }
0x1e: {  	s7 =	smul.u32 @!p0 $0xF7A, s2;
	p2 =	seq.s32 @!p0 s5, $0x0  }
0x1f: {  	s9 =	smul.u32 $0xF7A, s1;
	s8 =	simm.s32 @!p0 $0x1BF5;
	p2 =	por !p2, p0  }
0x20: {  	[sflag:s8] =	ssyncset.s32 @!p0 $0xFFFFF086;
	s6 =	sadd.s32 @!p0 s3, s7;
	s7 =	simm.s32 @!p0 $0x108  }
0x21: {  	s3 =	sadd.s32 s3, s9;
	s6 =	sadd.s32 @!p0 $0x88, s6;
	s7 =	simm.s32 @p2 $0x1082  }
0x22: {  	[simem:s7], [sflag:s8] =	dma.local @!p0 [hbm:s6], $0xF7A  }
0x23: {  	s9 =	sor.u32 $0xD0000000, s2;
	s6 =	simm.s32 $0x108;
	_ =	swait.ge @!p0 [sflag:s8], $0x0  }
0x24: {  	s3 =	sadd.s32 $0x88, s3;
	s6 =	simm.s32 @!p1 $0x1082;
	[sflag:s4] =	ssyncset.s32 $0xFFFFF086  }
0x25: {  	[simem:s6], [sflag:s4] =	dma.local [hbm:s3], $0xF7A  }
0x26: {  	[smem:$0x3F92] =	sst s1;
	(tag) =	ssettag s2;
	_ =	strace s9  }
0x27: {  	s1 =	sld [smem:$0x3FA2]  }
0x28: {  	s2 =	sld [smem:$0x3FA3]  }
0x29: {  	s4 =	sld [smem:$0x3FA5]  }
0x2a: {  	p0 =	seq.s32 s5, $0x0;
	s5 =	sld [smem:$0x3FA6]  }
0x2b: {  	s6 =	sld [smem:$0x3FA7]  }
0x2c: {  	s7 =	sld [smem:$0x3FA8]  }
0x2d: {  	s3 =	simm.s32 $0x108;
	s8 =	sld [smem:$0x3FA9]  }
0x2e: {  	s3 =	simm.s32 @!p0 $0x1082;
	s9 =	sld [smem:$0x3FAA]  }
0x2f: {  	lr =	sadd.s32 s0, s3;
	s0 =	sld [smem:$0x3FA1]  }
0x30: {  	s3 =	sld [smem:$0x3FA4]  }
0x31: {  	[smem:$0x3FAD] =	sst s10  }
0x32: {  	s10 =	sld [smem:$0x3FAB];
	_ =	sdelay $0x3  }
0x33: {  	p0 =	seq.s32 s10, $0x1;
	s10 =	sld [smem:$0x3FAD];
	_ =	sdelay $0x3  }
0x34: {  	[smem:$0x3FAD] =	sst s10  }
0x35: {  	s10 =	sld [smem:$0x3FAC];
	_ =	sdelay $0x3  }
0x36: {  	p1 =	seq.s32 s10, $0x1;
	s10 =	sld [smem:$0x3FAD];
	_ =	sdelay $0x3  }
0x37: {  	[smem:$0x3FAD] =	sst s10  }
0x38: {  	s10 =	sld [smem:$0x3FAE]  }
0x39: {  	_ = 	snop;
	(pc) =	sbr.ind lr, $3  }
0x3a: {  	_ = 	snop  }
0x3b: {  	_ = 	snop  }
0x3c: {  	p2 =	seq.s32 s10, $0x1;
	s10 =	sld [smem:$0x3FAD]  }
0x3d: {  	_ =	shalt  }
0x3e: {  	_ =	shalt  }
0x3f: {  	_ =	shalt  }
0x40: {  	_ =	shalt  }
0x41: {  	_ =	shalt  }
0x42: {  	_ =	shalt  }
0x43: {  	_ =	shalt  }
0x44: {  	_ =	shalt  }
0x45: {  	_ =	shalt  }
0x46: {  	_ =	shalt  }
0x47: {  	_ =	shalt  }
0x48: {  	_ =	shalt  }
0x49: {  	_ =	shalt  }
0x4a: {  	_ =	shalt  }
0x4b: {  	_ =	shalt  }
0x4c: {  	_ =	shalt  }
0x4d: {  	_ =	shalt  }
0x4e: {  	_ =	shalt  }
0x4f: {  	_ =	shalt  }
0x50: {  	_ =	shalt  }
0x51: {  	_ =	shalt  }
0x52: {  	_ =	shalt  }
0x53: {  	_ =	shalt  }
0x54: {  	_ =	shalt  }
0x55: {  	_ =	shalt  }
0x56: {  	_ =	shalt  }
0x57: {  	_ =	shalt  }
0x58: {  	_ =	shalt  }
0x59: {  	_ =	shalt  }
0x5a: {  	_ =	shalt  }
0x5b: {  	_ =	shalt  }
0x5c: {  	_ =	shalt  }
0x5d: {  	_ =	shalt  }
0x5e: {  	_ =	shalt  }
0x5f: {  	_ =	shalt  }
0x60: {  	_ =	shalt  }
0x61: {  	_ =	shalt  }
0x62: {  	_ =	shalt  }
0x63: {  	_ =	shalt  }
0x64: {  	_ =	shalt  }
0x65: {  	_ =	shalt  }
0x66: {  	_ =	shalt  }
0x67: {  	_ =	shalt  }
0x68: {  	_ =	shalt  }
0x69: {  	_ =	shalt  }
0x6a: {  	_ =	shalt  }
0x6b: {  	_ =	shalt  }
0x6c: {  	_ =	shalt  }
0x6d: {  	_ =	shalt  }
0x6e: {  	_ =	shalt  }
0x6f: {  	_ =	shalt  }
0x70: {  	_ =	shalt  }
0x71: {  	_ =	shalt  }
0x72: {  	_ =	shalt  }
0x73: {  	_ =	shalt  }
0x74: {  	_ =	shalt  }
0x75: {  	_ =	shalt  }
0x76: {  	_ =	shalt  }
0x77: {  	_ =	shalt  }
0x78: {  	_ =	shalt  }
0x79: {  	_ =	shalt  }
0x7a: {  	_ =	shalt  }
0x7b: {  	_ =	shalt  }
0x7c: {  	_ =	shalt  }
0x7d: {  	_ =	shalt  }
0x7e: {  	_ =	shalt  }
0x7f: {  	_ =	shalt  }
0x80: {  	_ =	shalt  }
0x81: {  	_ =	shalt  }
0x82: {  	_ =	shalt  }
0x83: {  	_ =	shalt  }
0x84: {  	_ =	shalt  }
0x85: {  	_ =	shalt  }
0x86: {  	_ =	shalt  }
0x87: {  	_ =	shalt  }
.Lfunc_end0:
.L_simem_size_0:
called_computation_lowered:
.L_overlay_start_0:
0x88: {  	s2 =	sld [smem:$0x3FD9]  }
0x89: {  	s3 =	sld [smem:$0x3FFE];
	_ =	sdelay $0x1  }
0x8a: {  	s1 =	srdreg.scid  }
0x8b: {  	s0 =	sand.u32 $0x1, s1  }
0x8c: {  	s17 =	sshll.u32 s0, $0xA;
	s2 =	sadd.s32 s3, s2  }
0x8d: {  	s2 =	sadd.s32 s2, s17  }
0x8e: {  	[smem:$0x3FB9] =	sst s2  }
0x8f: {  	_ = 	snop  }
0x90: {  	s2 =	sld [smem:$0x3FD0];
	(tm) =	ssettm $0x1  }
0x91: {  	s18 =	sld [smem:$0x3FFB];
	_ =	sdelay $0x3  }
0x92: {  	_ =	strace s18  }
0x93: {  	s3 =	sld [smem:$0x3FFC];
	_ =	sdelay $0x3  }
0x94: {  	_ =	strace s3  }
0x95: {  	s3 =	sld [smem:$0x3FFD];
	_ =	sdelay $0x3  }
0x96: {  	_ =	strace s3  }
0x97: {  	_ =	strace $0x8FFFFFFF  }
0x98: {  	s19 =	sld [smem:$0x3FDB];
	_ =	sdelay $0x1  }
0x99: {  	s4 =	simm.s32 $_scs_section_size  }
0x9a: {  	s5 =	simm.s32 $_size__tile_overlayer_lowered;
	s6 =	simm.s32 $_tile_overlayer_lowered  }
0x9b: {  	s22 =	simm.s32 $0x1BFF;
	s21 =	sshll.u32 s6, $0x1;
	s3 =	sadd.s32 s4, s19  }
0x9c: {  	s7 =	simm.s32 $0x0;
	s20 =	sshll.u32 s5, $0x1;
	s5 =	sadd.s32 s21, s3  }
0x9d: {  	[timem:s7], [sflag:s22] =	dma.local [hbm:s5], s20  }
0x9e: {  	_ =	swait.ge [sflag:s22], s20  }
0x9f: {  	s4 =	ssub.s32 $0x0, s20;
	[sflag:s22] =	ssyncset.done $0x0  }
0xa0: {  	[sflag:s22] =	ssyncadd.s32 s4;
	_ =	sdelay $0x1  }
0xa1: {  	s23 =	simm.s32 $0x1B8B  }
0xa2: {  	_ =	swait.ge [sflag:s23], $0x1  }
0xa3: {  	[sflag:s23] =	ssyncset.done $0x0  }
0xa4: {  	s25 =	simm.s32 $0x1B8E;
	s24 =	sld [smem:$0x3FFE];
	[sflag:s23] =	ssyncadd.s32 $0xFFFFFFFF  }
0xa5: {  	s26 =	simm.s32 $execute0_lowered;
	[smem:$0x3FD2] =	sst s25  }
0xa6: {  	s5 =	sshll.u32 s26, $0x1;
	_ =	strace $0x80000046;
	[dreg:$0x1] =	wrdreg $0xFFFFFFFF  }
0xa7: {  	s28 =	simm.s32 $_size_execute0_lowered;
	s3 =	sadd.s32 s3, s5;
	[dreg:$0x0] =	wrdreg $0x0  }
0xa8: {  	s5 =	sshll.u32 s28, $0x1;
	[dreg:$0x2] =	wrdreg s3  }
0xa9: {  	[dreg:$0x3] =	wrdreg s5  }
0xaa: {  	[dreg:$0x4] =	wrdreg $0xC0  }
0xab: {  	_ =	task [dreg:s7], $0x5FFFF  }
0xac: {  	[dreg:$0x1] =	wrdreg $0xFFFFFFFF  }
0xad: {  	[dreg:$0x0] =	wrdreg $0x60  }
0xae: {  	[dreg:$0x2] =	wrdreg s2  }
0xaf: {  	[dreg:$0x3] =	wrdreg s24  }
0xb0: {  	[dreg:$0x4] =	wrdreg $0xCC000  }
0xb1: {  	[dreg:$0x5] =	wrdreg $0x9  }
0xb2: {  	_ =	task.clear_ibuf [dreg:s7], $0x6FFFF;
	_ =	strace $0x90000046  }
0xb3: {  	s29 =	simm.s32 $0x9;
	_ =	strace $0x80000048  }
0xb4: {  	_ =	swait.ge [sflag:s29], $0x1  }
0xb5: {  	[sflag:s29] =	ssyncadd.s32 $0xFFFFFFFF  }
0xb6: {  	_ =	strace $0x90000048  }
0xb7: {  	_ =	sfence  }
0xb8: {  	s30 =	sld [smem:$0x0];
	_ =	sdelay $0x2  }
0xb9: {  	s31 =	sshll.u32 s1, $0xD;
	s1 =	sshrl.u32 s1, $0x2  }
0xba: {  	s3 =	sand.u32 $0x4000, s31;
	s1 =	sadd.s32 s1, s30  }
0xbb: {  	s0 =	sor.u32 s3, s0;
	s1 =	sshll.u32 s1, $0x11  }
0xbc: {  	s0 =	sor.u32 s1, s0  }
0xbd: {  	s0 =	sadd.s32 $0x8F2B, s0  }
0xbe: {  	[sflag:s0] =	ssyncadd.remote.s32 $0x1  }
0xbf: {  	_ =	sfence.sel $0xFFFF  }
0xc0: {  	[dreg:$0x0] =	wrdreg $0xFFFFFFFF;
	(pc) =	sbr.abs _section_cstart, $3  }
0xc1: {  	[dreg:$0x1] =	wrdreg $0xFFFFFFFF  }
0xc2: {  	_ =	task.clear_ibuf [dreg:s7], $0x2FFFF;
	_ =	strace $0x9FFFFFFF  }
0xc3: {  	(tm) =	ssettm $0x7FFFFFFF  }
tec
execute0_lowered:
.L_overlay_start_1:
0x0: {  	(tag) =	ssettag $0x1  }
0x1: {  	s0 =	rddreg [dreg:$0x0]  }
0x2: {  	s1 =	srdreg.scid;
	s5 =	rddreg [dreg:$0x1]  }
0x3: {  	s3 =	rddreg [dreg:$0x2];
	s2 =	stileid.u32  }
0x4: {  	s4 =	simm.s32 $0x0;
	s18 =	simm.s32 $0x3;
	s19 =	simm.s32 $0x2C00  }
0x5: {  	s20 =	simm.s32 $0xA400;
	s7 =	sand.u32 $0x1, s1;
	s1 =	rddreg [dreg:$0x3]  }
0x6: {  	s21 =	simm.s32 $0x80;
	[smem:$0x7FF] =	sst s4;
	s10 =	smul.u32 $0x280, s2  }
0x7: {  	s13 =	sadd.s32 $0x18200, s5;
	s11 =	smul.u32 $0x32000, s2;
	s6 =	sshll.u32 s7, $0x4  }
0x8: {  	_ =	strace $0x80000047;
	s9 =	ssub.s32 $0x2, s7;
	s15 =	smul.u32 $0x2800, s7  }
0x9: {  	s6 =	sor.u32 s2, s6;
	s22 =	sshrl.u32 s9, $0x1;
	s12 =	sadd.s32 $0x80, s10  }
0xa: {  	s24 =	sshrl.u32 s11, $0x2;
	s14 =	sadd.s32 $0x14000, s11;
	s8 =	smul.u32 $0x580, s6  }
0xb: {  	s26 =	sadd.s32 $0x1E000, s11;
	s11 =	sadd.s32 $0x28000, s11;
	s6 =	smul.u32 $0x500, s6  }
0xc: {  	s17 =	ssub.s32 s9, s22;
	s23 =	smul.u32 $0x140, s12;
	s7 =	sadd.s32 s24, s3  }
0xd: {  	s25 =	sshrl.u32 s14, $0x2;
	s10 =	sadd.s32 s10, s15;
	s28 =	sadd.s32 s15, s12  }
0xe: {  	s29 =	sshrl.u32 s26, $0x2;
	s31 =	sshrl.u32 s11, $0x2;
	s22 =	simm.s32 $0x5400  }
0xf: {  	s24 =	simm.s32 $0x1;
	s26 =	simm.s32 $0x0;
	s16 =	smul.u32 $0xA, s10  }
0x10: {  	s9 =	sadd.s32 s25, s3;
	s30 =	smul.u32 $0xA, s28;
	s10 =	sadd.s32 s29, s3  }
0x11: {  	s12 =	sadd.s32 s31, s3;
	s17 =	smax.u32 s17, $0x1;
	s8 =	sadd.s32 s8, s5  }
0x12: {  	s25 =	simm.s32 $0x2;
	s6 =	sadd.s32 s6, s5;
	s5 =	sadd.s32 $0xD200, s8  }
0x13: {  	s6 =	sadd.s32 $0x3200, s6;
	s8 =	sshrl.u32 s23, $0x2;
	s11 =	sadd.s32 s13, s16  }
0x14: {  	s13 =	sadd.s32 s13, s30;
	s23 =	simm.s32 $0x7C00;
	s8 =	sadd.s32 s8, s3  }
0x15: {  	v0 =	vimm.bf16 $0.0e+00;
	s14 =	sadd.s32 $0xA00, s11;
	s15 =	sadd.s32 $0xF00, s11;
	s16 =	sadd.s32 $0x1400, s11  }
.LBB2_1:
0x16: {  	[tilespmem:s4], [sflag:$0x3] =	stream.linear.gather [hbm4b:s5+s4], $0x2C00, $0x38;
	[tilespmem:$0x19400] =	vst v63  }
0x17: {  	_ =	swait.ge [sflag:s18], $0x2C00  }
0x18: {  	[sflag:s18] =	ssyncset.done $0x0  }
0x19: {  	[sflag:s18] =	ssyncadd.s32 $0xFFFFD400  }
0x1a: {  	[tilespmem:s19], [sflag:$0x3] =	stream.linear.gather [hbm4b:s6+s4], $0x2800, $0x38;
	[tilespmem:$0x19400] =	vst v63  }
0x1b: {  	_ =	swait.ge [sflag:s18], $0x2800  }
0x1c: {  	[sflag:s18] =	ssyncset.done $0x0  }
0x1d: {  	s29 =	simm.s32 $0x140;
	s28 =	simm.s32 $0x0;
	[sflag:s18] =	ssyncadd.s32 $0xFFFFD800  }
.LBB2_2:
0x1e: {  	p0 =	sne.s32 s29, $0x9EC0;
	[tilespmem:s28+$0xA440] =	vst v0;
	s30 =	smov.u32 s29;
	s29 =	sadd.s32 $0x140, s29  }
.Ltmp0:
0x1f: {  	[tilespmem:s28+$0xA430] =	vst v0;
	(pc) =	sbr.rel @p0 .LBB2_2-.Ltmp0, $4  }
0x20: {  	[tilespmem:s28+$0xA420] =	vst v0  }
0x21: {  	[tilespmem:s28+$0xA400] =	vst v0  }
0x22: {  	[tilespmem:s28+$0xA410] =	vst v0  }
0x23: {  	s28 =	sshra.s32 s30, $0x2  }
0x24: {  	[tilespmem:s28+$0xA440] =	vst v0  }
0x25: {  	[tilespmem:s28+$0xA430] =	vst v0  }
0x26: {  	[tilespmem:s28+$0xA420] =	vst v0  }
0x27: {  	[tilespmem:s28+$0xA400] =	vst v0  }
0x28: {  	[tilespmem:s28+$0xA410] =	vst v0  }
0x29: {  	[spmem:s7] =	stream.linear.scatter [tilespmem:s20], [sflag:$0x3], $0x2800, $0x38;
	[tilespmem:$0x19400] =	vst v63  }
0x2a: {  	_ =	swait.ge [sflag:s18], $0x2800  }
0x2b: {  	[sflag:s18] =	ssyncset.done $0x0  }
0x2c: {  	[sflag:s18] =	ssyncadd.s32 $0xFFFFD800  }
0x2d: {  	[spmem:s8] =	stream.linear.scatter [tilespmem:s20], [sflag:$0x3], $0x2800, $0x38;
	[tilespmem:$0x19400] =	vst v63  }
0x2e: {  	_ =	swait.ge [sflag:s18], $0x2800  }
0x2f: {  	[sflag:s18] =	ssyncset.done $0x0  }
0x30: {  	[sflag:s18] =	ssyncadd.s32 $0xFFFFD800  }
0x31: {  	[spmem:s9] =	stream.linear.scatter [tilespmem:s20], [sflag:$0x3], $0x2800, $0x38;
	[tilespmem:$0x19400] =	vst v63  }
0x32: {  	_ =	swait.ge [sflag:s18], $0x2800  }
0x33: {  	[sflag:s18] =	ssyncset.done $0x0  }
0x34: {  	[sflag:s18] =	ssyncadd.s32 $0xFFFFD800  }
0x35: {  	[spmem:s10] =	stream.linear.scatter [tilespmem:s20], [sflag:$0x3], $0x2800, $0x38;
	[tilespmem:$0x19400] =	vst v63  }
0x36: {  	_ =	swait.ge [sflag:s18], $0x2800  }
0x37: {  	[sflag:s18] =	ssyncset.done $0x0  }
0x38: {  	[sflag:s18] =	ssyncadd.s32 $0xFFFFD800  }
0x39: {  	[spmem:s12] =	stream.linear.scatter [tilespmem:s20], [sflag:$0x3], $0x2800, $0x38;
	[tilespmem:$0x19400] =	vst v63  }
0x3a: {  	_ =	swait.ge [sflag:s18], $0x2800  }
0x3b: {  	[sflag:s18] =	ssyncset.done $0x0  }
0x3c: {  	[sflag:s18] =	ssyncadd.s32 $0xFFFFD800  }
0x3d: {  	s28 =	simm.s32 $0x0;
	[bflag:$0x0] =	sbarrier.arrive $0xFFFF  }
0x3e: {  	[tilespmem:s22], [sflag:$0x1] =	stream.indirect.gather [hbm4b:s0+s21], $0x50, s28, s21, $0xb8;
	[tilespmem:$0x19400] =	vst v63  }
0x3f: {  	_ = 	snop  }
0x40: {  	[tilespmem:s23], [sflag:$0x2] =	stream.indirect.gather [hbm4b:s0+s21], $0x50, s21, s21, $0xb8;
	[tilespmem:$0x19400] =	vst v63  }
0x41: {  	_ =	swait.ge [sflag:s24], $0x2800  }
0x42: {  	[sflag:s24] =	ssyncset.done $0x0  }
0x43: {  	s28 =	simm.s32 $0x2C00;
	[sflag:s24] =	ssyncadd.s32 $0xFFFFD800  }
0x44: {  	[spmem:s3] =	stream.indirect.scatter.add.bf16 [tilespmem:s22], [sflag:$0x3], $0x50, s28, s21, $0xb8;
	[tilespmem:$0x19400] =	vst v63  }
0x45: {  	_ =	swait.ge [sflag:s18], $0x2800  }
0x46: {  	[sflag:s18] =	ssyncset.done $0x0  }
0x47: {  	s28 =	simm.s32 $0x100;
	[sflag:s18] =	ssyncadd.s32 $0xFFFFD800  }
0x48: {  	[tilespmem:s22], [sflag:$0x1] =	stream.indirect.gather [hbm4b:s0+s21], $0x50, s28, s21, $0xb8;
	[tilespmem:$0x19400] =	vst v63  }
0x49: {  	_ =	swait.ge [sflag:s25], $0x2800  }
0x4a: {  	[sflag:s25] =	ssyncset.done $0x0  }
0x4b: {  	s28 =	simm.s32 $0x2C80;
	[sflag:s25] =	ssyncadd.s32 $0xFFFFD800  }
0x4c: {  	[spmem:s3] =	stream.indirect.scatter.add.bf16 [tilespmem:s23], [sflag:$0x3], $0x50, s28, s21, $0xb8;
	[tilespmem:$0x19400] =	vst v63  }
0x4d: {  	_ =	swait.ge [sflag:s18], $0x2800  }
0x4e: {  	[sflag:s18] =	ssyncset.done $0x0  }
0x4f: {  	s29 =	simm.s32 $0x180;
	s28 =	simm.s32 $0x400;
	[sflag:s18] =	ssyncadd.s32 $0xFFFFD800  }
.LBB2_4:
0x50: {  	[tilespmem:s23], [sflag:$0x2] =	stream.indirect.gather [hbm4b:s0+s21], $0x50, s29, s21, $0xb8;
	[tilespmem:$0x19400] =	vst v63  }
0x51: {  	s29 =	smov.u32 s28  }
0x52: {  	p0 =	sne.s32 s28, $0x9C00;
	s28 =	sadd.s32 $0x400, s28;
	_ =	swait.ge [sflag:s24], $0x2800  }
0x53: {  	s29 =	sshra.s32 s29, $0x2;
	[sflag:s24] =	ssyncset.done $0x0  }
0x54: {  	s30 =	sadd.s32 $0x2C00, s29;
	[sflag:s24] =	ssyncadd.s32 $0xFFFFD800  }
0x55: {  	[spmem:s3] =	stream.indirect.scatter.add.bf16 [tilespmem:s22], [sflag:$0x3], $0x50, s30, s21, $0xb8;
	[tilespmem:$0x19400] =	vst v63  }
0x56: {  	_ =	swait.ge [sflag:s18], $0x2800  }
0x57: {  	[sflag:s18] =	ssyncset.done $0x0  }
0x58: {  	s30 =	sadd.s32 $0x100, s29;
	[sflag:s18] =	ssyncadd.s32 $0xFFFFD800  }
0x59: {  	[tilespmem:s22], [sflag:$0x1] =	stream.indirect.gather [hbm4b:s0+s21], $0x50, s30, s21, $0xb8;
	[tilespmem:$0x19400] =	vst v63  }
0x5a: {  	_ =	swait.ge [sflag:s25], $0x2800  }
0x5b: {  	[sflag:s25] =	ssyncset.done $0x0  }
.Ltmp1:
0x5c: {  	s30 =	sadd.s32 $0x2C80, s29;
	[sflag:s25] =	ssyncadd.s32 $0xFFFFD800;
	(pc) =	sbr.rel @p0 .LBB2_4-.Ltmp1, $4  }
0x5d: {  	[spmem:s3] =	stream.indirect.scatter.add.bf16 [tilespmem:s23], [sflag:$0x3], $0x50, s30, s21, $0xb8;
	[tilespmem:$0x19400] =	vst v63  }
0x5e: {  	_ =	swait.ge [sflag:s18], $0x2800  }
0x5f: {  	[sflag:s18] =	ssyncset.done $0x0  }
0x60: {  	s29 =	sadd.s32 $0x180, s29;
	[sflag:s18] =	ssyncadd.s32 $0xFFFFD800  }
0x61: {  	[tilespmem:s23], [sflag:$0x2] =	stream.indirect.gather [hbm4b:s0+s21], $0x50, s29, s21, $0xb8;
	[tilespmem:$0x19400] =	vst v63  }
0x62: {  	_ =	swait.ge [sflag:s24], $0x2800  }
0x63: {  	[sflag:s24] =	ssyncset.done $0x0  }
0x64: {  	[sflag:s24] =	ssyncadd.s32 $0xFFFFD800  }
0x65: {  	_ =	swait.ge [sflag:s25], $0x2800  }
0x66: {  	[sflag:s25] =	ssyncset.done $0x0  }
0x67: {  	[sflag:s25] =	ssyncadd.s32 $0xFFFFD800  }
0x68: {  	[bflag:$0x0] =	sbarrier.arrive $0xFFFF  }
0x69: {  	[tilespmem:s20], [sflag:$0x3] =	stream.linear.gather [spmem:s7], $0x2800, $0x38;
	[tilespmem:$0x19400] =	vst v63  }
0x6a: {  	_ =	swait.ge [sflag:s18], $0x2800  }
0x6b: {  	[sflag:s18] =	ssyncset.done $0x0  }
0x6c: {  	[sflag:s18] =	ssyncadd.s32 $0xFFFFD800  }
0x6d: {  	[hbm4b:s11+s4] =	stream.linear.scatter [tilespmem:s20], [sflag:$0x3], $0x2800, $0x38;
	[tilespmem:$0x19400] =	vst v63  }
0x6e: {  	_ =	swait.ge [sflag:s18], $0x2800  }
0x6f: {  	[sflag:s18] =	ssyncset.done $0x0  }
0x70: {  	[sflag:s18] =	ssyncadd.s32 $0xFFFFD800  }
0x71: {  	[tilespmem:s20], [sflag:$0x3] =	stream.linear.gather [spmem:s8], $0x2800, $0x38;
	[tilespmem:$0x19400] =	vst v63  }
0x72: {  	_ =	swait.ge [sflag:s18], $0x2800  }
0x73: {  	[sflag:s18] =	ssyncset.done $0x0  }
0x74: {  	[sflag:s18] =	ssyncadd.s32 $0xFFFFD800  }
0x75: {  	[hbm4b:s13+s4] =	stream.linear.scatter [tilespmem:s20], [sflag:$0x3], $0x2800, $0x38;
	[tilespmem:$0x19400] =	vst v63  }
0x76: {  	_ =	swait.ge [sflag:s18], $0x2800  }
0x77: {  	[sflag:s18] =	ssyncset.done $0x0  }
0x78: {  	[sflag:s18] =	ssyncadd.s32 $0xFFFFD800  }
0x79: {  	[tilespmem:s20], [sflag:$0x3] =	stream.linear.gather [spmem:s9], $0x2800, $0x38;
	[tilespmem:$0x19400] =	vst v63  }
0x7a: {  	_ =	swait.ge [sflag:s18], $0x2800  }
0x7b: {  	[sflag:s18] =	ssyncset.done $0x0  }
0x7c: {  	[sflag:s18] =	ssyncadd.s32 $0xFFFFD800  }
0x7d: {  	[hbm4b:s14+s4] =	stream.linear.scatter [tilespmem:s20], [sflag:$0x3], $0x2800, $0x38;
	[tilespmem:$0x19400] =	vst v63  }
0x7e: {  	_ =	swait.ge [sflag:s18], $0x2800  }
0x7f: {  	[sflag:s18] =	ssyncset.done $0x0  }
0x80: {  	[sflag:s18] =	ssyncadd.s32 $0xFFFFD800  }
0x81: {  	[tilespmem:s20], [sflag:$0x3] =	stream.linear.gather [spmem:s10], $0x2800, $0x38;
	[tilespmem:$0x19400] =	vst v63  }
0x82: {  	_ =	swait.ge [sflag:s18], $0x2800  }
0x83: {  	[sflag:s18] =	ssyncset.done $0x0  }
0x84: {  	[sflag:s18] =	ssyncadd.s32 $0xFFFFD800  }
0x85: {  	[hbm4b:s15+s4] =	stream.linear.scatter [tilespmem:s20], [sflag:$0x3], $0x2800, $0x38;
	[tilespmem:$0x19400] =	vst v63  }
0x86: {  	_ =	swait.ge [sflag:s18], $0x2800  }
0x87: {  	[sflag:s18] =	ssyncset.done $0x0  }
0x88: {  	[sflag:s18] =	ssyncadd.s32 $0xFFFFD800  }
0x89: {  	[tilespmem:s20], [sflag:$0x3] =	stream.linear.gather [spmem:s12], $0x2800, $0x38;
	[tilespmem:$0x19400] =	vst v63  }
0x8a: {  	s26 =	sadd.s32 $0x1, s26;
	_ =	swait.ge [sflag:s18], $0x2800  }
0x8b: {  	p0 =	sne.s32 s26, s17;
	[sflag:s18] =	ssyncset.done $0x0  }
.Ltmp2:
0x8c: {  	[sflag:s18] =	ssyncadd.s32 $0xFFFFD800;
	(pc) =	sbr.rel @p0 .LBB2_1-.Ltmp2, $4  }
0x8d: {  	[hbm4b:s16+s4] =	stream.linear.scatter [tilespmem:s20], [sflag:$0x3], $0x2800, $0x38;
	[tilespmem:$0x19400] =	vst v63  }
0x8e: {  	_ =	swait.ge [sflag:s18], $0x2800  }
0x8f: {  	[sflag:s18] =	ssyncset.done $0x0  }
0x90: {  	[sflag:s18] =	ssyncadd.s32 $0xFFFFD800  }
0x91: {  	_ =	sfence.sel $0x180000  }
0x92: {  	[bflag:$0x0] =	sbarrier.arrive $0xFFFF  }
0x93: {  	p0 =	sne.s32 s2, $0x0;
	_ =	strace $0x90000047  }
0x94: {  	s0 =	sadd.s32 @!p0 $0x100000, s1;
	[bflag:$0x2] =	sbarrier.arrive $0xFFFF  }
0x95: {  	[sflag:s0] =	ssyncadd.tile.s32 @!p0 $0x1;
	_ =	shalt  }
.Lfunc_end2:
_tile_overlayer_lowered:
.L_overlay_start_2:
0x96: {  	(tag) =	ssettag $0x2  }
0x97: {  	s0 =	rddreg [dreg:$0x0];
	s2 =	stileid.u32  }
0x98: {  	s1 =	rddreg [dreg:$0x1];
	p0 =	sne.s32 s2, $0x0  }
0x99: {  	s3 =	rddreg [dreg:$0x2];
	[bflag:$0x3] =	sbarrier.arrive $0xFFFF;
	s2 =	simm.s32 @!p0 $0x1C03  }
0x9a: {  	[timem:s3], [sflag:s2] =	dma.local @!p0 [hbm:s0], s1  }
0x9b: {  	s0 =	simm.s32 @!p0 $0x3  }
0x9c: {  	_ =	swait.ge @!p0 [sflag:s0], s1  }
0x9d: {  	s1 =	ssub.s32 @!p0 $0x0, s1;
	[sflag:s0] =	ssyncset.done @!p0 $0x0  }
0x9e: {  	[sflag:s0] =	ssyncadd.s32 @!p0 s1  }
0x9f: {  	[bflag:$0x3] =	sbarrier.arrive $0xFFFF  }
0xa0: {  	_ =	shalt  }

// kernel: kernel.13.cloned.1.call-start
scs
__scs_entry_jumppad:
0x0: {  	(pc) =	sbr.rel $0x88, $3  }
0x1: {  	(tag) =	ssettag $0x0;
	lr =	simm.s32 $0x1  }
0x2: {  	[smem:$0x3F92] =	sst lr;
	_ =	strace $0xD0000000  }
0x3: {  	_ = 	snop  }
0x4: {  	_ = 	snop  }
0x5: {  	_ = 	snop  }
0x6: {  	_ = 	snop  }
0x7: {  	_ = 	snop  }
__scs_overlays_trampoline_lowered:
0x8: {  	[smem:$0x3FA1] =	sst s0  }
0x9: {  	[smem:$0x3FA2] =	sst s1  }
0xa: {  	[smem:$0x3FA3] =	sst s2  }
0xb: {  	[smem:$0x3FA4] =	sst s3  }
0xc: {  	[smem:$0x3FA5] =	sst s4  }
0xd: {  	[smem:$0x3FA6] =	sst s5  }
0xe: {  	[smem:$0x3FA7] =	sst s6  }
0xf: {  	[smem:$0x3FA8] =	sst s7  }
0x10: {  	[smem:$0x3FA9] =	sst s8  }
0x11: {  	[smem:$0x3FAA] =	sst s9;
	s0 =	simm.s32 @!p0 $0x0  }
0x12: {  	s1 =	sld [smem:$0x3F90];
	s0 =	simm.s32 @p0 $0x1  }
0x13: {  	[smem:$0x3FAB] =	sst s0;
	s0 =	simm.s32 @!p1 $0x0  }
0x14: {  	s2 =	sld [smem:$0x3F8F];
	s0 =	simm.s32 @p1 $0x1  }
0x15: {  	[smem:$0x3FAC] =	sst s0;
	s0 =	simm.s32 @!p2 $0x0  }
0x16: {  	s3 =	sld [smem:$0x3FDB];
	s0 =	simm.s32 @p2 $0x1  }
0x17: {  	s4 =	simm.s32 $0x1BF5;
	[smem:$0x3FAE] =	sst s0  }
0x18: {  	s0 =	sld [smem:$0x3F91];
	_ =	swait.ge [sflag:s4], $0x0  }
0x19: {  	s7 =	sld [smem:$0x3F92]  }
0x1a: {  	s8 =	sadd.s32 $0xFFFFE003, lr  }
0x1b: {  	s9 =	sadd.s32 $0xFFFFFEF7, lr;
	s5 =	simm.s32 $0xFFFFFFFF;
	p2 =	slt.u32 s8, $0xFFFFF086  }
0x1c: {  	p1 =	slt.u32 s9, $0xF7A;
	s5 =	simm.s32 @!p2 $0x0  }
0x1d: {  	s5 =	simm.s32 @p1 $0x1;
	p0 =	seq.s32 s7, s2  }
0x1e: {  	s7 =	smul.u32 @!p0 $0xF7A, s2;
	p2 =	seq.s32 @!p0 s5, $0x0  }
0x1f: {  	s9 =	smul.u32 $0xF7A, s1;
	s8 =	simm.s32 @!p0 $0x1BF5;
	p2 =	por !p2, p0  }
0x20: {  	[sflag:s8] =	ssyncset.s32 @!p0 $0xFFFFF086;
	s6 =	sadd.s32 @!p0 s3, s7;
	s7 =	simm.s32 @!p0 $0x108  }
0x21: {  	s3 =	sadd.s32 s3, s9;
	s6 =	sadd.s32 @!p0 $0x88, s6;
	s7 =	simm.s32 @p2 $0x1082  }
0x22: {  	[simem:s7], [sflag:s8] =	dma.local @!p0 [hbm:s6], $0xF7A  }
0x23: {  	s9 =	sor.u32 $0xD0000000, s2;
	s6 =	simm.s32 $0x108;
	_ =	swait.ge @!p0 [sflag:s8], $0x0  }
0x24: {  	s3 =	sadd.s32 $0x88, s3;
	s6 =	simm.s32 @!p1 $0x1082;
	[sflag:s4] =	ssyncset.s32 $0xFFFFF086  }
0x25: {  	[simem:s6], [sflag:s4] =	dma.local [hbm:s3], $0xF7A  }
0x26: {  	[smem:$0x3F92] =	sst s1;
	(tag) =	ssettag s2;
	_ =	strace s9  }
0x27: {  	s1 =	sld [smem:$0x3FA2]  }
0x28: {  	s2 =	sld [smem:$0x3FA3]  }
0x29: {  	s4 =	sld [smem:$0x3FA5]  }
0x2a: {  	p0 =	seq.s32 s5, $0x0;
	s5 =	sld [smem:$0x3FA6]  }
0x2b: {  	s6 =	sld [smem:$0x3FA7]  }
0x2c: {  	s7 =	sld [smem:$0x3FA8]  }
0x2d: {  	s3 =	simm.s32 $0x108;
	s8 =	sld [smem:$0x3FA9]  }
0x2e: {  	s3 =	simm.s32 @!p0 $0x1082;
	s9 =	sld [smem:$0x3FAA]  }
0x2f: {  	lr =	sadd.s32 s0, s3;
	s0 =	sld [smem:$0x3FA1]  }
0x30: {  	s3 =	sld [smem:$0x3FA4]  }
0x31: {  	[smem:$0x3FAD] =	sst s10  }
0x32: {  	s10 =	sld [smem:$0x3FAB];
	_ =	sdelay $0x3  }
0x33: {  	p0 =	seq.s32 s10, $0x1;
	s10 =	sld [smem:$0x3FAD];
	_ =	sdelay $0x3  }
0x34: {  	[smem:$0x3FAD] =	sst s10  }
0x35: {  	s10 =	sld [smem:$0x3FAC];
	_ =	sdelay $0x3  }
0x36: {  	p1 =	seq.s32 s10, $0x1;
	s10 =	sld [smem:$0x3FAD];
	_ =	sdelay $0x3  }
0x37: {  	[smem:$0x3FAD] =	sst s10  }
0x38: {  	s10 =	sld [smem:$0x3FAE]  }
0x39: {  	_ = 	snop;
	(pc) =	sbr.ind lr, $3  }
0x3a: {  	_ = 	snop  }
0x3b: {  	_ = 	snop  }
0x3c: {  	p2 =	seq.s32 s10, $0x1;
	s10 =	sld [smem:$0x3FAD]  }
0x3d: {  	_ =	shalt  }
0x3e: {  	_ =	shalt  }
0x3f: {  	_ =	shalt  }
0x40: {  	_ =	shalt  }
0x41: {  	_ =	shalt  }
0x42: {  	_ =	shalt  }
0x43: {  	_ =	shalt  }
0x44: {  	_ =	shalt  }
0x45: {  	_ =	shalt  }
0x46: {  	_ =	shalt  }
0x47: {  	_ =	shalt  }
0x48: {  	_ =	shalt  }
0x49: {  	_ =	shalt  }
0x4a: {  	_ =	shalt  }
0x4b: {  	_ =	shalt  }
0x4c: {  	_ =	shalt  }
0x4d: {  	_ =	shalt  }
0x4e: {  	_ =	shalt  }
0x4f: {  	_ =	shalt  }
0x50: {  	_ =	shalt  }
0x51: {  	_ =	shalt  }
0x52: {  	_ =	shalt  }
0x53: {  	_ =	shalt  }
0x54: {  	_ =	shalt  }
0x55: {  	_ =	shalt  }
0x56: {  	_ =	shalt  }
0x57: {  	_ =	shalt  }
0x58: {  	_ =	shalt  }
0x59: {  	_ =	shalt  }
0x5a: {  	_ =	shalt  }
0x5b: {  	_ =	shalt  }
0x5c: {  	_ =	shalt  }
0x5d: {  	_ =	shalt  }
0x5e: {  	_ =	shalt  }
0x5f: {  	_ =	shalt  }
0x60: {  	_ =	shalt  }
0x61: {  	_ =	shalt  }
0x62: {  	_ =	shalt  }
0x63: {  	_ =	shalt  }
0x64: {  	_ =	shalt  }
0x65: {  	_ =	shalt  }
0x66: {  	_ =	shalt  }
0x67: {  	_ =	shalt  }
0x68: {  	_ =	shalt  }
0x69: {  	_ =	shalt  }
0x6a: {  	_ =	shalt  }
0x6b: {  	_ =	shalt  }
0x6c: {  	_ =	shalt  }
0x6d: {  	_ =	shalt  }
0x6e: {  	_ =	shalt  }
0x6f: {  	_ =	shalt  }
0x70: {  	_ =	shalt  }
0x71: {  	_ =	shalt  }
0x72: {  	_ =	shalt  }
0x73: {  	_ =	shalt  }
0x74: {  	_ =	shalt  }
0x75: {  	_ =	shalt  }
0x76: {  	_ =	shalt  }
0x77: {  	_ =	shalt  }
0x78: {  	_ =	shalt  }
0x79: {  	_ =	shalt  }
0x7a: {  	_ =	shalt  }
0x7b: {  	_ =	shalt  }
0x7c: {  	_ =	shalt  }
0x7d: {  	_ =	shalt  }
0x7e: {  	_ =	shalt  }
0x7f: {  	_ =	shalt  }
0x80: {  	_ =	shalt  }
0x81: {  	_ =	shalt  }
0x82: {  	_ =	shalt  }
0x83: {  	_ =	shalt  }
0x84: {  	_ =	shalt  }
0x85: {  	_ =	shalt  }
0x86: {  	_ =	shalt  }
0x87: {  	_ =	shalt  }
.Lfunc_end0:
.L_simem_size_0:
called_computation.1_lowered:
.L_overlay_start_0:
0x88: {  	s2 =	sld [smem:$0x3FD9]  }
0x89: {  	s3 =	sld [smem:$0x3FFE];
	_ =	sdelay $0x1  }
0x8a: {  	s1 =	srdreg.scid  }
0x8b: {  	s0 =	sand.u32 $0x1, s1  }
0x8c: {  	s17 =	sshll.u32 s0, $0xA;
	s2 =	sadd.s32 s3, s2  }
0x8d: {  	s2 =	sadd.s32 s2, s17  }
0x8e: {  	[smem:$0x3FB9] =	sst s2  }
0x8f: {  	_ = 	snop  }
0x90: {  	s2 =	sld [smem:$0x3FD0];
	(tm) =	ssettm $0x1  }
0x91: {  	s18 =	sld [smem:$0x3FFB];
	_ =	sdelay $0x3  }
0x92: {  	_ =	strace s18  }
0x93: {  	s3 =	sld [smem:$0x3FFC];
	_ =	sdelay $0x3  }
0x94: {  	_ =	strace s3  }
0x95: {  	s3 =	sld [smem:$0x3FFD];
	_ =	sdelay $0x3  }
0x96: {  	_ =	strace s3  }
0x97: {  	_ =	strace $0x8FFFFFFF  }
0x98: {  	s19 =	sld [smem:$0x3FDB];
	_ =	sdelay $0x1  }
0x99: {  	s4 =	simm.s32 $_scs_section_size  }
0x9a: {  	s5 =	simm.s32 $_size__tile_overlayer_lowered;
	s6 =	simm.s32 $_tile_overlayer_lowered  }
0x9b: {  	s22 =	simm.s32 $0x1BFF;
	s21 =	sshll.u32 s6, $0x1;
	s3 =	sadd.s32 s4, s19  }
0x9c: {  	s7 =	simm.s32 $0x0;
	s20 =	sshll.u32 s5, $0x1;
	s5 =	sadd.s32 s21, s3  }
0x9d: {  	[timem:s7], [sflag:s22] =	dma.local [hbm:s5], s20  }
0x9e: {  	_ =	swait.ge [sflag:s22], s20  }
0x9f: {  	s4 =	ssub.s32 $0x0, s20;
	[sflag:s22] =	ssyncset.done $0x0  }
0xa0: {  	[sflag:s22] =	ssyncadd.s32 s4;
	_ =	sdelay $0x1  }
0xa1: {  	s23 =	simm.s32 $0x1B8B  }
0xa2: {  	_ =	swait.ge [sflag:s23], $0x1  }
0xa3: {  	[sflag:s23] =	ssyncset.done $0x0  }
0xa4: {  	s25 =	simm.s32 $0x1B8E;
	s24 =	sld [smem:$0x3FFE];
	[sflag:s23] =	ssyncadd.s32 $0xFFFFFFFF  }
0xa5: {  	s26 =	simm.s32 $execute0_lowered;
	[smem:$0x3FD2] =	sst s25  }
0xa6: {  	s5 =	sshll.u32 s26, $0x1;
	_ =	strace $0x80000049;
	[dreg:$0x1] =	wrdreg $0xFFFFFFFF  }
0xa7: {  	s28 =	simm.s32 $_size_execute0_lowered;
	s3 =	sadd.s32 s3, s5;
	[dreg:$0x0] =	wrdreg $0x0  }
0xa8: {  	s5 =	sshll.u32 s28, $0x1;
	[dreg:$0x2] =	wrdreg s3  }
0xa9: {  	[dreg:$0x3] =	wrdreg s5  }
0xaa: {  	[dreg:$0x4] =	wrdreg $0xC0  }
0xab: {  	_ =	task [dreg:s7], $0x5FFFF  }
0xac: {  	[dreg:$0x1] =	wrdreg $0xFFFFFFFF  }
0xad: {  	[dreg:$0x0] =	wrdreg $0x60  }
0xae: {  	[dreg:$0x2] =	wrdreg s2  }
0xaf: {  	[dreg:$0x3] =	wrdreg s24  }
0xb0: {  	[dreg:$0x4] =	wrdreg $0xB4000  }
0xb1: {  	[dreg:$0x5] =	wrdreg $0x9  }
0xb2: {  	_ =	task.clear_ibuf [dreg:s7], $0x6FFFF;
	_ =	strace $0x90000049  }
0xb3: {  	s29 =	simm.s32 $0x9;
	_ =	strace $0x8000004B  }
0xb4: {  	_ =	swait.ge [sflag:s29], $0x1  }
0xb5: {  	[sflag:s29] =	ssyncadd.s32 $0xFFFFFFFF  }
0xb6: {  	_ =	strace $0x9000004B  }
0xb7: {  	_ =	sfence  }
0xb8: {  	s30 =	sld [smem:$0x0];
	_ =	sdelay $0x2  }
0xb9: {  	s31 =	sshll.u32 s1, $0xD;
	s1 =	sshrl.u32 s1, $0x2  }
0xba: {  	s3 =	sand.u32 $0x4000, s31;
	s1 =	sadd.s32 s1, s30  }
0xbb: {  	s0 =	sor.u32 s3, s0;
	s1 =	sshll.u32 s1, $0x11  }
0xbc: {  	s0 =	sor.u32 s1, s0  }
0xbd: {  	s0 =	sadd.s32 $0x8F2B, s0  }
0xbe: {  	[sflag:s0] =	ssyncadd.remote.s32 $0x1  }
0xbf: {  	_ =	sfence.sel $0xFFFF  }
0xc0: {  	[dreg:$0x0] =	wrdreg $0xFFFFFFFF;
	(pc) =	sbr.abs _section_cstart, $3  }
0xc1: {  	[dreg:$0x1] =	wrdreg $0xFFFFFFFF  }
0xc2: {  	_ =	task.clear_ibuf [dreg:s7], $0x2FFFF;
	_ =	strace $0x9FFFFFFF  }
0xc3: {  	(tm) =	ssettm $0x7FFFFFFF  }
tec
execute0_lowered:
.L_overlay_start_1:
0x0: {  	(tag) =	ssettag $0x1  }
0x1: {  	s1 =	rddreg [dreg:$0x0]  }
0x2: {  	s5 =	rddreg [dreg:$0x1]  }
0x3: {  	s0 =	srdreg.scid;
	s3 =	rddreg [dreg:$0x2]  }
0x4: {  	s4 =	simm.s32 $0x0;
	s21 =	simm.s32 $0x80;
	s22 =	simm.s32 $0x5400  }
0x5: {  	s23 =	simm.s32 $0x7400;
	s9 =	sand.u32 $0x1, s0;
	s0 =	stileid.u32  }
0x6: {  	[smem:$0x7FF] =	sst s4;
	s16 =	sadd.s32 $0x18200, s5;
	s11 =	smul.u32 $0x280, s0  }
0x7: {  	s2 =	sshll.u32 s9, $0x4;
	s8 =	ssub.s32 $0x2, s9;
	s12 =	smul.u32 $0x28000, s0  }
0x8: {  	s18 =	smul.u32 $0x2800, s9;
	s6 =	sor.u32 s0, s2;
	s2 =	rddreg [dreg:$0x3]  }
0x9: {  	_ =	strace $0x8000004A;
	s10 =	sshrl.u32 s8, $0x1;
	s7 =	smul.u32 $0x580, s6  }
0xa: {  	s6 =	smul.u32 $0x500, s6;
	s17 =	ssub.s32 s8, s10;
	s24 =	sshrl.u32 s12, $0x2  }
0xb: {  	s25 =	sadd.s32 $0x80, s11;
	s14 =	sadd.s32 $0x100, s11;
	s15 =	sadd.s32 $0x180, s11  }
0xc: {  	s19 =	sadd.s32 $0x200, s11;
	s20 =	sadd.s32 s11, s18;
	s26 =	sshll.u32 s25, $0x6  }
0xd: {  	s28 =	sshll.u32 s14, $0x6;
	s13 =	sshll.u32 s15, $0x6;
	s29 =	sshll.u32 s19, $0x6  }
0xe: {  	s12 =	sadd.s32 s18, s25;
	s30 =	sshll.u32 s20, $0x3;
	s14 =	sadd.s32 s18, s14  }
0xf: {  	s15 =	sadd.s32 s18, s15;
	s18 =	sadd.s32 s18, s19;
	s17 =	smax.u32 s17, $0x1  }
0x10: {  	s19 =	simm.s32 $0x2C00;
	s20 =	simm.s32 $0x9400;
	s25 =	simm.s32 $0x2  }
0x11: {  	s7 =	sadd.s32 s7, s5;
	s6 =	sadd.s32 s6, s5;
	s8 =	sadd.s32 s26, s3  }
0x12: {  	s9 =	sadd.s32 s28, s3;
	s10 =	sadd.s32 s13, s3;
	s11 =	sadd.s32 s29, s3  }
0x13: {  	s31 =	sshll.u32 s12, $0x3;
	s12 =	sadd.s32 s16, s30;
	s14 =	sshll.u32 s14, $0x3  }
0x14: {  	s15 =	sshll.u32 s15, $0x3;
	s18 =	sshll.u32 s18, $0x3;
	s26 =	simm.s32 $0x0  }
0x15: {  	s5 =	sadd.s32 $0xD200, s7;
	s6 =	sadd.s32 $0x3200, s6;
	s7 =	sadd.s32 s24, s3  }
0x16: {  	s13 =	sadd.s32 s16, s31;
	s14 =	sadd.s32 s16, s14;
	s15 =	sadd.s32 s16, s15  }
0x17: {  	v0 =	vimm.bf16 $0.0e+00;
	s16 =	sadd.s32 s16, s18;
	s18 =	simm.s32 $0x3;
	s24 =	simm.s32 $0x1  }
.LBB2_1:
0x18: {  	[tilespmem:s4], [sflag:$0x3] =	stream.linear.gather [hbm4b:s5+s4], $0x2C00, $0x38;
	[tilespmem:$0x15400] =	vst v63  }
0x19: {  	_ =	swait.ge [sflag:s18], $0x2C00  }
0x1a: {  	[sflag:s18] =	ssyncset.done $0x0  }
0x1b: {  	[sflag:s18] =	ssyncadd.s32 $0xFFFFD400  }
0x1c: {  	[tilespmem:s19], [sflag:$0x3] =	stream.linear.gather [hbm4b:s6+s4], $0x2800, $0x38;
	[tilespmem:$0x15400] =	vst v63  }
0x1d: {  	_ =	swait.ge [sflag:s18], $0x2800  }
0x1e: {  	[sflag:s18] =	ssyncset.done $0x0  }
0x1f: {  	s29 =	simm.s32 $0x100;
	s28 =	simm.s32 $0x0;
	[sflag:s18] =	ssyncadd.s32 $0xFFFFD800  }
.LBB2_2:
0x20: {  	p0 =	sne.s32 s29, $0x7F00;
	[tilespmem:s28+$0x9430] =	vst v0;
	s30 =	smov.u32 s29;
	s29 =	sadd.s32 $0x100, s29  }
.Ltmp0:
0x21: {  	[tilespmem:s28+$0x9420] =	vst v0;
	(pc) =	sbr.rel @p0 .LBB2_2-.Ltmp0, $3  }
0x22: {  	[tilespmem:s28+$0x9400] =	vst v0  }
0x23: {  	[tilespmem:s28+$0x9410] =	vst v0;
	_ =	sdelay $0x1  }
0x24: {  	s28 =	sshra.s32 s30, $0x2  }
0x25: {  	[tilespmem:s28+$0x9430] =	vst v0  }
0x26: {  	[tilespmem:s28+$0x9420] =	vst v0  }
0x27: {  	[tilespmem:s28+$0x9400] =	vst v0  }
0x28: {  	[tilespmem:s28+$0x9410] =	vst v0  }
0x29: {  	[spmem:s7] =	stream.linear.scatter [tilespmem:s20], [sflag:$0x3], $0x2000, $0x38;
	[tilespmem:$0x15400] =	vst v63  }
0x2a: {  	_ =	swait.ge [sflag:s18], $0x2000  }
0x2b: {  	[sflag:s18] =	ssyncset.done $0x0  }
0x2c: {  	[sflag:s18] =	ssyncadd.s32 $0xFFFFE000  }
0x2d: {  	[spmem:s8] =	stream.linear.scatter [tilespmem:s20], [sflag:$0x3], $0x2000, $0x38;
	[tilespmem:$0x15400] =	vst v63  }
0x2e: {  	_ =	swait.ge [sflag:s18], $0x2000  }
0x2f: {  	[sflag:s18] =	ssyncset.done $0x0  }
0x30: {  	[sflag:s18] =	ssyncadd.s32 $0xFFFFE000  }
0x31: {  	[spmem:s9] =	stream.linear.scatter [tilespmem:s20], [sflag:$0x3], $0x2000, $0x38;
	[tilespmem:$0x15400] =	vst v63  }
0x32: {  	_ =	swait.ge [sflag:s18], $0x2000  }
0x33: {  	[sflag:s18] =	ssyncset.done $0x0  }
0x34: {  	[sflag:s18] =	ssyncadd.s32 $0xFFFFE000  }
0x35: {  	[spmem:s10] =	stream.linear.scatter [tilespmem:s20], [sflag:$0x3], $0x2000, $0x38;
	[tilespmem:$0x15400] =	vst v63  }
0x36: {  	_ =	swait.ge [sflag:s18], $0x2000  }
0x37: {  	[sflag:s18] =	ssyncset.done $0x0  }
0x38: {  	[sflag:s18] =	ssyncadd.s32 $0xFFFFE000  }
0x39: {  	[spmem:s11] =	stream.linear.scatter [tilespmem:s20], [sflag:$0x3], $0x2000, $0x38;
	[tilespmem:$0x15400] =	vst v63  }
0x3a: {  	_ =	swait.ge [sflag:s18], $0x2000  }
0x3b: {  	[sflag:s18] =	ssyncset.done $0x0  }
0x3c: {  	[sflag:s18] =	ssyncadd.s32 $0xFFFFE000  }
0x3d: {  	s28 =	simm.s32 $0x0;
	[bflag:$0x0] =	sbarrier.arrive $0xFFFF  }
0x3e: {  	[tilespmem:s22], [sflag:$0x1] =	stream.indirect.gather [hbm4b:s1+s21], $0x40, s28, s21, $0xb8;
	[tilespmem:$0x15400] =	vst v63  }
0x3f: {  	_ = 	snop  }
0x40: {  	[tilespmem:s23], [sflag:$0x2] =	stream.indirect.gather [hbm4b:s1+s21], $0x40, s21, s21, $0xb8;
	[tilespmem:$0x15400] =	vst v63  }
0x41: {  	_ =	swait.ge [sflag:s24], $0x2000  }
0x42: {  	[sflag:s24] =	ssyncset.done $0x0  }
0x43: {  	s28 =	simm.s32 $0x2C00;
	[sflag:s24] =	ssyncadd.s32 $0xFFFFE000  }
0x44: {  	[spmem:s3] =	stream.indirect.scatter.add.bf16 [tilespmem:s22], [sflag:$0x3], $0x40, s28, s21, $0xb8;
	[tilespmem:$0x15400] =	vst v63  }
0x45: {  	_ =	swait.ge [sflag:s18], $0x2000  }
0x46: {  	[sflag:s18] =	ssyncset.done $0x0  }
0x47: {  	s28 =	simm.s32 $0x100;
	[sflag:s18] =	ssyncadd.s32 $0xFFFFE000  }
0x48: {  	[tilespmem:s22], [sflag:$0x1] =	stream.indirect.gather [hbm4b:s1+s21], $0x40, s28, s21, $0xb8;
	[tilespmem:$0x15400] =	vst v63  }
0x49: {  	_ =	swait.ge [sflag:s25], $0x2000  }
0x4a: {  	[sflag:s25] =	ssyncset.done $0x0  }
0x4b: {  	s28 =	simm.s32 $0x2C80;
	[sflag:s25] =	ssyncadd.s32 $0xFFFFE000  }
0x4c: {  	[spmem:s3] =	stream.indirect.scatter.add.bf16 [tilespmem:s23], [sflag:$0x3], $0x40, s28, s21, $0xb8;
	[tilespmem:$0x15400] =	vst v63  }
0x4d: {  	_ =	swait.ge [sflag:s18], $0x2000  }
0x4e: {  	[sflag:s18] =	ssyncset.done $0x0  }
0x4f: {  	s29 =	simm.s32 $0x180;
	s28 =	simm.s32 $0x400;
	[sflag:s18] =	ssyncadd.s32 $0xFFFFE000  }
.LBB2_4:
0x50: {  	[tilespmem:s23], [sflag:$0x2] =	stream.indirect.gather [hbm4b:s1+s21], $0x40, s29, s21, $0xb8;
	[tilespmem:$0x15400] =	vst v63  }
0x51: {  	s29 =	smov.u32 s28  }
0x52: {  	p0 =	sne.s32 s28, $0x9C00;
	s28 =	sadd.s32 $0x400, s28;
	_ =	swait.ge [sflag:s24], $0x2000  }
0x53: {  	s29 =	sshra.s32 s29, $0x2;
	[sflag:s24] =	ssyncset.done $0x0  }
0x54: {  	s30 =	sadd.s32 $0x2C00, s29;
	[sflag:s24] =	ssyncadd.s32 $0xFFFFE000  }
0x55: {  	[spmem:s3] =	stream.indirect.scatter.add.bf16 [tilespmem:s22], [sflag:$0x3], $0x40, s30, s21, $0xb8;
	[tilespmem:$0x15400] =	vst v63  }
0x56: {  	_ =	swait.ge [sflag:s18], $0x2000  }
0x57: {  	[sflag:s18] =	ssyncset.done $0x0  }
0x58: {  	s30 =	sadd.s32 $0x100, s29;
	[sflag:s18] =	ssyncadd.s32 $0xFFFFE000  }
0x59: {  	[tilespmem:s22], [sflag:$0x1] =	stream.indirect.gather [hbm4b:s1+s21], $0x40, s30, s21, $0xb8;
	[tilespmem:$0x15400] =	vst v63  }
0x5a: {  	_ =	swait.ge [sflag:s25], $0x2000  }
0x5b: {  	[sflag:s25] =	ssyncset.done $0x0  }
.Ltmp1:
0x5c: {  	s30 =	sadd.s32 $0x2C80, s29;
	[sflag:s25] =	ssyncadd.s32 $0xFFFFE000;
	(pc) =	sbr.rel @p0 .LBB2_4-.Ltmp1, $4  }
0x5d: {  	[spmem:s3] =	stream.indirect.scatter.add.bf16 [tilespmem:s23], [sflag:$0x3], $0x40, s30, s21, $0xb8;
	[tilespmem:$0x15400] =	vst v63  }
0x5e: {  	_ =	swait.ge [sflag:s18], $0x2000  }
0x5f: {  	[sflag:s18] =	ssyncset.done $0x0  }
0x60: {  	s29 =	sadd.s32 $0x180, s29;
	[sflag:s18] =	ssyncadd.s32 $0xFFFFE000  }
0x61: {  	[tilespmem:s23], [sflag:$0x2] =	stream.indirect.gather [hbm4b:s1+s21], $0x40, s29, s21, $0xb8;
	[tilespmem:$0x15400] =	vst v63  }
0x62: {  	_ =	swait.ge [sflag:s24], $0x2000  }
0x63: {  	[sflag:s24] =	ssyncset.done $0x0  }
0x64: {  	[sflag:s24] =	ssyncadd.s32 $0xFFFFE000  }
0x65: {  	_ =	swait.ge [sflag:s25], $0x2000  }
0x66: {  	[sflag:s25] =	ssyncset.done $0x0  }
0x67: {  	[sflag:s25] =	ssyncadd.s32 $0xFFFFE000  }
0x68: {  	[bflag:$0x0] =	sbarrier.arrive $0xFFFF  }
0x69: {  	[tilespmem:s20], [sflag:$0x3] =	stream.linear.gather [spmem:s7], $0x2000, $0x38;
	[tilespmem:$0x15400] =	vst v63  }
0x6a: {  	_ =	swait.ge [sflag:s18], $0x2000  }
0x6b: {  	[sflag:s18] =	ssyncset.done $0x0  }
0x6c: {  	[sflag:s18] =	ssyncadd.s32 $0xFFFFE000  }
0x6d: {  	[hbm4b:s12+s4] =	stream.linear.scatter [tilespmem:s20], [sflag:$0x3], $0x2000, $0x38;
	[tilespmem:$0x15400] =	vst v63  }
0x6e: {  	_ =	swait.ge [sflag:s18], $0x2000  }
0x6f: {  	[sflag:s18] =	ssyncset.done $0x0  }
0x70: {  	[sflag:s18] =	ssyncadd.s32 $0xFFFFE000  }
0x71: {  	[tilespmem:s20], [sflag:$0x3] =	stream.linear.gather [spmem:s8], $0x2000, $0x38;
	[tilespmem:$0x15400] =	vst v63  }
0x72: {  	_ =	swait.ge [sflag:s18], $0x2000  }
0x73: {  	[sflag:s18] =	ssyncset.done $0x0  }
0x74: {  	[sflag:s18] =	ssyncadd.s32 $0xFFFFE000  }
0x75: {  	[hbm4b:s13+s4] =	stream.linear.scatter [tilespmem:s20], [sflag:$0x3], $0x2000, $0x38;
	[tilespmem:$0x15400] =	vst v63  }
0x76: {  	_ =	swait.ge [sflag:s18], $0x2000  }
0x77: {  	[sflag:s18] =	ssyncset.done $0x0  }
0x78: {  	[sflag:s18] =	ssyncadd.s32 $0xFFFFE000  }
0x79: {  	[tilespmem:s20], [sflag:$0x3] =	stream.linear.gather [spmem:s9], $0x2000, $0x38;
	[tilespmem:$0x15400] =	vst v63  }
0x7a: {  	_ =	swait.ge [sflag:s18], $0x2000  }
0x7b: {  	[sflag:s18] =	ssyncset.done $0x0  }
0x7c: {  	[sflag:s18] =	ssyncadd.s32 $0xFFFFE000  }
0x7d: {  	[hbm4b:s14+s4] =	stream.linear.scatter [tilespmem:s20], [sflag:$0x3], $0x2000, $0x38;
	[tilespmem:$0x15400] =	vst v63  }
0x7e: {  	_ =	swait.ge [sflag:s18], $0x2000  }
0x7f: {  	[sflag:s18] =	ssyncset.done $0x0  }
0x80: {  	[sflag:s18] =	ssyncadd.s32 $0xFFFFE000  }
0x81: {  	[tilespmem:s20], [sflag:$0x3] =	stream.linear.gather [spmem:s10], $0x2000, $0x38;
	[tilespmem:$0x15400] =	vst v63  }
0x82: {  	_ =	swait.ge [sflag:s18], $0x2000  }
0x83: {  	[sflag:s18] =	ssyncset.done $0x0  }
0x84: {  	[sflag:s18] =	ssyncadd.s32 $0xFFFFE000  }
0x85: {  	[hbm4b:s15+s4] =	stream.linear.scatter [tilespmem:s20], [sflag:$0x3], $0x2000, $0x38;
	[tilespmem:$0x15400] =	vst v63  }
0x86: {  	_ =	swait.ge [sflag:s18], $0x2000  }
0x87: {  	[sflag:s18] =	ssyncset.done $0x0  }
0x88: {  	[sflag:s18] =	ssyncadd.s32 $0xFFFFE000  }
0x89: {  	[tilespmem:s20], [sflag:$0x3] =	stream.linear.gather [spmem:s11], $0x2000, $0x38;
	[tilespmem:$0x15400] =	vst v63  }
0x8a: {  	s26 =	sadd.s32 $0x1, s26;
	_ =	swait.ge [sflag:s18], $0x2000  }
0x8b: {  	p0 =	sne.s32 s26, s17;
	[sflag:s18] =	ssyncset.done $0x0  }
.Ltmp2:
0x8c: {  	[sflag:s18] =	ssyncadd.s32 $0xFFFFE000;
	(pc) =	sbr.rel @p0 .LBB2_1-.Ltmp2, $4  }
0x8d: {  	[hbm4b:s16+s4] =	stream.linear.scatter [tilespmem:s20], [sflag:$0x3], $0x2000, $0x38;
	[tilespmem:$0x15400] =	vst v63  }
0x8e: {  	_ =	swait.ge [sflag:s18], $0x2000  }
0x8f: {  	[sflag:s18] =	ssyncset.done $0x0  }
0x90: {  	[sflag:s18] =	ssyncadd.s32 $0xFFFFE000  }
0x91: {  	_ =	sfence.sel $0x180000  }
0x92: {  	[bflag:$0x0] =	sbarrier.arrive $0xFFFF  }
0x93: {  	p0 =	sne.s32 s0, $0x0;
	_ =	strace $0x9000004A  }
0x94: {  	s0 =	sadd.s32 @!p0 $0x100000, s2;
	[bflag:$0x2] =	sbarrier.arrive $0xFFFF  }
0x95: {  	[sflag:s0] =	ssyncadd.tile.s32 @!p0 $0x1;
	_ =	shalt  }
.Lfunc_end2:
_tile_overlayer_lowered:
.L_overlay_start_2:
0x96: {  	(tag) =	ssettag $0x2  }
0x97: {  	s0 =	rddreg [dreg:$0x0];
	s2 =	stileid.u32  }
0x98: {  	s1 =	rddreg [dreg:$0x1];
	p0 =	sne.s32 s2, $0x0  }
0x99: {  	s3 =	rddreg [dreg:$0x2];
	[bflag:$0x3] =	sbarrier.arrive $0xFFFF;
	s2 =	simm.s32 @!p0 $0x1C03  }
0x9a: {  	[timem:s3], [sflag:s2] =	dma.local @!p0 [hbm:s0], s1  }
0x9b: {  	s0 =	simm.s32 @!p0 $0x3  }
0x9c: {  	_ =	swait.ge @!p0 [sflag:s0], s1  }
0x9d: {  	s1 =	ssub.s32 @!p0 $0x0, s1;
	[sflag:s0] =	ssyncset.done @!p0 $0x0  }
0x9e: {  	[sflag:s0] =	ssyncadd.s32 @!p0 s1  }
0x9f: {  	[bflag:$0x3] =	sbarrier.arrive $0xFFFF  }
0xa0: {  	_ =	shalt  }

// kernel: kernel.16.cloned.1.call-start
scs
__scs_entry_jumppad:
0x0: {  	(pc) =	sbr.rel $0x88, $3  }
0x1: {  	(tag) =	ssettag $0x0;
	lr =	simm.s32 $0x1  }
0x2: {  	[smem:$0x3F92] =	sst lr;
	_ =	strace $0xD0000000  }
0x3: {  	_ = 	snop  }
0x4: {  	_ = 	snop  }
0x5: {  	_ = 	snop  }
0x6: {  	_ = 	snop  }
0x7: {  	_ = 	snop  }
__scs_overlays_trampoline_lowered:
0x8: {  	[smem:$0x3FA1] =	sst s0  }
0x9: {  	[smem:$0x3FA2] =	sst s1  }
0xa: {  	[smem:$0x3FA3] =	sst s2  }
0xb: {  	[smem:$0x3FA4] =	sst s3  }
0xc: {  	[smem:$0x3FA5] =	sst s4  }
0xd: {  	[smem:$0x3FA6] =	sst s5  }
0xe: {  	[smem:$0x3FA7] =	sst s6  }
0xf: {  	[smem:$0x3FA8] =	sst s7  }
0x10: {  	[smem:$0x3FA9] =	sst s8  }
0x11: {  	[smem:$0x3FAA] =	sst s9;
	s0 =	simm.s32 @!p0 $0x0  }
0x12: {  	s1 =	sld [smem:$0x3F90];
	s0 =	simm.s32 @p0 $0x1  }
0x13: {  	[smem:$0x3FAB] =	sst s0;
	s0 =	simm.s32 @!p1 $0x0  }
0x14: {  	s2 =	sld [smem:$0x3F8F];
	s0 =	simm.s32 @p1 $0x1  }
0x15: {  	[smem:$0x3FAC] =	sst s0;
	s0 =	simm.s32 @!p2 $0x0  }
0x16: {  	s3 =	sld [smem:$0x3FDB];
	s0 =	simm.s32 @p2 $0x1  }
0x17: {  	s4 =	simm.s32 $0x1BF5;
	[smem:$0x3FAE] =	sst s0  }
0x18: {  	s0 =	sld [smem:$0x3F91];
	_ =	swait.ge [sflag:s4], $0x0  }
0x19: {  	s7 =	sld [smem:$0x3F92]  }
0x1a: {  	s8 =	sadd.s32 $0xFFFFE003, lr  }
0x1b: {  	s9 =	sadd.s32 $0xFFFFFEF7, lr;
	s5 =	simm.s32 $0xFFFFFFFF;
	p2 =	slt.u32 s8, $0xFFFFF086  }
0x1c: {  	p1 =	slt.u32 s9, $0xF7A;
	s5 =	simm.s32 @!p2 $0x0  }
0x1d: {  	s5 =	simm.s32 @p1 $0x1;
	p0 =	seq.s32 s7, s2  }
0x1e: {  	s7 =	smul.u32 @!p0 $0xF7A, s2;
	p2 =	seq.s32 @!p0 s5, $0x0  }
0x1f: {  	s9 =	smul.u32 $0xF7A, s1;
	s8 =	simm.s32 @!p0 $0x1BF5;
	p2 =	por !p2, p0  }
0x20: {  	[sflag:s8] =	ssyncset.s32 @!p0 $0xFFFFF086;
	s6 =	sadd.s32 @!p0 s3, s7;
	s7 =	simm.s32 @!p0 $0x108  }
0x21: {  	s3 =	sadd.s32 s3, s9;
	s6 =	sadd.s32 @!p0 $0x88, s6;
	s7 =	simm.s32 @p2 $0x1082  }
0x22: {  	[simem:s7], [sflag:s8] =	dma.local @!p0 [hbm:s6], $0xF7A  }
0x23: {  	s9 =	sor.u32 $0xD0000000, s2;
	s6 =	simm.s32 $0x108;
	_ =	swait.ge @!p0 [sflag:s8], $0x0  }
0x24: {  	s3 =	sadd.s32 $0x88, s3;
	s6 =	simm.s32 @!p1 $0x1082;
	[sflag:s4] =	ssyncset.s32 $0xFFFFF086  }
0x25: {  	[simem:s6], [sflag:s4] =	dma.local [hbm:s3], $0xF7A  }
0x26: {  	[smem:$0x3F92] =	sst s1;
	(tag) =	ssettag s2;
	_ =	strace s9  }
0x27: {  	s1 =	sld [smem:$0x3FA2]  }
0x28: {  	s2 =	sld [smem:$0x3FA3]  }
0x29: {  	s4 =	sld [smem:$0x3FA5]  }
0x2a: {  	p0 =	seq.s32 s5, $0x0;
	s5 =	sld [smem:$0x3FA6]  }
0x2b: {  	s6 =	sld [smem:$0x3FA7]  }
0x2c: {  	s7 =	sld [smem:$0x3FA8]  }
0x2d: {  	s3 =	simm.s32 $0x108;
	s8 =	sld [smem:$0x3FA9]  }
0x2e: {  	s3 =	simm.s32 @!p0 $0x1082;
	s9 =	sld [smem:$0x3FAA]  }
0x2f: {  	lr =	sadd.s32 s0, s3;
	s0 =	sld [smem:$0x3FA1]  }
0x30: {  	s3 =	sld [smem:$0x3FA4]  }
0x31: {  	[smem:$0x3FAD] =	sst s10  }
0x32: {  	s10 =	sld [smem:$0x3FAB];
	_ =	sdelay $0x3  }
0x33: {  	p0 =	seq.s32 s10, $0x1;
	s10 =	sld [smem:$0x3FAD];
	_ =	sdelay $0x3  }
0x34: {  	[smem:$0x3FAD] =	sst s10  }
0x35: {  	s10 =	sld [smem:$0x3FAC];
	_ =	sdelay $0x3  }
0x36: {  	p1 =	seq.s32 s10, $0x1;
	s10 =	sld [smem:$0x3FAD];
	_ =	sdelay $0x3  }
0x37: {  	[smem:$0x3FAD] =	sst s10  }
0x38: {  	s10 =	sld [smem:$0x3FAE]  }
0x39: {  	_ = 	snop;
	(pc) =	sbr.ind lr, $3  }
0x3a: {  	_ = 	snop  }
0x3b: {  	_ = 	snop  }
0x3c: {  	p2 =	seq.s32 s10, $0x1;
	s10 =	sld [smem:$0x3FAD]  }
0x3d: {  	_ =	shalt  }
0x3e: {  	_ =	shalt  }
0x3f: {  	_ =	shalt  }
0x40: {  	_ =	shalt  }
0x41: {  	_ =	shalt  }
0x42: {  	_ =	shalt  }
0x43: {  	_ =	shalt  }
0x44: {  	_ =	shalt  }
0x45: {  	_ =	shalt  }
0x46: {  	_ =	shalt  }
0x47: {  	_ =	shalt  }
0x48: {  	_ =	shalt  }
0x49: {  	_ =	shalt  }
0x4a: {  	_ =	shalt  }
0x4b: {  	_ =	shalt  }
0x4c: {  	_ =	shalt  }
0x4d: {  	_ =	shalt  }
0x4e: {  	_ =	shalt  }
0x4f: {  	_ =	shalt  }
0x50: {  	_ =	shalt  }
0x51: {  	_ =	shalt  }
0x52: {  	_ =	shalt  }
0x53: {  	_ =	shalt  }
0x54: {  	_ =	shalt  }
0x55: {  	_ =	shalt  }
0x56: {  	_ =	shalt  }
0x57: {  	_ =	shalt  }
0x58: {  	_ =	shalt  }
0x59: {  	_ =	shalt  }
0x5a: {  	_ =	shalt  }
0x5b: {  	_ =	shalt  }
0x5c: {  	_ =	shalt  }
0x5d: {  	_ =	shalt  }
0x5e: {  	_ =	shalt  }
0x5f: {  	_ =	shalt  }
0x60: {  	_ =	shalt  }
0x61: {  	_ =	shalt  }
0x62: {  	_ =	shalt  }
0x63: {  	_ =	shalt  }
0x64: {  	_ =	shalt  }
0x65: {  	_ =	shalt  }
0x66: {  	_ =	shalt  }
0x67: {  	_ =	shalt  }
0x68: {  	_ =	shalt  }
0x69: {  	_ =	shalt  }
0x6a: {  	_ =	shalt  }
0x6b: {  	_ =	shalt  }
0x6c: {  	_ =	shalt  }
0x6d: {  	_ =	shalt  }
0x6e: {  	_ =	shalt  }
0x6f: {  	_ =	shalt  }
0x70: {  	_ =	shalt  }
0x71: {  	_ =	shalt  }
0x72: {  	_ =	shalt  }
0x73: {  	_ =	shalt  }
0x74: {  	_ =	shalt  }
0x75: {  	_ =	shalt  }
0x76: {  	_ =	shalt  }
0x77: {  	_ =	shalt  }
0x78: {  	_ =	shalt  }
0x79: {  	_ =	shalt  }
0x7a: {  	_ =	shalt  }
0x7b: {  	_ =	shalt  }
0x7c: {  	_ =	shalt  }
0x7d: {  	_ =	shalt  }
0x7e: {  	_ =	shalt  }
0x7f: {  	_ =	shalt  }
0x80: {  	_ =	shalt  }
0x81: {  	_ =	shalt  }
0x82: {  	_ =	shalt  }
0x83: {  	_ =	shalt  }
0x84: {  	_ =	shalt  }
0x85: {  	_ =	shalt  }
0x86: {  	_ =	shalt  }
0x87: {  	_ =	shalt  }
.Lfunc_end0:
.L_simem_size_0:
called_computation.2_lowered:
.L_overlay_start_0:
0x88: {  	s2 =	sld [smem:$0x3FD9]  }
0x89: {  	s3 =	sld [smem:$0x3FFE];
	_ =	sdelay $0x1  }
0x8a: {  	s1 =	srdreg.scid  }
0x8b: {  	s0 =	sand.u32 $0x1, s1  }
0x8c: {  	s17 =	sshll.u32 s0, $0xA;
	s2 =	sadd.s32 s3, s2  }
0x8d: {  	s2 =	sadd.s32 s2, s17  }
0x8e: {  	[smem:$0x3FB9] =	sst s2  }
0x8f: {  	_ = 	snop  }
0x90: {  	s2 =	sld [smem:$0x3FD0];
	(tm) =	ssettm $0x1  }
0x91: {  	s18 =	sld [smem:$0x3FFB];
	_ =	sdelay $0x3  }
0x92: {  	_ =	strace s18  }
0x93: {  	s3 =	sld [smem:$0x3FFC];
	_ =	sdelay $0x3  }
0x94: {  	_ =	strace s3  }
0x95: {  	s3 =	sld [smem:$0x3FFD];
	_ =	sdelay $0x3  }
0x96: {  	_ =	strace s3  }
0x97: {  	_ =	strace $0x8FFFFFFF  }
0x98: {  	s19 =	sld [smem:$0x3FDB];
	_ =	sdelay $0x1  }
0x99: {  	s4 =	simm.s32 $_scs_section_size  }
0x9a: {  	s5 =	simm.s32 $_size__tile_overlayer_lowered;
	s6 =	simm.s32 $_tile_overlayer_lowered  }
0x9b: {  	s22 =	simm.s32 $0x1BFF;
	s21 =	sshll.u32 s6, $0x1;
	s3 =	sadd.s32 s4, s19  }
0x9c: {  	s7 =	simm.s32 $0x0;
	s20 =	sshll.u32 s5, $0x1;
	s5 =	sadd.s32 s21, s3  }
0x9d: {  	[timem:s7], [sflag:s22] =	dma.local [hbm:s5], s20  }
0x9e: {  	_ =	swait.ge [sflag:s22], s20  }
0x9f: {  	s4 =	ssub.s32 $0x0, s20;
	[sflag:s22] =	ssyncset.done $0x0  }
0xa0: {  	[sflag:s22] =	ssyncadd.s32 s4;
	_ =	sdelay $0x1  }
0xa1: {  	s23 =	simm.s32 $0x1B8B  }
0xa2: {  	_ =	swait.ge [sflag:s23], $0x1  }
0xa3: {  	[sflag:s23] =	ssyncset.done $0x0  }
0xa4: {  	s25 =	simm.s32 $0x1B8E;
	s24 =	sld [smem:$0x3FFE];
	[sflag:s23] =	ssyncadd.s32 $0xFFFFFFFF  }
0xa5: {  	s26 =	simm.s32 $execute0_lowered;
	[smem:$0x3FD2] =	sst s25  }
0xa6: {  	s5 =	sshll.u32 s26, $0x1;
	_ =	strace $0x8000004C;
	[dreg:$0x1] =	wrdreg $0xFFFFFFFF  }
0xa7: {  	s28 =	simm.s32 $_size_execute0_lowered;
	s3 =	sadd.s32 s3, s5;
	[dreg:$0x0] =	wrdreg $0x0  }
0xa8: {  	s5 =	sshll.u32 s28, $0x1;
	[dreg:$0x2] =	wrdreg s3  }
0xa9: {  	[dreg:$0x3] =	wrdreg s5  }
0xaa: {  	[dreg:$0x4] =	wrdreg $0xC0  }
0xab: {  	_ =	task [dreg:s7], $0x5FFFF  }
0xac: {  	[dreg:$0x1] =	wrdreg $0xFFFFFFFF  }
0xad: {  	[dreg:$0x0] =	wrdreg $0x60  }
0xae: {  	[dreg:$0x2] =	wrdreg s2  }
0xaf: {  	[dreg:$0x3] =	wrdreg s24  }
0xb0: {  	[dreg:$0x4] =	wrdreg $0xB4000  }
0xb1: {  	[dreg:$0x5] =	wrdreg $0x9  }
0xb2: {  	_ =	task.clear_ibuf [dreg:s7], $0x6FFFF;
	_ =	strace $0x9000004C  }
0xb3: {  	s29 =	simm.s32 $0x9;
	_ =	strace $0x8000004E  }
0xb4: {  	_ =	swait.ge [sflag:s29], $0x1  }
0xb5: {  	[sflag:s29] =	ssyncadd.s32 $0xFFFFFFFF  }
0xb6: {  	_ =	strace $0x9000004E  }
0xb7: {  	_ =	sfence  }
0xb8: {  	s30 =	sld [smem:$0x0];
	_ =	sdelay $0x2  }
0xb9: {  	s31 =	sshll.u32 s1, $0xD;
	s1 =	sshrl.u32 s1, $0x2  }
0xba: {  	s3 =	sand.u32 $0x4000, s31;
	s1 =	sadd.s32 s1, s30  }
0xbb: {  	s0 =	sor.u32 s3, s0;
	s1 =	sshll.u32 s1, $0x11  }
0xbc: {  	s0 =	sor.u32 s1, s0  }
0xbd: {  	s0 =	sadd.s32 $0x8F2B, s0  }
0xbe: {  	[sflag:s0] =	ssyncadd.remote.s32 $0x1  }
0xbf: {  	_ =	sfence.sel $0xFFFF  }
0xc0: {  	[dreg:$0x0] =	wrdreg $0xFFFFFFFF;
	(pc) =	sbr.abs _section_cstart, $3  }
0xc1: {  	[dreg:$0x1] =	wrdreg $0xFFFFFFFF  }
0xc2: {  	_ =	task.clear_ibuf [dreg:s7], $0x2FFFF;
	_ =	strace $0x9FFFFFFF  }
0xc3: {  	(tm) =	ssettm $0x7FFFFFFF  }
tec
execute0_lowered:
.L_overlay_start_1:
0x0: {  	(tag) =	ssettag $0x1  }
0x1: {  	s1 =	rddreg [dreg:$0x0]  }
0x2: {  	s5 =	rddreg [dreg:$0x1]  }
0x3: {  	s0 =	srdreg.scid;
	s3 =	rddreg [dreg:$0x2]  }
0x4: {  	s4 =	simm.s32 $0x0;
	s21 =	simm.s32 $0x80;
	s22 =	simm.s32 $0x5400  }
0x5: {  	s23 =	simm.s32 $0x7400;
	s9 =	sand.u32 $0x1, s0;
	s0 =	stileid.u32  }
0x6: {  	[smem:$0x7FF] =	sst s4;
	s16 =	sadd.s32 $0x18200, s5;
	s11 =	smul.u32 $0x280, s0  }
0x7: {  	s2 =	sshll.u32 s9, $0x4;
	s8 =	ssub.s32 $0x2, s9;
	s12 =	smul.u32 $0x28000, s0  }
0x8: {  	s18 =	smul.u32 $0x2800, s9;
	s6 =	sor.u32 s0, s2;
	s2 =	rddreg [dreg:$0x3]  }
0x9: {  	_ =	strace $0x8000004D;
	s10 =	sshrl.u32 s8, $0x1;
	s7 =	smul.u32 $0x580, s6  }
0xa: {  	s6 =	smul.u32 $0x500, s6;
	s17 =	ssub.s32 s8, s10;
	s24 =	sshrl.u32 s12, $0x2  }
0xb: {  	s25 =	sadd.s32 $0x80, s11;
	s14 =	sadd.s32 $0x100, s11;
	s15 =	sadd.s32 $0x180, s11  }
0xc: {  	s19 =	sadd.s32 $0x200, s11;
	s20 =	sadd.s32 s11, s18;
	s26 =	sshll.u32 s25, $0x6  }
0xd: {  	s28 =	sshll.u32 s14, $0x6;
	s13 =	sshll.u32 s15, $0x6;
	s29 =	sshll.u32 s19, $0x6  }
0xe: {  	s12 =	sadd.s32 s18, s25;
	s30 =	sshll.u32 s20, $0x3;
	s14 =	sadd.s32 s18, s14  }
0xf: {  	s15 =	sadd.s32 s18, s15;
	s18 =	sadd.s32 s18, s19;
	s17 =	smax.u32 s17, $0x1  }
0x10: {  	s19 =	simm.s32 $0x2C00;
	s20 =	simm.s32 $0x9400;
	s25 =	simm.s32 $0x2  }
0x11: {  	s7 =	sadd.s32 s7, s5;
	s6 =	sadd.s32 s6, s5;
	s8 =	sadd.s32 s26, s3  }
0x12: {  	s9 =	sadd.s32 s28, s3;
	s10 =	sadd.s32 s13, s3;
	s11 =	sadd.s32 s29, s3  }
0x13: {  	s31 =	sshll.u32 s12, $0x3;
	s12 =	sadd.s32 s16, s30;
	s14 =	sshll.u32 s14, $0x3  }
0x14: {  	s15 =	sshll.u32 s15, $0x3;
	s18 =	sshll.u32 s18, $0x3;
	s26 =	simm.s32 $0x0  }
0x15: {  	s5 =	sadd.s32 $0xD200, s7;
	s6 =	sadd.s32 $0x3200, s6;
	s7 =	sadd.s32 s24, s3  }
0x16: {  	s13 =	sadd.s32 s16, s31;
	s14 =	sadd.s32 s16, s14;
	s15 =	sadd.s32 s16, s15  }
0x17: {  	v0 =	vimm.bf16 $0.0e+00;
	s16 =	sadd.s32 s16, s18;
	s18 =	simm.s32 $0x3;
	s24 =	simm.s32 $0x1  }
.LBB2_1:
0x18: {  	[tilespmem:s4], [sflag:$0x3] =	stream.linear.gather [hbm4b:s5+s4], $0x2C00, $0x38;
	[tilespmem:$0x15400] =	vst v63  }
0x19: {  	_ =	swait.ge [sflag:s18], $0x2C00  }
0x1a: {  	[sflag:s18] =	ssyncset.done $0x0  }
0x1b: {  	[sflag:s18] =	ssyncadd.s32 $0xFFFFD400  }
0x1c: {  	[tilespmem:s19], [sflag:$0x3] =	stream.linear.gather [hbm4b:s6+s4], $0x2800, $0x38;
	[tilespmem:$0x15400] =	vst v63  }
0x1d: {  	_ =	swait.ge [sflag:s18], $0x2800  }
0x1e: {  	[sflag:s18] =	ssyncset.done $0x0  }
0x1f: {  	s29 =	simm.s32 $0x100;
	s28 =	simm.s32 $0x0;
	[sflag:s18] =	ssyncadd.s32 $0xFFFFD800  }
.LBB2_2:
0x20: {  	p0 =	sne.s32 s29, $0x7F00;
	[tilespmem:s28+$0x9430] =	vst v0;
	s30 =	smov.u32 s29;
	s29 =	sadd.s32 $0x100, s29  }
.Ltmp0:
0x21: {  	[tilespmem:s28+$0x9420] =	vst v0;
	(pc) =	sbr.rel @p0 .LBB2_2-.Ltmp0, $3  }
0x22: {  	[tilespmem:s28+$0x9400] =	vst v0  }
0x23: {  	[tilespmem:s28+$0x9410] =	vst v0;
	_ =	sdelay $0x1  }
0x24: {  	s28 =	sshra.s32 s30, $0x2  }
0x25: {  	[tilespmem:s28+$0x9430] =	vst v0  }
0x26: {  	[tilespmem:s28+$0x9420] =	vst v0  }
0x27: {  	[tilespmem:s28+$0x9400] =	vst v0  }
0x28: {  	[tilespmem:s28+$0x9410] =	vst v0  }
0x29: {  	[spmem:s7] =	stream.linear.scatter [tilespmem:s20], [sflag:$0x3], $0x2000, $0x38;
	[tilespmem:$0x15400] =	vst v63  }
0x2a: {  	_ =	swait.ge [sflag:s18], $0x2000  }
0x2b: {  	[sflag:s18] =	ssyncset.done $0x0  }
0x2c: {  	[sflag:s18] =	ssyncadd.s32 $0xFFFFE000  }
0x2d: {  	[spmem:s8] =	stream.linear.scatter [tilespmem:s20], [sflag:$0x3], $0x2000, $0x38;
	[tilespmem:$0x15400] =	vst v63  }
0x2e: {  	_ =	swait.ge [sflag:s18], $0x2000  }
0x2f: {  	[sflag:s18] =	ssyncset.done $0x0  }
0x30: {  	[sflag:s18] =	ssyncadd.s32 $0xFFFFE000  }
0x31: {  	[spmem:s9] =	stream.linear.scatter [tilespmem:s20], [sflag:$0x3], $0x2000, $0x38;
	[tilespmem:$0x15400] =	vst v63  }
0x32: {  	_ =	swait.ge [sflag:s18], $0x2000  }
0x33: {  	[sflag:s18] =	ssyncset.done $0x0  }
0x34: {  	[sflag:s18] =	ssyncadd.s32 $0xFFFFE000  }
0x35: {  	[spmem:s10] =	stream.linear.scatter [tilespmem:s20], [sflag:$0x3], $0x2000, $0x38;
	[tilespmem:$0x15400] =	vst v63  }
0x36: {  	_ =	swait.ge [sflag:s18], $0x2000  }
0x37: {  	[sflag:s18] =	ssyncset.done $0x0  }
0x38: {  	[sflag:s18] =	ssyncadd.s32 $0xFFFFE000  }
0x39: {  	[spmem:s11] =	stream.linear.scatter [tilespmem:s20], [sflag:$0x3], $0x2000, $0x38;
	[tilespmem:$0x15400] =	vst v63  }
0x3a: {  	_ =	swait.ge [sflag:s18], $0x2000  }
0x3b: {  	[sflag:s18] =	ssyncset.done $0x0  }
0x3c: {  	[sflag:s18] =	ssyncadd.s32 $0xFFFFE000  }
0x3d: {  	s28 =	simm.s32 $0x0;
	[bflag:$0x0] =	sbarrier.arrive $0xFFFF  }
0x3e: {  	[tilespmem:s22], [sflag:$0x1] =	stream.indirect.gather [hbm4b:s1+s21], $0x40, s28, s21, $0xb8;
	[tilespmem:$0x15400] =	vst v63  }
0x3f: {  	_ = 	snop  }
0x40: {  	[tilespmem:s23], [sflag:$0x2] =	stream.indirect.gather [hbm4b:s1+s21], $0x40, s21, s21, $0xb8;
	[tilespmem:$0x15400] =	vst v63  }
0x41: {  	_ =	swait.ge [sflag:s24], $0x2000  }
0x42: {  	[sflag:s24] =	ssyncset.done $0x0  }
0x43: {  	s28 =	simm.s32 $0x2C00;
	[sflag:s24] =	ssyncadd.s32 $0xFFFFE000  }
0x44: {  	[spmem:s3] =	stream.indirect.scatter.add.bf16 [tilespmem:s22], [sflag:$0x3], $0x40, s28, s21, $0xb8;
	[tilespmem:$0x15400] =	vst v63  }
0x45: {  	_ =	swait.ge [sflag:s18], $0x2000  }
0x46: {  	[sflag:s18] =	ssyncset.done $0x0  }
0x47: {  	s28 =	simm.s32 $0x100;
	[sflag:s18] =	ssyncadd.s32 $0xFFFFE000  }
0x48: {  	[tilespmem:s22], [sflag:$0x1] =	stream.indirect.gather [hbm4b:s1+s21], $0x40, s28, s21, $0xb8;
	[tilespmem:$0x15400] =	vst v63  }
0x49: {  	_ =	swait.ge [sflag:s25], $0x2000  }
0x4a: {  	[sflag:s25] =	ssyncset.done $0x0  }
0x4b: {  	s28 =	simm.s32 $0x2C80;
	[sflag:s25] =	ssyncadd.s32 $0xFFFFE000  }
0x4c: {  	[spmem:s3] =	stream.indirect.scatter.add.bf16 [tilespmem:s23], [sflag:$0x3], $0x40, s28, s21, $0xb8;
	[tilespmem:$0x15400] =	vst v63  }
0x4d: {  	_ =	swait.ge [sflag:s18], $0x2000  }
0x4e: {  	[sflag:s18] =	ssyncset.done $0x0  }
0x4f: {  	s29 =	simm.s32 $0x180;
	s28 =	simm.s32 $0x400;
	[sflag:s18] =	ssyncadd.s32 $0xFFFFE000  }
.LBB2_4:
0x50: {  	[tilespmem:s23], [sflag:$0x2] =	stream.indirect.gather [hbm4b:s1+s21], $0x40, s29, s21, $0xb8;
	[tilespmem:$0x15400] =	vst v63  }
0x51: {  	s29 =	smov.u32 s28  }
0x52: {  	p0 =	sne.s32 s28, $0x9C00;
	s28 =	sadd.s32 $0x400, s28;
	_ =	swait.ge [sflag:s24], $0x2000  }
0x53: {  	s29 =	sshra.s32 s29, $0x2;
	[sflag:s24] =	ssyncset.done $0x0  }
0x54: {  	s30 =	sadd.s32 $0x2C00, s29;
	[sflag:s24] =	ssyncadd.s32 $0xFFFFE000  }
0x55: {  	[spmem:s3] =	stream.indirect.scatter.add.bf16 [tilespmem:s22], [sflag:$0x3], $0x40, s30, s21, $0xb8;
	[tilespmem:$0x15400] =	vst v63  }
0x56: {  	_ =	swait.ge [sflag:s18], $0x2000  }
0x57: {  	[sflag:s18] =	ssyncset.done $0x0  }
0x58: {  	s30 =	sadd.s32 $0x100, s29;
	[sflag:s18] =	ssyncadd.s32 $0xFFFFE000  }
0x59: {  	[tilespmem:s22], [sflag:$0x1] =	stream.indirect.gather [hbm4b:s1+s21], $0x40, s30, s21, $0xb8;
	[tilespmem:$0x15400] =	vst v63  }
0x5a: {  	_ =	swait.ge [sflag:s25], $0x2000  }
0x5b: {  	[sflag:s25] =	ssyncset.done $0x0  }
.Ltmp1:
0x5c: {  	s30 =	sadd.s32 $0x2C80, s29;
	[sflag:s25] =	ssyncadd.s32 $0xFFFFE000;
	(pc) =	sbr.rel @p0 .LBB2_4-.Ltmp1, $4  }
0x5d: {  	[spmem:s3] =	stream.indirect.scatter.add.bf16 [tilespmem:s23], [sflag:$0x3], $0x40, s30, s21, $0xb8;
	[tilespmem:$0x15400] =	vst v63  }
0x5e: {  	_ =	swait.ge [sflag:s18], $0x2000  }
0x5f: {  	[sflag:s18] =	ssyncset.done $0x0  }
0x60: {  	s29 =	sadd.s32 $0x180, s29;
	[sflag:s18] =	ssyncadd.s32 $0xFFFFE000  }
0x61: {  	[tilespmem:s23], [sflag:$0x2] =	stream.indirect.gather [hbm4b:s1+s21], $0x40, s29, s21, $0xb8;
	[tilespmem:$0x15400] =	vst v63  }
0x62: {  	_ =	swait.ge [sflag:s24], $0x2000  }
0x63: {  	[sflag:s24] =	ssyncset.done $0x0  }
0x64: {  	[sflag:s24] =	ssyncadd.s32 $0xFFFFE000  }
0x65: {  	_ =	swait.ge [sflag:s25], $0x2000  }
0x66: {  	[sflag:s25] =	ssyncset.done $0x0  }
0x67: {  	[sflag:s25] =	ssyncadd.s32 $0xFFFFE000  }
0x68: {  	[bflag:$0x0] =	sbarrier.arrive $0xFFFF  }
0x69: {  	[tilespmem:s20], [sflag:$0x3] =	stream.linear.gather [spmem:s7], $0x2000, $0x38;
	[tilespmem:$0x15400] =	vst v63  }
0x6a: {  	_ =	swait.ge [sflag:s18], $0x2000  }
0x6b: {  	[sflag:s18] =	ssyncset.done $0x0  }
0x6c: {  	[sflag:s18] =	ssyncadd.s32 $0xFFFFE000  }
0x6d: {  	[hbm4b:s12+s4] =	stream.linear.scatter [tilespmem:s20], [sflag:$0x3], $0x2000, $0x38;
	[tilespmem:$0x15400] =	vst v63  }
0x6e: {  	_ =	swait.ge [sflag:s18], $0x2000  }
0x6f: {  	[sflag:s18] =	ssyncset.done $0x0  }
0x70: {  	[sflag:s18] =	ssyncadd.s32 $0xFFFFE000  }
0x71: {  	[tilespmem:s20], [sflag:$0x3] =	stream.linear.gather [spmem:s8], $0x2000, $0x38;
	[tilespmem:$0x15400] =	vst v63  }
0x72: {  	_ =	swait.ge [sflag:s18], $0x2000  }
0x73: {  	[sflag:s18] =	ssyncset.done $0x0  }
0x74: {  	[sflag:s18] =	ssyncadd.s32 $0xFFFFE000  }
0x75: {  	[hbm4b:s13+s4] =	stream.linear.scatter [tilespmem:s20], [sflag:$0x3], $0x2000, $0x38;
	[tilespmem:$0x15400] =	vst v63  }
0x76: {  	_ =	swait.ge [sflag:s18], $0x2000  }
0x77: {  	[sflag:s18] =	ssyncset.done $0x0  }
0x78: {  	[sflag:s18] =	ssyncadd.s32 $0xFFFFE000  }
0x79: {  	[tilespmem:s20], [sflag:$0x3] =	stream.linear.gather [spmem:s9], $0x2000, $0x38;
	[tilespmem:$0x15400] =	vst v63  }
0x7a: {  	_ =	swait.ge [sflag:s18], $0x2000  }
0x7b: {  	[sflag:s18] =	ssyncset.done $0x0  }
0x7c: {  	[sflag:s18] =	ssyncadd.s32 $0xFFFFE000  }
0x7d: {  	[hbm4b:s14+s4] =	stream.linear.scatter [tilespmem:s20], [sflag:$0x3], $0x2000, $0x38;
	[tilespmem:$0x15400] =	vst v63  }
0x7e: {  	_ =	swait.ge [sflag:s18], $0x2000  }
0x7f: {  	[sflag:s18] =	ssyncset.done $0x0  }
0x80: {  	[sflag:s18] =	ssyncadd.s32 $0xFFFFE000  }
0x81: {  	[tilespmem:s20], [sflag:$0x3] =	stream.linear.gather [spmem:s10], $0x2000, $0x38;
	[tilespmem:$0x15400] =	vst v63  }
0x82: {  	_ =	swait.ge [sflag:s18], $0x2000  }
0x83: {  	[sflag:s18] =	ssyncset.done $0x0  }
0x84: {  	[sflag:s18] =	ssyncadd.s32 $0xFFFFE000  }
0x85: {  	[hbm4b:s15+s4] =	stream.linear.scatter [tilespmem:s20], [sflag:$0x3], $0x2000, $0x38;
	[tilespmem:$0x15400] =	vst v63  }
0x86: {  	_ =	swait.ge [sflag:s18], $0x2000  }
0x87: {  	[sflag:s18] =	ssyncset.done $0x0  }
0x88: {  	[sflag:s18] =	ssyncadd.s32 $0xFFFFE000  }
0x89: {  	[tilespmem:s20], [sflag:$0x3] =	stream.linear.gather [spmem:s11], $0x2000, $0x38;
	[tilespmem:$0x15400] =	vst v63  }
0x8a: {  	s26 =	sadd.s32 $0x1, s26;
	_ =	swait.ge [sflag:s18], $0x2000  }
0x8b: {  	p0 =	sne.s32 s26, s17;
	[sflag:s18] =	ssyncset.done $0x0  }
.Ltmp2:
0x8c: {  	[sflag:s18] =	ssyncadd.s32 $0xFFFFE000;
	(pc) =	sbr.rel @p0 .LBB2_1-.Ltmp2, $4  }
0x8d: {  	[hbm4b:s16+s4] =	stream.linear.scatter [tilespmem:s20], [sflag:$0x3], $0x2000, $0x38;
	[tilespmem:$0x15400] =	vst v63  }
0x8e: {  	_ =	swait.ge [sflag:s18], $0x2000  }
0x8f: {  	[sflag:s18] =	ssyncset.done $0x0  }
0x90: {  	[sflag:s18] =	ssyncadd.s32 $0xFFFFE000  }
0x91: {  	_ =	sfence.sel $0x180000  }
0x92: {  	[bflag:$0x0] =	sbarrier.arrive $0xFFFF  }
0x93: {  	p0 =	sne.s32 s0, $0x0;
	_ =	strace $0x9000004D  }
0x94: {  	s0 =	sadd.s32 @!p0 $0x100000, s2;
	[bflag:$0x2] =	sbarrier.arrive $0xFFFF  }
0x95: {  	[sflag:s0] =	ssyncadd.tile.s32 @!p0 $0x1;
	_ =	shalt  }
.Lfunc_end2:
_tile_overlayer_lowered:
.L_overlay_start_2:
0x96: {  	(tag) =	ssettag $0x2  }
0x97: {  	s0 =	rddreg [dreg:$0x0];
	s2 =	stileid.u32  }
0x98: {  	s1 =	rddreg [dreg:$0x1];
	p0 =	sne.s32 s2, $0x0  }
0x99: {  	s3 =	rddreg [dreg:$0x2];
	[bflag:$0x3] =	sbarrier.arrive $0xFFFF;
	s2 =	simm.s32 @!p0 $0x1C03  }
0x9a: {  	[timem:s3], [sflag:s2] =	dma.local @!p0 [hbm:s0], s1  }
0x9b: {  	s0 =	simm.s32 @!p0 $0x3  }
0x9c: {  	_ =	swait.ge @!p0 [sflag:s0], s1  }
0x9d: {  	s1 =	ssub.s32 @!p0 $0x0, s1;
	[sflag:s0] =	ssyncset.done @!p0 $0x0  }
0x9e: {  	[sflag:s0] =	ssyncadd.s32 @!p0 s1  }
0x9f: {  	[bflag:$0x3] =	sbarrier.arrive $0xFFFF  }
0xa0: {  	_ =	shalt  }

</sc_bundles>
